<compile_context>
chip_gen: v7x
topology: tpu7x:2x2x1
jax: 0.10.2.dev20260603
libtpu: 0.0.44.dev20260713+nightly
codegen_flags: <defaults>
</compile_context>

<pallas_src>
import functools

import jax
import jax.numpy as jnp
from jax import lax
from jax.experimental import pallas as pl
from jax.experimental.pallas import tpu as pltpu
from jax.experimental.pallas import tpu_sc as plsc

_B = 4096
_TOTAL_BITS = 1024
_NUM_NEURONS = 1024
_N_BITS = 14
_MEM_SIZE = 1 << _N_BITS

_BM = 512
_FLAT = _B * _NUM_NEURONS
_SR = 8 * _MEM_SIZE
_SLOTS_SR = 8 * _B
_NPASS = 16
_GRP = 4
_SHW = _GRP * _SR
_CH = _GRP * _SLOTS_SR // 16


def _addr_body(bits_ref, conn_ref, out_ref, whi_ref, wlo_ref, nb_ref):
    @pl.when(pl.program_id(0) == 0)
    def _build_w():
        t = lax.broadcasted_iota(jnp.int32, (_NUM_NEURONS, _TOTAL_BITS), 1)
        hi = jnp.zeros((_NUM_NEURONS, _TOTAL_BITS), jnp.float32)
        lo = jnp.zeros((_NUM_NEURONS, _TOTAL_BITS), jnp.float32)
        for k in range(7):
            c = conn_ref[:, k : k + 1]
            hi = hi + jnp.where(t == c, jnp.float32(1024 << (6 - k)), 0.0)
        for k in range(7, _N_BITS):
            c = conn_ref[:, k : k + 1]
            lo = lo + jnp.where(t == c, jnp.float32(1 << (_N_BITS - 1 - k)), 0.0)
        whi_ref[:] = hi.astype(jnp.bfloat16)
        wlo_ref[:] = lo.astype(jnp.bfloat16)
        nn = lax.broadcasted_iota(jnp.int32, (_NUM_NEURONS, 128), 0)
        nb_ref[:] = ((nn >> 3) & (_GRP - 1)) * _SR + (nn & 7) * 128

    bits = (bits_ref[:] != 0).astype(jnp.bfloat16)
    bt = bits.T
    hi = jnp.dot(whi_ref[:], bt, preferred_element_type=jnp.float32)
    lo = jnp.dot(wlo_ref[:], bt, preferred_element_type=jnp.float32)
    out_ref[:] = (hi + lo).astype(jnp.int32) + nb_ref[:, 0:1]


def _addresses_t(input_bits, conn_p):
    return pl.pallas_call(
        _addr_body,
        grid=(_B // _BM,),
        in_specs=[
            pl.BlockSpec((_BM, _TOTAL_BITS), lambda i: (i, 0)),
            pl.BlockSpec((_NUM_NEURONS, 16), lambda i: (0, 0)),
        ],
        out_specs=pl.BlockSpec((_NUM_NEURONS, _BM), lambda i: (0, i)),
        out_shape=jax.ShapeDtypeStruct((_NUM_NEURONS, _B), jnp.int32),
        scratch_shapes=[
            pltpu.VMEM((_NUM_NEURONS, _TOTAL_BITS), jnp.bfloat16),
            pltpu.VMEM((_NUM_NEURONS, _TOTAL_BITS), jnp.bfloat16),
            pltpu.VMEM((_NUM_NEURONS, 128), jnp.int32),
        ],
    )(input_bits, conn_p)


def _tr_body(in_ref, out_ref):
    out_ref[:] = in_ref[:].T


def _transpose_nb_to_bn(out_t):
    return pl.pallas_call(
        _tr_body,
        grid=(_B // _BM,),
        in_specs=[pl.BlockSpec((_NUM_NEURONS, _BM), lambda i: (0, i))],
        out_specs=pl.BlockSpec((_BM, _NUM_NEURONS), lambda i: (i, 0)),
        out_shape=jax.ShapeDtypeStruct((_B, _NUM_NEURONS), jnp.float32),
    )(out_t)


@functools.lru_cache(maxsize=1)
def _make_gather():
    mesh = plsc.VectorSubcoreMesh(core_axis_name="c", subcore_axis_name="s")

    @functools.partial(
        pl.kernel,
        mesh=mesh,
        out_type=jax.ShapeDtypeStruct((_FLAT,), jnp.float32),
        scratch_types=[
            pltpu.VMEM_SHARED((_SHW,), jnp.float32),
            pltpu.VMEM_SHARED((_SHW,), jnp.float32),
            pltpu.VMEM((_CH,), jnp.int32),
            pltpu.VMEM((_CH,), jnp.int32),
            pltpu.VMEM((_CH,), jnp.float32),
            pltpu.VMEM((_CH,), jnp.float32),
            pltpu.SemaphoreType.DMA,
            pltpu.SemaphoreType.DMA,
            pltpu.SemaphoreType.DMA,
            pltpu.SemaphoreType.DMA,
        ],
    )
    def gather_k(mem_hbm, idx_hbm, out_hbm, sh0, sh1, idx_v0, idx_v1,
                 val_v0, val_v1, gsem0, gsem1, wsem, ssem):
        s = lax.axis_index("s")
        c = lax.axis_index("c")
        core_slot_base = c * (64 * _SLOTS_SR)
        core_mem_base = c * (64 * _SR)
        sh_bufs = (sh0, sh1)
        idx_bufs = (idx_v0, idx_v1)
        val_bufs = (val_v0, val_v1)
        half = _CH // 2
        wbs = [None, None]
        stages = [None, None]

        def chunk_off(k):
            return core_slot_base + k * (_GRP * _SLOTS_SR) + s * _CH

        def start_stage(k):
            return pltpu.async_copy(
                mem_hbm.at[
                    pl.ds(core_mem_base + k * _SHW + s * (_SHW // 16),
                          _SHW // 16)
                ],
                sh_bufs[k % 2].at[pl.ds(s * (_SHW // 16), _SHW // 16)],
                ssem,
            )

        stages[0] = start_stage(0)
        pltpu.sync_copy(idx_hbm.at[pl.ds(chunk_off(0), _CH)], idx_v0)

        for k in range(_NPASS):
            cur = k % 2
            nxt = (k + 1) % 2
            stages[cur].wait()
            plsc.subcore_barrier()
            if k + 1 < _NPASS:
                stages[nxt] = start_stage(k + 1)
            sh = sh_bufs[cur]
            g0 = pltpu.async_copy(
                sh.at[idx_bufs[cur].at[pl.ds(0, half)]],
                val_bufs[cur].at[pl.ds(0, half)], gsem0,
            )
            g1 = pltpu.async_copy(
                sh.at[idx_bufs[cur].at[pl.ds(half, half)]],
                val_bufs[cur].at[pl.ds(half, half)], gsem1,
            )
            if k + 1 < _NPASS:
                pltpu.sync_copy(
                    idx_hbm.at[pl.ds(chunk_off(k + 1), _CH)], idx_bufs[nxt]
                )
                if wbs[nxt] is not None:
                    wbs[nxt].wait()
            g0.wait()
            g1.wait()
            wbs[cur] = pltpu.async_copy(
                val_bufs[cur], out_hbm.at[pl.ds(chunk_off(k), _CH)], wsem
            )
        wbs[0].wait()
        wbs[1].wait()

    return gather_k


def kernel(input_bits, connections, memory):
    conn_p = jnp.full((_NUM_NEURONS, 16), _TOTAL_BITS, jnp.int32)
    conn_p = conn_p.at[:, :_N_BITS].set(connections)
    idx_t = _addresses_t(input_bits, conn_p)
    mem_lin = (
        memory.reshape(_NUM_NEURONS // 8, 8, _MEM_SIZE // 128, 128)
        .transpose(0, 2, 1, 3)
        .reshape(_NUM_NEURONS * _MEM_SIZE)
    )
    idx_flat = (
        idx_t.reshape(_NUM_NEURONS // 8, 8, _B // 128, 128)
        .transpose(0, 2, 1, 3)
        .reshape(_FLAT)
    )
    out_flat = _make_gather()(mem_lin, idx_flat)
    out_t = (
        out_flat.reshape(_NUM_NEURONS // 8, _B // 128, 8, 128)
        .transpose(0, 2, 1, 3)
        .reshape(_NUM_NEURONS, _B)
    )
    return _transpose_nb_to_bn(out_t)

# --- scband reference (transcript-rebuilt; emitter-appended) ---
"""Pipeline reference for scband-sparse-memory-25383256719711 (READ-ONLY COPY).

The authoritative reference and input builder live on the scoring server;
editing this copy changes nothing except your own understanding.
"""

import jax, jax.numpy as jnp
import numpy as np

B = 4096
TOTAL_BITS = 1024
NUM_NEURONS = 1024
N_BITS = 14
MEM_SIZE = 1 << N_BITS


def setup_inputs(seed: int = 0) -> dict:
    key = jax.random.key(seed)
    k1, k2, k3 = jax.random.split(key, 3)
    # forward input: binary input pattern (0/1)
    input_bits = jax.random.randint(k1, (B, TOTAL_BITS), 0, 2, dtype=jnp.int32)
    # buffer: random connections, values in [0, TOTAL_BITS)
    connections = jax.random.randint(k2, (NUM_NEURONS, N_BITS), 0, TOTAL_BITS, dtype=jnp.int32)
    # stored memory cells per neuron, values in {0=FALSE, 1=TRUE, 2=EMPTY}
    # (dense materialization of the sparse dict storage; kept float so reads are differentiable)
    memory = jax.random.randint(k3, (NUM_NEURONS, MEM_SIZE), 0, 3).astype(jnp.float32)
    return {"input_bits": input_bits, "connections": connections, "memory": memory}


def reference(input_bits, connections, memory):
    # get_addresses: gather connected bits, pack to integer address (MSB-first)
    bits64 = (input_bits != 0).astype(jnp.int32)            # [B, TOTAL_BITS]
    gathered = bits64[:, connections]                       # [B, NUM_NEURONS, N_BITS]
    weights = (2 ** jnp.arange(N_BITS - 1, -1, -1, dtype=jnp.int32))  # binary_addresses row
    addresses = (gathered * weights[None, None, :]).sum(-1) # [B, NUM_NEURONS]
    # get_memories_for_bits: read cell (neuron_idx, address) for each neuron
    neuron_idx = jnp.arange(NUM_NEURONS, dtype=jnp.int32)[None, :]    # [1, NUM_NEURONS]
    memories = memory[neuron_idx, addresses]                # [B, NUM_NEURONS]
    return memories

if __name__ == "__main__":
    import jax
    _d = setup_inputs()
    print(jax.jit(kernel)(*tuple(_d.values())))

</pallas_src>

<mosaic_0001>
#map = affine_map<(d0, d1) -> (0)>
module attributes {stable_mosaic.version = 14 : i64} {
  func.func @gather_k(%arg0: i32, %arg1: i32, %arg2: memref<16777216xf32, #tpu.memory_space<hbm>>, %arg3: memref<4194304xi32, #tpu.memory_space<hbm>>, %arg4: memref<4194304xf32, #tpu.memory_space<hbm>>, %arg5: memref<524288xf32, #tpu.memory_space<vmem_shared>>, %arg6: memref<524288xf32, #tpu.memory_space<vmem_shared>>, %arg7: memref<8192xi32, #tpu.memory_space<vmem>>, %arg8: memref<8192xi32, #tpu.memory_space<vmem>>, %arg9: memref<8192xf32, #tpu.memory_space<vmem>>, %arg10: memref<8192xf32, #tpu.memory_space<vmem>>, %arg11: memref<!tpu.dma_semaphore, #tpu.memory_space<semaphore_mem>>, %arg12: memref<!tpu.dma_semaphore, #tpu.memory_space<semaphore_mem>>, %arg13: memref<!tpu.dma_semaphore, #tpu.memory_space<semaphore_mem>>, %arg14: memref<!tpu.dma_semaphore, #tpu.memory_space<semaphore_mem>>) attributes {dimension_semantics = [#tpu.dimension_semantics<core_parallel>, #tpu.dimension_semantics<subcore_parallel>], iteration_bounds = array<i64: 2, 16>, scalar_prefetch = 0 : i64, scratch_operands = 10 : i64, tpu.core_type = #tpu.core_type<sc_vector_subcore>, window_params = [{transform_indices = #map}, {transform_indices = #map}, {transform_indices = #map}]} {
    %mul3A = arith.constant 2097152 : i32
    %mul3A_0 = arith.muli %arg0, %mul3A : i32
    %mul3A_1 = arith.constant 8388608 : i32
    %mul3A_2 = arith.muli %arg0, %mul3A_1 : i32
    %add3A = arith.constant 0 : i32
    %add3A_3 = arith.addi %mul3A_2, %add3A : i32
    %mul3A_4 = arith.constant 32768 : i32
    %mul3A_5 = arith.muli %arg1, %mul3A_4 : i32
    %add3A_6 = arith.addi %add3A_3, %mul3A_5 : i32
    %mul3A_7 = arith.constant 32768 : i32
    %mul3A_8 = arith.muli %arg1, %mul3A_7 : i32
    %dma_start3A = tpu.memref_slice %arg5[%mul3A_8] : memref<524288xf32, #tpu.memory_space<vmem_shared>> -> memref<32768xf32, #tpu.memory_space<vmem_shared>>
    %dma_start3A_9 = tpu.memref_slice %arg2[%add3A_6] : memref<16777216xf32, #tpu.memory_space<hbm>> -> memref<32768xf32, #tpu.memory_space<hbm>>
    tpu.enqueue_dma source(%dma_start3A_9 : memref<32768xf32, #tpu.memory_space<hbm>>) target(%dma_start3A : memref<32768xf32, #tpu.memory_space<vmem_shared>>) target_semaphore(%arg14 : memref<!tpu.dma_semaphore, #tpu.memory_space<semaphore_mem>>)
    %add3A_10 = arith.constant 0 : i32
    %add3A_11 = arith.addi %mul3A_0, %add3A_10 : i32
    %mul3A_12 = arith.constant 8192 : i32
    %mul3A_13 = arith.muli %arg1, %mul3A_12 : i32
    %add3A_14 = arith.addi %add3A_11, %mul3A_13 : i32
    "tpu.region"() ({
      %run_scoped3A = tpu.sem_alloc : memref<!tpu.dma_semaphore, #tpu.memory_space<semaphore_mem>>
      %dma_start3A_799 = tpu.memref_slice %arg3[%add3A_14] : memref<4194304xi32, #tpu.memory_space<hbm>> -> memref<8192xi32, #tpu.memory_space<hbm>>
      %dma_start3A_800 = tpu.memref_slice %arg3[%add3A_14] : memref<4194304xi32, #tpu.memory_space<hbm>> -> memref<8192xi32, #tpu.memory_space<hbm>>
      tpu.enqueue_dma source(%dma_start3A_800 : memref<8192xi32, #tpu.memory_space<hbm>>) target(%arg7 : memref<8192xi32, #tpu.memory_space<vmem>>) target_semaphore(%run_scoped3A : memref<!tpu.dma_semaphore, #tpu.memory_space<semaphore_mem>>)
      %dma_wait3A_801 = tpu.memref_slice %arg3[%add3A_14] : memref<4194304xi32, #tpu.memory_space<hbm>> -> memref<8192xi32, #tpu.memory_space<hbm>>
      %dma_wait3A_802 = tpu.memref_slice %arg3[%add3A_14] : memref<4194304xi32, #tpu.memory_space<hbm>> -> memref<8192xi32, #tpu.memory_space<hbm>>
      tpu.wait_dma2 semaphore(%run_scoped3A : memref<!tpu.dma_semaphore, #tpu.memory_space<semaphore_mem>>) src(%dma_wait3A_802 : memref<8192xi32, #tpu.memory_space<hbm>>) dst(%arg7 : memref<8192xi32, #tpu.memory_space<vmem>>)
      tpu.yield
    }) : () -> ()
    %dma_wait3A = tpu.memref_slice %arg5[%mul3A_8] : memref<524288xf32, #tpu.memory_space<vmem_shared>> -> memref<32768xf32, #tpu.memory_space<vmem_shared>>
    %dma_wait3A_15 = tpu.memref_slice %arg2[%add3A_6] : memref<16777216xf32, #tpu.memory_space<hbm>> -> memref<32768xf32, #tpu.memory_space<hbm>>
    tpu.wait_dma2 semaphore(%arg14 : memref<!tpu.dma_semaphore, #tpu.memory_space<semaphore_mem>>) src(%dma_wait3A_15 : memref<32768xf32, #tpu.memory_space<hbm>>) dst(%dma_wait3A : memref<32768xf32, #tpu.memory_space<vmem_shared>>)
    %barrier3A = arith.constant 0 : index
    tpu.barrier barrier_id(%barrier3A)
    %add3A_16 = arith.constant 524288 : i32
    %add3A_17 = arith.addi %mul3A_2, %add3A_16 : i32
    %mul3A_18 = arith.constant 32768 : i32
    %mul3A_19 = arith.muli %arg1, %mul3A_18 : i32
    %add3A_20 = arith.addi %add3A_17, %mul3A_19 : i32
    %mul3A_21 = arith.constant 32768 : i32
    %mul3A_22 = arith.muli %arg1, %mul3A_21 : i32
    %dma_start3A_23 = tpu.memref_slice %arg6[%mul3A_22] : memref<524288xf32, #tpu.memory_space<vmem_shared>> -> memref<32768xf32, #tpu.memory_space<vmem_shared>>
    %dma_start3A_24 = tpu.memref_slice %arg2[%add3A_20] : memref<16777216xf32, #tpu.memory_space<hbm>> -> memref<32768xf32, #tpu.memory_space<hbm>>
    tpu.enqueue_dma source(%dma_start3A_24 : memref<32768xf32, #tpu.memory_space<hbm>>) target(%dma_start3A_23 : memref<32768xf32, #tpu.memory_space<vmem_shared>>) target_semaphore(%arg14 : memref<!tpu.dma_semaphore, #tpu.memory_space<semaphore_mem>>)
    %dma_start3A_25 = arith.constant 0 : i32
    %dma_start3A_26 = tpu.memref_slice %arg9[%dma_start3A_25] : memref<8192xf32, #tpu.memory_space<vmem>> -> memref<4096xf32, #tpu.memory_space<vmem>>
    %dma_start3A_27 = arith.constant 0 : i32
    %dma_start3A_28 = tpu.memref_slice %arg7[%dma_start3A_27] : memref<8192xi32, #tpu.memory_space<vmem>> -> memref<4096xi32, #tpu.memory_space<vmem>>
    %dma_start3A_29 = arith.constant 0 : i32
    %dma_start3A_30 = tpu.memref_slice %arg5[%dma_start3A_29] : memref<524288xf32, #tpu.memory_space<vmem_shared>> -> memref<524288xf32, #tpu.memory_space<vmem_shared>>
    tpu.enqueue_indirect_dma source(%dma_start3A_30 : memref<524288xf32, #tpu.memory_space<vmem_shared>>) target(%dma_start3A_26 : memref<4096xf32, #tpu.memory_space<vmem>>) offsets(%dma_start3A_28 : memref<4096xi32, #tpu.memory_space<vmem>>) semaphore(%arg11 : memref<!tpu.dma_semaphore, #tpu.memory_space<semaphore_mem>>)
    %dma_start3A_31 = arith.constant 4096 : i32
    %dma_start3A_32 = tpu.memref_slice %arg9[%dma_start3A_31] : memref<8192xf32, #tpu.memory_space<vmem>> -> memref<4096xf32, #tpu.memory_space<vmem>>
    %dma_start3A_33 = arith.constant 4096 : i32
    %dma_start3A_34 = tpu.memref_slice %arg7[%dma_start3A_33] : memref<8192xi32, #tpu.memory_space<vmem>> -> memref<4096xi32, #tpu.memory_space<vmem>>
    %dma_start3A_35 = arith.constant 0 : i32
    %dma_start3A_36 = tpu.memref_slice %arg5[%dma_start3A_35] : memref<524288xf32, #tpu.memory_space<vmem_shared>> -> memref<524288xf32, #tpu.memory_space<vmem_shared>>
    tpu.enqueue_indirect_dma source(%dma_start3A_36 : memref<524288xf32, #tpu.memory_space<vmem_shared>>) target(%dma_start3A_32 : memref<4096xf32, #tpu.memory_space<vmem>>) offsets(%dma_start3A_34 : memref<4096xi32, #tpu.memory_space<vmem>>) semaphore(%arg12 : memref<!tpu.dma_semaphore, #tpu.memory_space<semaphore_mem>>)
    %add3A_37 = arith.constant 131072 : i32
    %add3A_38 = arith.addi %mul3A_0, %add3A_37 : i32
    %mul3A_39 = arith.constant 8192 : i32
    %mul3A_40 = arith.muli %arg1, %mul3A_39 : i32
    %add3A_41 = arith.addi %add3A_38, %mul3A_40 : i32
    "tpu.region"() ({
      %run_scoped3A = tpu.sem_alloc : memref<!tpu.dma_semaphore, #tpu.memory_space<semaphore_mem>>
      %dma_start3A_799 = tpu.memref_slice %arg3[%add3A_41] : memref<4194304xi32, #tpu.memory_space<hbm>> -> memref<8192xi32, #tpu.memory_space<hbm>>
      %dma_start3A_800 = tpu.memref_slice %arg3[%add3A_41] : memref<4194304xi32, #tpu.memory_space<hbm>> -> memref<8192xi32, #tpu.memory_space<hbm>>
      tpu.enqueue_dma source(%dma_start3A_800 : memref<8192xi32, #tpu.memory_space<hbm>>) target(%arg8 : memref<8192xi32, #tpu.memory_space<vmem>>) target_semaphore(%run_scoped3A : memref<!tpu.dma_semaphore, #tpu.memory_space<semaphore_mem>>)
      %dma_wait3A_801 = tpu.memref_slice %arg3[%add3A_41] : memref<4194304xi32, #tpu.memory_space<hbm>> -> memref<8192xi32, #tpu.memory_space<hbm>>
      %dma_wait3A_802 = tpu.memref_slice %arg3[%add3A_41] : memref<4194304xi32, #tpu.memory_space<hbm>> -> memref<8192xi32, #tpu.memory_space<hbm>>
      tpu.wait_dma2 semaphore(%run_scoped3A : memref<!tpu.dma_semaphore, #tpu.memory_space<semaphore_mem>>) src(%dma_wait3A_802 : memref<8192xi32, #tpu.memory_space<hbm>>) dst(%arg8 : memref<8192xi32, #tpu.memory_space<vmem>>)
      tpu.yield
    }) : () -> ()
    %dma_wait3A_42 = arith.constant 0 : i32
    %dma_wait3A_43 = tpu.memref_slice %arg9[%dma_wait3A_42] : memref<8192xf32, #tpu.memory_space<vmem>> -> memref<4096xf32, #tpu.memory_space<vmem>>
    %dma_wait3A_44 = arith.constant 0 : i32
    %dma_wait3A_45 = tpu.memref_slice %arg7[%dma_wait3A_44] : memref<8192xi32, #tpu.memory_space<vmem>> -> memref<4096xi32, #tpu.memory_space<vmem>>
    %dma_wait3A_46 = arith.constant 0 : i32
    %dma_wait3A_47 = tpu.memref_slice %arg5[%dma_wait3A_46] : memref<524288xf32, #tpu.memory_space<vmem_shared>> -> memref<524288xf32, #tpu.memory_space<vmem_shared>>
    tpu.wait_indirect_dma semaphore(%arg11 : memref<!tpu.dma_semaphore, #tpu.memory_space<semaphore_mem>>) src(%dma_wait3A_47 : memref<524288xf32, #tpu.memory_space<vmem_shared>>) dst(%dma_wait3A_43 : memref<4096xf32, #tpu.memory_space<vmem>>)
    %dma_wait3A_48 = arith.constant 4096 : i32
    %dma_wait3A_49 = tpu.memref_slice %arg9[%dma_wait3A_48] : memref<8192xf32, #tpu.memory_space<vmem>> -> memref<4096xf32, #tpu.memory_space<vmem>>
    %dma_wait3A_50 = arith.constant 4096 : i32
    %dma_wait3A_51 = tpu.memref_slice %arg7[%dma_wait3A_50] : memref<8192xi32, #tpu.memory_space<vmem>> -> memref<4096xi32, #tpu.memory_space<vmem>>
    %dma_wait3A_52 = arith.constant 0 : i32
    %dma_wait3A_53 = tpu.memref_slice %arg5[%dma_wait3A_52] : memref<524288xf32, #tpu.memory_space<vmem_shared>> -> memref<524288xf32, #tpu.memory_space<vmem_shared>>
    tpu.wait_indirect_dma semaphore(%arg12 : memref<!tpu.dma_semaphore, #tpu.memory_space<semaphore_mem>>) src(%dma_wait3A_53 : memref<524288xf32, #tpu.memory_space<vmem_shared>>) dst(%dma_wait3A_49 : memref<4096xf32, #tpu.memory_space<vmem>>)
    %add3A_54 = arith.constant 0 : i32
    %add3A_55 = arith.addi %mul3A_0, %add3A_54 : i32
    %mul3A_56 = arith.constant 8192 : i32
    %mul3A_57 = arith.muli %arg1, %mul3A_56 : i32
    %add3A_58 = arith.addi %add3A_55, %mul3A_57 : i32
    %dma_start3A_59 = tpu.memref_slice %arg4[%add3A_58] : memref<4194304xf32, #tpu.memory_space<hbm>> -> memref<8192xf32, #tpu.memory_space<hbm>>
    %dma_start3A_60 = tpu.memref_slice %arg4[%add3A_58] : memref<4194304xf32, #tpu.memory_space<hbm>> -> memref<8192xf32, #tpu.memory_space<hbm>>
    tpu.enqueue_dma source(%arg9 : memref<8192xf32, #tpu.memory_space<vmem>>) target(%dma_start3A_60 : memref<8192xf32, #tpu.memory_space<hbm>>) target_semaphore(%arg13 : memref<!tpu.dma_semaphore, #tpu.memory_space<semaphore_mem>>)
    %dma_wait3A_61 = tpu.memref_slice %arg6[%mul3A_22] : memref<524288xf32, #tpu.memory_space<vmem_shared>> -> memref<32768xf32, #tpu.memory_space<vmem_shared>>
    %dma_wait3A_62 = tpu.memref_slice %arg2[%add3A_20] : memref<16777216xf32, #tpu.memory_space<hbm>> -> memref<32768xf32, #tpu.memory_space<hbm>>
    tpu.wait_dma2 semaphore(%arg14 : memref<!tpu.dma_semaphore, #tpu.memory_space<semaphore_mem>>) src(%dma_wait3A_62 : memref<32768xf32, #tpu.memory_space<hbm>>) dst(%dma_wait3A_61 : memref<32768xf32, #tpu.memory_space<vmem_shared>>)
    %barrier3A_63 = arith.constant 0 : index
    tpu.barrier barrier_id(%barrier3A_63)
    %add3A_64 = arith.constant 1048576 : i32
    %add3A_65 = arith.addi %mul3A_2, %add3A_64 : i32
    %mul3A_66 = arith.constant 32768 : i32
    %mul3A_67 = arith.muli %arg1, %mul3A_66 : i32
    %add3A_68 = arith.addi %add3A_65, %mul3A_67 : i32
    %mul3A_69 = arith.constant 32768 : i32
    %mul3A_70 = arith.muli %arg1, %mul3A_69 : i32
    %dma_start3A_71 = tpu.memref_slice %arg5[%mul3A_70] : memref<524288xf32, #tpu.memory_space<vmem_shared>> -> memref<32768xf32, #tpu.memory_space<vmem_shared>>
    %dma_start3A_72 = tpu.memref_slice %arg2[%add3A_68] : memref<16777216xf32, #tpu.memory_space<hbm>> -> memref<32768xf32, #tpu.memory_space<hbm>>
    tpu.enqueue_dma source(%dma_start3A_72 : memref<32768xf32, #tpu.memory_space<hbm>>) target(%dma_start3A_71 : memref<32768xf32, #tpu.memory_space<vmem_shared>>) target_semaphore(%arg14 : memref<!tpu.dma_semaphore, #tpu.memory_space<semaphore_mem>>)
    %dma_start3A_73 = arith.constant 0 : i32
    %dma_start3A_74 = tpu.memref_slice %arg10[%dma_start3A_73] : memref<8192xf32, #tpu.memory_space<vmem>> -> memref<4096xf32, #tpu.memory_space<vmem>>
    %dma_start3A_75 = arith.constant 0 : i32
    %dma_start3A_76 = tpu.memref_slice %arg8[%dma_start3A_75] : memref<8192xi32, #tpu.memory_space<vmem>> -> memref<4096xi32, #tpu.memory_space<vmem>>
    %dma_start3A_77 = arith.constant 0 : i32
    %dma_start3A_78 = tpu.memref_slice %arg6[%dma_start3A_77] : memref<524288xf32, #tpu.memory_space<vmem_shared>> -> memref<524288xf32, #tpu.memory_space<vmem_shared>>
    tpu.enqueue_indirect_dma source(%dma_start3A_78 : memref<524288xf32, #tpu.memory_space<vmem_shared>>) target(%dma_start3A_74 : memref<4096xf32, #tpu.memory_space<vmem>>) offsets(%dma_start3A_76 : memref<4096xi32, #tpu.memory_space<vmem>>) semaphore(%arg11 : memref<!tpu.dma_semaphore, #tpu.memory_space<semaphore_mem>>)
    %dma_start3A_79 = arith.constant 4096 : i32
    %dma_start3A_80 = tpu.memref_slice %arg10[%dma_start3A_79] : memref<8192xf32, #tpu.memory_space<vmem>> -> memref<4096xf32, #tpu.memory_space<vmem>>
    %dma_start3A_81 = arith.constant 4096 : i32
    %dma_start3A_82 = tpu.memref_slice %arg8[%dma_start3A_81] : memref<8192xi32, #tpu.memory_space<vmem>> -> memref<4096xi32, #tpu.memory_space<vmem>>
    %dma_start3A_83 = arith.constant 0 : i32
    %dma_start3A_84 = tpu.memref_slice %arg6[%dma_start3A_83] : memref<524288xf32, #tpu.memory_space<vmem_shared>> -> memref<524288xf32, #tpu.memory_space<vmem_shared>>
    tpu.enqueue_indirect_dma source(%dma_start3A_84 : memref<524288xf32, #tpu.memory_space<vmem_shared>>) target(%dma_start3A_80 : memref<4096xf32, #tpu.memory_space<vmem>>) offsets(%dma_start3A_82 : memref<4096xi32, #tpu.memory_space<vmem>>) semaphore(%arg12 : memref<!tpu.dma_semaphore, #tpu.memory_space<semaphore_mem>>)
    %add3A_85 = arith.constant 262144 : i32
    %add3A_86 = arith.addi %mul3A_0, %add3A_85 : i32
    %mul3A_87 = arith.constant 8192 : i32
    %mul3A_88 = arith.muli %arg1, %mul3A_87 : i32
    %add3A_89 = arith.addi %add3A_86, %mul3A_88 : i32
    "tpu.region"() ({
      %run_scoped3A = tpu.sem_alloc : memref<!tpu.dma_semaphore, #tpu.memory_space<semaphore_mem>>
      %dma_start3A_799 = tpu.memref_slice %arg3[%add3A_89] : memref<4194304xi32, #tpu.memory_space<hbm>> -> memref<8192xi32, #tpu.memory_space<hbm>>
      %dma_start3A_800 = tpu.memref_slice %arg3[%add3A_89] : memref<4194304xi32, #tpu.memory_space<hbm>> -> memref<8192xi32, #tpu.memory_space<hbm>>
      tpu.enqueue_dma source(%dma_start3A_800 : memref<8192xi32, #tpu.memory_space<hbm>>) target(%arg7 : memref<8192xi32, #tpu.memory_space<vmem>>) target_semaphore(%run_scoped3A : memref<!tpu.dma_semaphore, #tpu.memory_space<semaphore_mem>>)
      %dma_wait3A_801 = tpu.memref_slice %arg3[%add3A_89] : memref<4194304xi32, #tpu.memory_space<hbm>> -> memref<8192xi32, #tpu.memory_space<hbm>>
      %dma_wait3A_802 = tpu.memref_slice %arg3[%add3A_89] : memref<4194304xi32, #tpu.memory_space<hbm>> -> memref<8192xi32, #tpu.memory_space<hbm>>
      tpu.wait_dma2 semaphore(%run_scoped3A : memref<!tpu.dma_semaphore, #tpu.memory_space<semaphore_mem>>) src(%dma_wait3A_802 : memref<8192xi32, #tpu.memory_space<hbm>>) dst(%arg7 : memref<8192xi32, #tpu.memory_space<vmem>>)
      tpu.yield
    }) : () -> ()
    %dma_wait3A_90 = tpu.memref_slice %arg4[%add3A_58] : memref<4194304xf32, #tpu.memory_space<hbm>> -> memref<8192xf32, #tpu.memory_space<hbm>>
    %dma_wait3A_91 = tpu.memref_slice %arg4[%add3A_58] : memref<4194304xf32, #tpu.memory_space<hbm>> -> memref<8192xf32, #tpu.memory_space<hbm>>
    tpu.wait_dma2 semaphore(%arg13 : memref<!tpu.dma_semaphore, #tpu.memory_space<semaphore_mem>>) src(%arg9 : memref<8192xf32, #tpu.memory_space<vmem>>) dst(%dma_wait3A_91 : memref<8192xf32, #tpu.memory_space<hbm>>)
    %dma_wait3A_92 = arith.constant 0 : i32
    %dma_wait3A_93 = tpu.memref_slice %arg10[%dma_wait3A_92] : memref<8192xf32, #tpu.memory_space<vmem>> -> memref<4096xf32, #tpu.memory_space<vmem>>
    %dma_wait3A_94 = arith.constant 0 : i32
    %dma_wait3A_95 = tpu.memref_slice %arg8[%dma_wait3A_94] : memref<8192xi32, #tpu.memory_space<vmem>> -> memref<4096xi32, #tpu.memory_space<vmem>>
    %dma_wait3A_96 = arith.constant 0 : i32
    %dma_wait3A_97 = tpu.memref_slice %arg6[%dma_wait3A_96] : memref<524288xf32, #tpu.memory_space<vmem_shared>> -> memref<524288xf32, #tpu.memory_space<vmem_shared>>
    tpu.wait_indirect_dma semaphore(%arg11 : memref<!tpu.dma_semaphore, #tpu.memory_space<semaphore_mem>>) src(%dma_wait3A_97 : memref<524288xf32, #tpu.memory_space<vmem_shared>>) dst(%dma_wait3A_93 : memref<4096xf32, #tpu.memory_space<vmem>>)
    %dma_wait3A_98 = arith.constant 4096 : i32
    %dma_wait3A_99 = tpu.memref_slice %arg10[%dma_wait3A_98] : memref<8192xf32, #tpu.memory_space<vmem>> -> memref<4096xf32, #tpu.memory_space<vmem>>
    %dma_wait3A_100 = arith.constant 4096 : i32
    %dma_wait3A_101 = tpu.memref_slice %arg8[%dma_wait3A_100] : memref<8192xi32, #tpu.memory_space<vmem>> -> memref<4096xi32, #tpu.memory_space<vmem>>
    %dma_wait3A_102 = arith.constant 0 : i32
    %dma_wait3A_103 = tpu.memref_slice %arg6[%dma_wait3A_102] : memref<524288xf32, #tpu.memory_space<vmem_shared>> -> memref<524288xf32, #tpu.memory_space<vmem_shared>>
    tpu.wait_indirect_dma semaphore(%arg12 : memref<!tpu.dma_semaphore, #tpu.memory_space<semaphore_mem>>) src(%dma_wait3A_103 : memref<524288xf32, #tpu.memory_space<vmem_shared>>) dst(%dma_wait3A_99 : memref<4096xf32, #tpu.memory_space<vmem>>)
    %add3A_104 = arith.constant 131072 : i32
    %add3A_105 = arith.addi %mul3A_0, %add3A_104 : i32
    %mul3A_106 = arith.constant 8192 : i32
    %mul3A_107 = arith.muli %arg1, %mul3A_106 : i32
    %add3A_108 = arith.addi %add3A_105, %mul3A_107 : i32
    %dma_start3A_109 = tpu.memref_slice %arg4[%add3A_108] : memref<4194304xf32, #tpu.memory_space<hbm>> -> memref<8192xf32, #tpu.memory_space<hbm>>
    %dma_start3A_110 = tpu.memref_slice %arg4[%add3A_108] : memref<4194304xf32, #tpu.memory_space<hbm>> -> memref<8192xf32, #tpu.memory_space<hbm>>
    tpu.enqueue_dma source(%arg10 : memref<8192xf32, #tpu.memory_space<vmem>>) target(%dma_start3A_110 : memref<8192xf32, #tpu.memory_space<hbm>>) target_semaphore(%arg13 : memref<!tpu.dma_semaphore, #tpu.memory_space<semaphore_mem>>)
    %dma_wait3A_111 = tpu.memref_slice %arg5[%mul3A_70] : memref<524288xf32, #tpu.memory_space<vmem_shared>> -> memref<32768xf32, #tpu.memory_space<vmem_shared>>
    %dma_wait3A_112 = tpu.memref_slice %arg2[%add3A_68] : memref<16777216xf32, #tpu.memory_space<hbm>> -> memref<32768xf32, #tpu.memory_space<hbm>>
    tpu.wait_dma2 semaphore(%arg14 : memref<!tpu.dma_semaphore, #tpu.memory_space<semaphore_mem>>) src(%dma_wait3A_112 : memref<32768xf32, #tpu.memory_space<hbm>>) dst(%dma_wait3A_111 : memref<32768xf32, #tpu.memory_space<vmem_shared>>)
    %barrier3A_113 = arith.constant 0 : index
    tpu.barrier barrier_id(%barrier3A_113)
    %add3A_114 = arith.constant 1572864 : i32
    %add3A_115 = arith.addi %mul3A_2, %add3A_114 : i32
    %mul3A_116 = arith.constant 32768 : i32
    %mul3A_117 = arith.muli %arg1, %mul3A_116 : i32
    %add3A_118 = arith.addi %add3A_115, %mul3A_117 : i32
    %mul3A_119 = arith.constant 32768 : i32
    %mul3A_120 = arith.muli %arg1, %mul3A_119 : i32
    %dma_start3A_121 = tpu.memref_slice %arg6[%mul3A_120] : memref<524288xf32, #tpu.memory_space<vmem_shared>> -> memref<32768xf32, #tpu.memory_space<vmem_shared>>
    %dma_start3A_122 = tpu.memref_slice %arg2[%add3A_118] : memref<16777216xf32, #tpu.memory_space<hbm>> -> memref<32768xf32, #tpu.memory_space<hbm>>
    tpu.enqueue_dma source(%dma_start3A_122 : memref<32768xf32, #tpu.memory_space<hbm>>) target(%dma_start3A_121 : memref<32768xf32, #tpu.memory_space<vmem_shared>>) target_semaphore(%arg14 : memref<!tpu.dma_semaphore, #tpu.memory_space<semaphore_mem>>)
    %dma_start3A_123 = arith.constant 0 : i32
    %dma_start3A_124 = tpu.memref_slice %arg9[%dma_start3A_123] : memref<8192xf32, #tpu.memory_space<vmem>> -> memref<4096xf32, #tpu.memory_space<vmem>>
    %dma_start3A_125 = arith.constant 0 : i32
    %dma_start3A_126 = tpu.memref_slice %arg7[%dma_start3A_125] : memref<8192xi32, #tpu.memory_space<vmem>> -> memref<4096xi32, #tpu.memory_space<vmem>>
    %dma_start3A_127 = arith.constant 0 : i32
    %dma_start3A_128 = tpu.memref_slice %arg5[%dma_start3A_127] : memref<524288xf32, #tpu.memory_space<vmem_shared>> -> memref<524288xf32, #tpu.memory_space<vmem_shared>>
    tpu.enqueue_indirect_dma source(%dma_start3A_128 : memref<524288xf32, #tpu.memory_space<vmem_shared>>) target(%dma_start3A_124 : memref<4096xf32, #tpu.memory_space<vmem>>) offsets(%dma_start3A_126 : memref<4096xi32, #tpu.memory_space<vmem>>) semaphore(%arg11 : memref<!tpu.dma_semaphore, #tpu.memory_space<semaphore_mem>>)
    %dma_start3A_129 = arith.constant 4096 : i32
    %dma_start3A_130 = tpu.memref_slice %arg9[%dma_start3A_129] : memref<8192xf32, #tpu.memory_space<vmem>> -> memref<4096xf32, #tpu.memory_space<vmem>>
    %dma_start3A_131 = arith.constant 4096 : i32
    %dma_start3A_132 = tpu.memref_slice %arg7[%dma_start3A_131] : memref<8192xi32, #tpu.memory_space<vmem>> -> memref<4096xi32, #tpu.memory_space<vmem>>
    %dma_start3A_133 = arith.constant 0 : i32
    %dma_start3A_134 = tpu.memref_slice %arg5[%dma_start3A_133] : memref<524288xf32, #tpu.memory_space<vmem_shared>> -> memref<524288xf32, #tpu.memory_space<vmem_shared>>
    tpu.enqueue_indirect_dma source(%dma_start3A_134 : memref<524288xf32, #tpu.memory_space<vmem_shared>>) target(%dma_start3A_130 : memref<4096xf32, #tpu.memory_space<vmem>>) offsets(%dma_start3A_132 : memref<4096xi32, #tpu.memory_space<vmem>>) semaphore(%arg12 : memref<!tpu.dma_semaphore, #tpu.memory_space<semaphore_mem>>)
    %add3A_135 = arith.constant 393216 : i32
    %add3A_136 = arith.addi %mul3A_0, %add3A_135 : i32
    %mul3A_137 = arith.constant 8192 : i32
    %mul3A_138 = arith.muli %arg1, %mul3A_137 : i32
    %add3A_139 = arith.addi %add3A_136, %mul3A_138 : i32
    "tpu.region"() ({
      %run_scoped3A = tpu.sem_alloc : memref<!tpu.dma_semaphore, #tpu.memory_space<semaphore_mem>>
      %dma_start3A_799 = tpu.memref_slice %arg3[%add3A_139] : memref<4194304xi32, #tpu.memory_space<hbm>> -> memref<8192xi32, #tpu.memory_space<hbm>>
      %dma_start3A_800 = tpu.memref_slice %arg3[%add3A_139] : memref<4194304xi32, #tpu.memory_space<hbm>> -> memref<8192xi32, #tpu.memory_space<hbm>>
      tpu.enqueue_dma source(%dma_start3A_800 : memref<8192xi32, #tpu.memory_space<hbm>>) target(%arg8 : memref<8192xi32, #tpu.memory_space<vmem>>) target_semaphore(%run_scoped3A : memref<!tpu.dma_semaphore, #tpu.memory_space<semaphore_mem>>)
      %dma_wait3A_801 = tpu.memref_slice %arg3[%add3A_139] : memref<4194304xi32, #tpu.memory_space<hbm>> -> memref<8192xi32, #tpu.memory_space<hbm>>
      %dma_wait3A_802 = tpu.memref_slice %arg3[%add3A_139] : memref<4194304xi32, #tpu.memory_space<hbm>> -> memref<8192xi32, #tpu.memory_space<hbm>>
      tpu.wait_dma2 semaphore(%run_scoped3A : memref<!tpu.dma_semaphore, #tpu.memory_space<semaphore_mem>>) src(%dma_wait3A_802 : memref<8192xi32, #tpu.memory_space<hbm>>) dst(%arg8 : memref<8192xi32, #tpu.memory_space<vmem>>)
      tpu.yield
    }) : () -> ()
    %dma_wait3A_140 = tpu.memref_slice %arg4[%add3A_108] : memref<4194304xf32, #tpu.memory_space<hbm>> -> memref<8192xf32, #tpu.memory_space<hbm>>
    %dma_wait3A_141 = tpu.memref_slice %arg4[%add3A_108] : memref<4194304xf32, #tpu.memory_space<hbm>> -> memref<8192xf32, #tpu.memory_space<hbm>>
    tpu.wait_dma2 semaphore(%arg13 : memref<!tpu.dma_semaphore, #tpu.memory_space<semaphore_mem>>) src(%arg10 : memref<8192xf32, #tpu.memory_space<vmem>>) dst(%dma_wait3A_141 : memref<8192xf32, #tpu.memory_space<hbm>>)
    %dma_wait3A_142 = arith.constant 0 : i32
    %dma_wait3A_143 = tpu.memref_slice %arg9[%dma_wait3A_142] : memref<8192xf32, #tpu.memory_space<vmem>> -> memref<4096xf32, #tpu.memory_space<vmem>>
    %dma_wait3A_144 = arith.constant 0 : i32
    %dma_wait3A_145 = tpu.memref_slice %arg7[%dma_wait3A_144] : memref<8192xi32, #tpu.memory_space<vmem>> -> memref<4096xi32, #tpu.memory_space<vmem>>
    %dma_wait3A_146 = arith.constant 0 : i32
    %dma_wait3A_147 = tpu.memref_slice %arg5[%dma_wait3A_146] : memref<524288xf32, #tpu.memory_space<vmem_shared>> -> memref<524288xf32, #tpu.memory_space<vmem_shared>>
    tpu.wait_indirect_dma semaphore(%arg11 : memref<!tpu.dma_semaphore, #tpu.memory_space<semaphore_mem>>) src(%dma_wait3A_147 : memref<524288xf32, #tpu.memory_space<vmem_shared>>) dst(%dma_wait3A_143 : memref<4096xf32, #tpu.memory_space<vmem>>)
    %dma_wait3A_148 = arith.constant 4096 : i32
    %dma_wait3A_149 = tpu.memref_slice %arg9[%dma_wait3A_148] : memref<8192xf32, #tpu.memory_space<vmem>> -> memref<4096xf32, #tpu.memory_space<vmem>>
    %dma_wait3A_150 = arith.constant 4096 : i32
    %dma_wait3A_151 = tpu.memref_slice %arg7[%dma_wait3A_150] : memref<8192xi32, #tpu.memory_space<vmem>> -> memref<4096xi32, #tpu.memory_space<vmem>>
    %dma_wait3A_152 = arith.constant 0 : i32
    %dma_wait3A_153 = tpu.memref_slice %arg5[%dma_wait3A_152] : memref<524288xf32, #tpu.memory_space<vmem_shared>> -> memref<524288xf32, #tpu.memory_space<vmem_shared>>
    tpu.wait_indirect_dma semaphore(%arg12 : memref<!tpu.dma_semaphore, #tpu.memory_space<semaphore_mem>>) src(%dma_wait3A_153 : memref<524288xf32, #tpu.memory_space<vmem_shared>>) dst(%dma_wait3A_149 : memref<4096xf32, #tpu.memory_space<vmem>>)
    %add3A_154 = arith.constant 262144 : i32
    %add3A_155 = arith.addi %mul3A_0, %add3A_154 : i32
    %mul3A_156 = arith.constant 8192 : i32
    %mul3A_157 = arith.muli %arg1, %mul3A_156 : i32
    %add3A_158 = arith.addi %add3A_155, %mul3A_157 : i32
    %dma_start3A_159 = tpu.memref_slice %arg4[%add3A_158] : memref<4194304xf32, #tpu.memory_space<hbm>> -> memref<8192xf32, #tpu.memory_space<hbm>>
    %dma_start3A_160 = tpu.memref_slice %arg4[%add3A_158] : memref<4194304xf32, #tpu.memory_space<hbm>> -> memref<8192xf32, #tpu.memory_space<hbm>>
    tpu.enqueue_dma source(%arg9 : memref<8192xf32, #tpu.memory_space<vmem>>) target(%dma_start3A_160 : memref<8192xf32, #tpu.memory_space<hbm>>) target_semaphore(%arg13 : memref<!tpu.dma_semaphore, #tpu.memory_space<semaphore_mem>>)
    %dma_wait3A_161 = tpu.memref_slice %arg6[%mul3A_120] : memref<524288xf32, #tpu.memory_space<vmem_shared>> -> memref<32768xf32, #tpu.memory_space<vmem_shared>>
    %dma_wait3A_162 = tpu.memref_slice %arg2[%add3A_118] : memref<16777216xf32, #tpu.memory_space<hbm>> -> memref<32768xf32, #tpu.memory_space<hbm>>
    tpu.wait_dma2 semaphore(%arg14 : memref<!tpu.dma_semaphore, #tpu.memory_space<semaphore_mem>>) src(%dma_wait3A_162 : memref<32768xf32, #tpu.memory_space<hbm>>) dst(%dma_wait3A_161 : memref<32768xf32, #tpu.memory_space<vmem_shared>>)
    %barrier3A_163 = arith.constant 0 : index
    tpu.barrier barrier_id(%barrier3A_163)
    %add3A_164 = arith.constant 2097152 : i32
    %add3A_165 = arith.addi %mul3A_2, %add3A_164 : i32
    %mul3A_166 = arith.constant 32768 : i32
    %mul3A_167 = arith.muli %arg1, %mul3A_166 : i32
    %add3A_168 = arith.addi %add3A_165, %mul3A_167 : i32
    %mul3A_169 = arith.constant 32768 : i32
    %mul3A_170 = arith.muli %arg1, %mul3A_169 : i32
    %dma_start3A_171 = tpu.memref_slice %arg5[%mul3A_170] : memref<524288xf32, #tpu.memory_space<vmem_shared>> -> memref<32768xf32, #tpu.memory_space<vmem_shared>>
    %dma_start3A_172 = tpu.memref_slice %arg2[%add3A_168] : memref<16777216xf32, #tpu.memory_space<hbm>> -> memref<32768xf32, #tpu.memory_space<hbm>>
    tpu.enqueue_dma source(%dma_start3A_172 : memref<32768xf32, #tpu.memory_space<hbm>>) target(%dma_start3A_171 : memref<32768xf32, #tpu.memory_space<vmem_shared>>) target_semaphore(%arg14 : memref<!tpu.dma_semaphore, #tpu.memory_space<semaphore_mem>>)
    %dma_start3A_173 = arith.constant 0 : i32
    %dma_start3A_174 = tpu.memref_slice %arg10[%dma_start3A_173] : memref<8192xf32, #tpu.memory_space<vmem>> -> memref<4096xf32, #tpu.memory_space<vmem>>
    %dma_start3A_175 = arith.constant 0 : i32
    %dma_start3A_176 = tpu.memref_slice %arg8[%dma_start3A_175] : memref<8192xi32, #tpu.memory_space<vmem>> -> memref<4096xi32, #tpu.memory_space<vmem>>
    %dma_start3A_177 = arith.constant 0 : i32
    %dma_start3A_178 = tpu.memref_slice %arg6[%dma_start3A_177] : memref<524288xf32, #tpu.memory_space<vmem_shared>> -> memref<524288xf32, #tpu.memory_space<vmem_shared>>
    tpu.enqueue_indirect_dma source(%dma_start3A_178 : memref<524288xf32, #tpu.memory_space<vmem_shared>>) target(%dma_start3A_174 : memref<4096xf32, #tpu.memory_space<vmem>>) offsets(%dma_start3A_176 : memref<4096xi32, #tpu.memory_space<vmem>>) semaphore(%arg11 : memref<!tpu.dma_semaphore, #tpu.memory_space<semaphore_mem>>)
    %dma_start3A_179 = arith.constant 4096 : i32
    %dma_start3A_180 = tpu.memref_slice %arg10[%dma_start3A_179] : memref<8192xf32, #tpu.memory_space<vmem>> -> memref<4096xf32, #tpu.memory_space<vmem>>
    %dma_start3A_181 = arith.constant 4096 : i32
    %dma_start3A_182 = tpu.memref_slice %arg8[%dma_start3A_181] : memref<8192xi32, #tpu.memory_space<vmem>> -> memref<4096xi32, #tpu.memory_space<vmem>>
    %dma_start3A_183 = arith.constant 0 : i32
    %dma_start3A_184 = tpu.memref_slice %arg6[%dma_start3A_183] : memref<524288xf32, #tpu.memory_space<vmem_shared>> -> memref<524288xf32, #tpu.memory_space<vmem_shared>>
    tpu.enqueue_indirect_dma source(%dma_start3A_184 : memref<524288xf32, #tpu.memory_space<vmem_shared>>) target(%dma_start3A_180 : memref<4096xf32, #tpu.memory_space<vmem>>) offsets(%dma_start3A_182 : memref<4096xi32, #tpu.memory_space<vmem>>) semaphore(%arg12 : memref<!tpu.dma_semaphore, #tpu.memory_space<semaphore_mem>>)
    %add3A_185 = arith.constant 524288 : i32
    %add3A_186 = arith.addi %mul3A_0, %add3A_185 : i32
    %mul3A_187 = arith.constant 8192 : i32
    %mul3A_188 = arith.muli %arg1, %mul3A_187 : i32
    %add3A_189 = arith.addi %add3A_186, %mul3A_188 : i32
    "tpu.region"() ({
      %run_scoped3A = tpu.sem_alloc : memref<!tpu.dma_semaphore, #tpu.memory_space<semaphore_mem>>
      %dma_start3A_799 = tpu.memref_slice %arg3[%add3A_189] : memref<4194304xi32, #tpu.memory_space<hbm>> -> memref<8192xi32, #tpu.memory_space<hbm>>
      %dma_start3A_800 = tpu.memref_slice %arg3[%add3A_189] : memref<4194304xi32, #tpu.memory_space<hbm>> -> memref<8192xi32, #tpu.memory_space<hbm>>
      tpu.enqueue_dma source(%dma_start3A_800 : memref<8192xi32, #tpu.memory_space<hbm>>) target(%arg7 : memref<8192xi32, #tpu.memory_space<vmem>>) target_semaphore(%run_scoped3A : memref<!tpu.dma_semaphore, #tpu.memory_space<semaphore_mem>>)
      %dma_wait3A_801 = tpu.memref_slice %arg3[%add3A_189] : memref<4194304xi32, #tpu.memory_space<hbm>> -> memref<8192xi32, #tpu.memory_space<hbm>>
      %dma_wait3A_802 = tpu.memref_slice %arg3[%add3A_189] : memref<4194304xi32, #tpu.memory_space<hbm>> -> memref<8192xi32, #tpu.memory_space<hbm>>
      tpu.wait_dma2 semaphore(%run_scoped3A : memref<!tpu.dma_semaphore, #tpu.memory_space<semaphore_mem>>) src(%dma_wait3A_802 : memref<8192xi32, #tpu.memory_space<hbm>>) dst(%arg7 : memref<8192xi32, #tpu.memory_space<vmem>>)
      tpu.yield
    }) : () -> ()
    %dma_wait3A_190 = tpu.memref_slice %arg4[%add3A_158] : memref<4194304xf32, #tpu.memory_space<hbm>> -> memref<8192xf32, #tpu.memory_space<hbm>>
    %dma_wait3A_191 = tpu.memref_slice %arg4[%add3A_158] : memref<4194304xf32, #tpu.memory_space<hbm>> -> memref<8192xf32, #tpu.memory_space<hbm>>
    tpu.wait_dma2 semaphore(%arg13 : memref<!tpu.dma_semaphore, #tpu.memory_space<semaphore_mem>>) src(%arg9 : memref<8192xf32, #tpu.memory_space<vmem>>) dst(%dma_wait3A_191 : memref<8192xf32, #tpu.memory_space<hbm>>)
    %dma_wait3A_192 = arith.constant 0 : i32
    %dma_wait3A_193 = tpu.memref_slice %arg10[%dma_wait3A_192] : memref<8192xf32, #tpu.memory_space<vmem>> -> memref<4096xf32, #tpu.memory_space<vmem>>
    %dma_wait3A_194 = arith.constant 0 : i32
    %dma_wait3A_195 = tpu.memref_slice %arg8[%dma_wait3A_194] : memref<8192xi32, #tpu.memory_space<vmem>> -> memref<4096xi32, #tpu.memory_space<vmem>>
    %dma_wait3A_196 = arith.constant 0 : i32
    %dma_wait3A_197 = tpu.memref_slice %arg6[%dma_wait3A_196] : memref<524288xf32, #tpu.memory_space<vmem_shared>> -> memref<524288xf32, #tpu.memory_space<vmem_shared>>
    tpu.wait_indirect_dma semaphore(%arg11 : memref<!tpu.dma_semaphore, #tpu.memory_space<semaphore_mem>>) src(%dma_wait3A_197 : memref<524288xf32, #tpu.memory_space<vmem_shared>>) dst(%dma_wait3A_193 : memref<4096xf32, #tpu.memory_space<vmem>>)
    %dma_wait3A_198 = arith.constant 4096 : i32
    %dma_wait3A_199 = tpu.memref_slice %arg10[%dma_wait3A_198] : memref<8192xf32, #tpu.memory_space<vmem>> -> memref<4096xf32, #tpu.memory_space<vmem>>
    %dma_wait3A_200 = arith.constant 4096 : i32
    %dma_wait3A_201 = tpu.memref_slice %arg8[%dma_wait3A_200] : memref<8192xi32, #tpu.memory_space<vmem>> -> memref<4096xi32, #tpu.memory_space<vmem>>
    %dma_wait3A_202 = arith.constant 0 : i32
    %dma_wait3A_203 = tpu.memref_slice %arg6[%dma_wait3A_202] : memref<524288xf32, #tpu.memory_space<vmem_shared>> -> memref<524288xf32, #tpu.memory_space<vmem_shared>>
    tpu.wait_indirect_dma semaphore(%arg12 : memref<!tpu.dma_semaphore, #tpu.memory_space<semaphore_mem>>) src(%dma_wait3A_203 : memref<524288xf32, #tpu.memory_space<vmem_shared>>) dst(%dma_wait3A_199 : memref<4096xf32, #tpu.memory_space<vmem>>)
    %add3A_204 = arith.constant 393216 : i32
    %add3A_205 = arith.addi %mul3A_0, %add3A_204 : i32
    %mul3A_206 = arith.constant 8192 : i32
    %mul3A_207 = arith.muli %arg1, %mul3A_206 : i32
    %add3A_208 = arith.addi %add3A_205, %mul3A_207 : i32
    %dma_start3A_209 = tpu.memref_slice %arg4[%add3A_208] : memref<4194304xf32, #tpu.memory_space<hbm>> -> memref<8192xf32, #tpu.memory_space<hbm>>
    %dma_start3A_210 = tpu.memref_slice %arg4[%add3A_208] : memref<4194304xf32, #tpu.memory_space<hbm>> -> memref<8192xf32, #tpu.memory_space<hbm>>
    tpu.enqueue_dma source(%arg10 : memref<8192xf32, #tpu.memory_space<vmem>>) target(%dma_start3A_210 : memref<8192xf32, #tpu.memory_space<hbm>>) target_semaphore(%arg13 : memref<!tpu.dma_semaphore, #tpu.memory_space<semaphore_mem>>)
    %dma_wait3A_211 = tpu.memref_slice %arg5[%mul3A_170] : memref<524288xf32, #tpu.memory_space<vmem_shared>> -> memref<32768xf32, #tpu.memory_space<vmem_shared>>
    %dma_wait3A_212 = tpu.memref_slice %arg2[%add3A_168] : memref<16777216xf32, #tpu.memory_space<hbm>> -> memref<32768xf32, #tpu.memory_space<hbm>>
    tpu.wait_dma2 semaphore(%arg14 : memref<!tpu.dma_semaphore, #tpu.memory_space<semaphore_mem>>) src(%dma_wait3A_212 : memref<32768xf32, #tpu.memory_space<hbm>>) dst(%dma_wait3A_211 : memref<32768xf32, #tpu.memory_space<vmem_shared>>)
    %barrier3A_213 = arith.constant 0 : index
    tpu.barrier barrier_id(%barrier3A_213)
    %add3A_214 = arith.constant 2621440 : i32
    %add3A_215 = arith.addi %mul3A_2, %add3A_214 : i32
    %mul3A_216 = arith.constant 32768 : i32
    %mul3A_217 = arith.muli %arg1, %mul3A_216 : i32
    %add3A_218 = arith.addi %add3A_215, %mul3A_217 : i32
    %mul3A_219 = arith.constant 32768 : i32
    %mul3A_220 = arith.muli %arg1, %mul3A_219 : i32
    %dma_start3A_221 = tpu.memref_slice %arg6[%mul3A_220] : memref<524288xf32, #tpu.memory_space<vmem_shared>> -> memref<32768xf32, #tpu.memory_space<vmem_shared>>
    %dma_start3A_222 = tpu.memref_slice %arg2[%add3A_218] : memref<16777216xf32, #tpu.memory_space<hbm>> -> memref<32768xf32, #tpu.memory_space<hbm>>
    tpu.enqueue_dma source(%dma_start3A_222 : memref<32768xf32, #tpu.memory_space<hbm>>) target(%dma_start3A_221 : memref<32768xf32, #tpu.memory_space<vmem_shared>>) target_semaphore(%arg14 : memref<!tpu.dma_semaphore, #tpu.memory_space<semaphore_mem>>)
    %dma_start3A_223 = arith.constant 0 : i32
    %dma_start3A_224 = tpu.memref_slice %arg9[%dma_start3A_223] : memref<8192xf32, #tpu.memory_space<vmem>> -> memref<4096xf32, #tpu.memory_space<vmem>>
    %dma_start3A_225 = arith.constant 0 : i32
    %dma_start3A_226 = tpu.memref_slice %arg7[%dma_start3A_225] : memref<8192xi32, #tpu.memory_space<vmem>> -> memref<4096xi32, #tpu.memory_space<vmem>>
    %dma_start3A_227 = arith.constant 0 : i32
    %dma_start3A_228 = tpu.memref_slice %arg5[%dma_start3A_227] : memref<524288xf32, #tpu.memory_space<vmem_shared>> -> memref<524288xf32, #tpu.memory_space<vmem_shared>>
    tpu.enqueue_indirect_dma source(%dma_start3A_228 : memref<524288xf32, #tpu.memory_space<vmem_shared>>) target(%dma_start3A_224 : memref<4096xf32, #tpu.memory_space<vmem>>) offsets(%dma_start3A_226 : memref<4096xi32, #tpu.memory_space<vmem>>) semaphore(%arg11 : memref<!tpu.dma_semaphore, #tpu.memory_space<semaphore_mem>>)
    %dma_start3A_229 = arith.constant 4096 : i32
    %dma_start3A_230 = tpu.memref_slice %arg9[%dma_start3A_229] : memref<8192xf32, #tpu.memory_space<vmem>> -> memref<4096xf32, #tpu.memory_space<vmem>>
    %dma_start3A_231 = arith.constant 4096 : i32
    %dma_start3A_232 = tpu.memref_slice %arg7[%dma_start3A_231] : memref<8192xi32, #tpu.memory_space<vmem>> -> memref<4096xi32, #tpu.memory_space<vmem>>
    %dma_start3A_233 = arith.constant 0 : i32
    %dma_start3A_234 = tpu.memref_slice %arg5[%dma_start3A_233] : memref<524288xf32, #tpu.memory_space<vmem_shared>> -> memref<524288xf32, #tpu.memory_space<vmem_shared>>
    tpu.enqueue_indirect_dma source(%dma_start3A_234 : memref<524288xf32, #tpu.memory_space<vmem_shared>>) target(%dma_start3A_230 : memref<4096xf32, #tpu.memory_space<vmem>>) offsets(%dma_start3A_232 : memref<4096xi32, #tpu.memory_space<vmem>>) semaphore(%arg12 : memref<!tpu.dma_semaphore, #tpu.memory_space<semaphore_mem>>)
    %add3A_235 = arith.constant 655360 : i32
    %add3A_236 = arith.addi %mul3A_0, %add3A_235 : i32
    %mul3A_237 = arith.constant 8192 : i32
    %mul3A_238 = arith.muli %arg1, %mul3A_237 : i32
    %add3A_239 = arith.addi %add3A_236, %mul3A_238 : i32
    "tpu.region"() ({
      %run_scoped3A = tpu.sem_alloc : memref<!tpu.dma_semaphore, #tpu.memory_space<semaphore_mem>>
      %dma_start3A_799 = tpu.memref_slice %arg3[%add3A_239] : memref<4194304xi32, #tpu.memory_space<hbm>> -> memref<8192xi32, #tpu.memory_space<hbm>>
      %dma_start3A_800 = tpu.memref_slice %arg3[%add3A_239] : memref<4194304xi32, #tpu.memory_space<hbm>> -> memref<8192xi32, #tpu.memory_space<hbm>>
      tpu.enqueue_dma source(%dma_start3A_800 : memref<8192xi32, #tpu.memory_space<hbm>>) target(%arg8 : memref<8192xi32, #tpu.memory_space<vmem>>) target_semaphore(%run_scoped3A : memref<!tpu.dma_semaphore, #tpu.memory_space<semaphore_mem>>)
      %dma_wait3A_801 = tpu.memref_slice %arg3[%add3A_239] : memref<4194304xi32, #tpu.memory_space<hbm>> -> memref<8192xi32, #tpu.memory_space<hbm>>
      %dma_wait3A_802 = tpu.memref_slice %arg3[%add3A_239] : memref<4194304xi32, #tpu.memory_space<hbm>> -> memref<8192xi32, #tpu.memory_space<hbm>>
      tpu.wait_dma2 semaphore(%run_scoped3A : memref<!tpu.dma_semaphore, #tpu.memory_space<semaphore_mem>>) src(%dma_wait3A_802 : memref<8192xi32, #tpu.memory_space<hbm>>) dst(%arg8 : memref<8192xi32, #tpu.memory_space<vmem>>)
      tpu.yield
    }) : () -> ()
    %dma_wait3A_240 = tpu.memref_slice %arg4[%add3A_208] : memref<4194304xf32, #tpu.memory_space<hbm>> -> memref<8192xf32, #tpu.memory_space<hbm>>
    %dma_wait3A_241 = tpu.memref_slice %arg4[%add3A_208] : memref<4194304xf32, #tpu.memory_space<hbm>> -> memref<8192xf32, #tpu.memory_space<hbm>>
    tpu.wait_dma2 semaphore(%arg13 : memref<!tpu.dma_semaphore, #tpu.memory_space<semaphore_mem>>) src(%arg10 : memref<8192xf32, #tpu.memory_space<vmem>>) dst(%dma_wait3A_241 : memref<8192xf32, #tpu.memory_space<hbm>>)
    %dma_wait3A_242 = arith.constant 0 : i32
    %dma_wait3A_243 = tpu.memref_slice %arg9[%dma_wait3A_242] : memref<8192xf32, #tpu.memory_space<vmem>> -> memref<4096xf32, #tpu.memory_space<vmem>>
    %dma_wait3A_244 = arith.constant 0 : i32
    %dma_wait3A_245 = tpu.memref_slice %arg7[%dma_wait3A_244] : memref<8192xi32, #tpu.memory_space<vmem>> -> memref<4096xi32, #tpu.memory_space<vmem>>
    %dma_wait3A_246 = arith.constant 0 : i32
    %dma_wait3A_247 = tpu.memref_slice %arg5[%dma_wait3A_246] : memref<524288xf32, #tpu.memory_space<vmem_shared>> -> memref<524288xf32, #tpu.memory_space<vmem_shared>>
    tpu.wait_indirect_dma semaphore(%arg11 : memref<!tpu.dma_semaphore, #tpu.memory_space<semaphore_mem>>) src(%dma_wait3A_247 : memref<524288xf32, #tpu.memory_space<vmem_shared>>) dst(%dma_wait3A_243 : memref<4096xf32, #tpu.memory_space<vmem>>)
    %dma_wait3A_248 = arith.constant 4096 : i32
    %dma_wait3A_249 = tpu.memref_slice %arg9[%dma_wait3A_248] : memref<8192xf32, #tpu.memory_space<vmem>> -> memref<4096xf32, #tpu.memory_space<vmem>>
    %dma_wait3A_250 = arith.constant 4096 : i32
    %dma_wait3A_251 = tpu.memref_slice %arg7[%dma_wait3A_250] : memref<8192xi32, #tpu.memory_space<vmem>> -> memref<4096xi32, #tpu.memory_space<vmem>>
    %dma_wait3A_252 = arith.constant 0 : i32
    %dma_wait3A_253 = tpu.memref_slice %arg5[%dma_wait3A_252] : memref<524288xf32, #tpu.memory_space<vmem_shared>> -> memref<524288xf32, #tpu.memory_space<vmem_shared>>
    tpu.wait_indirect_dma semaphore(%arg12 : memref<!tpu.dma_semaphore, #tpu.memory_space<semaphore_mem>>) src(%dma_wait3A_253 : memref<524288xf32, #tpu.memory_space<vmem_shared>>) dst(%dma_wait3A_249 : memref<4096xf32, #tpu.memory_space<vmem>>)
    %add3A_254 = arith.constant 524288 : i32
    %add3A_255 = arith.addi %mul3A_0, %add3A_254 : i32
    %mul3A_256 = arith.constant 8192 : i32
    %mul3A_257 = arith.muli %arg1, %mul3A_256 : i32
    %add3A_258 = arith.addi %add3A_255, %mul3A_257 : i32
    %dma_start3A_259 = tpu.memref_slice %arg4[%add3A_258] : memref<4194304xf32, #tpu.memory_space<hbm>> -> memref<8192xf32, #tpu.memory_space<hbm>>
    %dma_start3A_260 = tpu.memref_slice %arg4[%add3A_258] : memref<4194304xf32, #tpu.memory_space<hbm>> -> memref<8192xf32, #tpu.memory_space<hbm>>
    tpu.enqueue_dma source(%arg9 : memref<8192xf32, #tpu.memory_space<vmem>>) target(%dma_start3A_260 : memref<8192xf32, #tpu.memory_space<hbm>>) target_semaphore(%arg13 : memref<!tpu.dma_semaphore, #tpu.memory_space<semaphore_mem>>)
    %dma_wait3A_261 = tpu.memref_slice %arg6[%mul3A_220] : memref<524288xf32, #tpu.memory_space<vmem_shared>> -> memref<32768xf32, #tpu.memory_space<vmem_shared>>
    %dma_wait3A_262 = tpu.memref_slice %arg2[%add3A_218] : memref<16777216xf32, #tpu.memory_space<hbm>> -> memref<32768xf32, #tpu.memory_space<hbm>>
    tpu.wait_dma2 semaphore(%arg14 : memref<!tpu.dma_semaphore, #tpu.memory_space<semaphore_mem>>) src(%dma_wait3A_262 : memref<32768xf32, #tpu.memory_space<hbm>>) dst(%dma_wait3A_261 : memref<32768xf32, #tpu.memory_space<vmem_shared>>)
    %barrier3A_263 = arith.constant 0 : index
    tpu.barrier barrier_id(%barrier3A_263)
    %add3A_264 = arith.constant 3145728 : i32
    %add3A_265 = arith.addi %mul3A_2, %add3A_264 : i32
    %mul3A_266 = arith.constant 32768 : i32
    %mul3A_267 = arith.muli %arg1, %mul3A_266 : i32
    %add3A_268 = arith.addi %add3A_265, %mul3A_267 : i32
    %mul3A_269 = arith.constant 32768 : i32
    %mul3A_270 = arith.muli %arg1, %mul3A_269 : i32
    %dma_start3A_271 = tpu.memref_slice %arg5[%mul3A_270] : memref<524288xf32, #tpu.memory_space<vmem_shared>> -> memref<32768xf32, #tpu.memory_space<vmem_shared>>
    %dma_start3A_272 = tpu.memref_slice %arg2[%add3A_268] : memref<16777216xf32, #tpu.memory_space<hbm>> -> memref<32768xf32, #tpu.memory_space<hbm>>
    tpu.enqueue_dma source(%dma_start3A_272 : memref<32768xf32, #tpu.memory_space<hbm>>) target(%dma_start3A_271 : memref<32768xf32, #tpu.memory_space<vmem_shared>>) target_semaphore(%arg14 : memref<!tpu.dma_semaphore, #tpu.memory_space<semaphore_mem>>)
    %dma_start3A_273 = arith.constant 0 : i32
    %dma_start3A_274 = tpu.memref_slice %arg10[%dma_start3A_273] : memref<8192xf32, #tpu.memory_space<vmem>> -> memref<4096xf32, #tpu.memory_space<vmem>>
    %dma_start3A_275 = arith.constant 0 : i32
    %dma_start3A_276 = tpu.memref_slice %arg8[%dma_start3A_275] : memref<8192xi32, #tpu.memory_space<vmem>> -> memref<4096xi32, #tpu.memory_space<vmem>>
    %dma_start3A_277 = arith.constant 0 : i32
    %dma_start3A_278 = tpu.memref_slice %arg6[%dma_start3A_277] : memref<524288xf32, #tpu.memory_space<vmem_shared>> -> memref<524288xf32, #tpu.memory_space<vmem_shared>>
    tpu.enqueue_indirect_dma source(%dma_start3A_278 : memref<524288xf32, #tpu.memory_space<vmem_shared>>) target(%dma_start3A_274 : memref<4096xf32, #tpu.memory_space<vmem>>) offsets(%dma_start3A_276 : memref<4096xi32, #tpu.memory_space<vmem>>) semaphore(%arg11 : memref<!tpu.dma_semaphore, #tpu.memory_space<semaphore_mem>>)
    %dma_start3A_279 = arith.constant 4096 : i32
    %dma_start3A_280 = tpu.memref_slice %arg10[%dma_start3A_279] : memref<8192xf32, #tpu.memory_space<vmem>> -> memref<4096xf32, #tpu.memory_space<vmem>>
    %dma_start3A_281 = arith.constant 4096 : i32
    %dma_start3A_282 = tpu.memref_slice %arg8[%dma_start3A_281] : memref<8192xi32, #tpu.memory_space<vmem>> -> memref<4096xi32, #tpu.memory_space<vmem>>
    %dma_start3A_283 = arith.constant 0 : i32
    %dma_start3A_284 = tpu.memref_slice %arg6[%dma_start3A_283] : memref<524288xf32, #tpu.memory_space<vmem_shared>> -> memref<524288xf32, #tpu.memory_space<vmem_shared>>
    tpu.enqueue_indirect_dma source(%dma_start3A_284 : memref<524288xf32, #tpu.memory_space<vmem_shared>>) target(%dma_start3A_280 : memref<4096xf32, #tpu.memory_space<vmem>>) offsets(%dma_start3A_282 : memref<4096xi32, #tpu.memory_space<vmem>>) semaphore(%arg12 : memref<!tpu.dma_semaphore, #tpu.memory_space<semaphore_mem>>)
    %add3A_285 = arith.constant 786432 : i32
    %add3A_286 = arith.addi %mul3A_0, %add3A_285 : i32
    %mul3A_287 = arith.constant 8192 : i32
    %mul3A_288 = arith.muli %arg1, %mul3A_287 : i32
    %add3A_289 = arith.addi %add3A_286, %mul3A_288 : i32
    "tpu.region"() ({
      %run_scoped3A = tpu.sem_alloc : memref<!tpu.dma_semaphore, #tpu.memory_space<semaphore_mem>>
      %dma_start3A_799 = tpu.memref_slice %arg3[%add3A_289] : memref<4194304xi32, #tpu.memory_space<hbm>> -> memref<8192xi32, #tpu.memory_space<hbm>>
      %dma_start3A_800 = tpu.memref_slice %arg3[%add3A_289] : memref<4194304xi32, #tpu.memory_space<hbm>> -> memref<8192xi32, #tpu.memory_space<hbm>>
      tpu.enqueue_dma source(%dma_start3A_800 : memref<8192xi32, #tpu.memory_space<hbm>>) target(%arg7 : memref<8192xi32, #tpu.memory_space<vmem>>) target_semaphore(%run_scoped3A : memref<!tpu.dma_semaphore, #tpu.memory_space<semaphore_mem>>)
      %dma_wait3A_801 = tpu.memref_slice %arg3[%add3A_289] : memref<4194304xi32, #tpu.memory_space<hbm>> -> memref<8192xi32, #tpu.memory_space<hbm>>
      %dma_wait3A_802 = tpu.memref_slice %arg3[%add3A_289] : memref<4194304xi32, #tpu.memory_space<hbm>> -> memref<8192xi32, #tpu.memory_space<hbm>>
      tpu.wait_dma2 semaphore(%run_scoped3A : memref<!tpu.dma_semaphore, #tpu.memory_space<semaphore_mem>>) src(%dma_wait3A_802 : memref<8192xi32, #tpu.memory_space<hbm>>) dst(%arg7 : memref<8192xi32, #tpu.memory_space<vmem>>)
      tpu.yield
    }) : () -> ()
    %dma_wait3A_290 = tpu.memref_slice %arg4[%add3A_258] : memref<4194304xf32, #tpu.memory_space<hbm>> -> memref<8192xf32, #tpu.memory_space<hbm>>
    %dma_wait3A_291 = tpu.memref_slice %arg4[%add3A_258] : memref<4194304xf32, #tpu.memory_space<hbm>> -> memref<8192xf32, #tpu.memory_space<hbm>>
    tpu.wait_dma2 semaphore(%arg13 : memref<!tpu.dma_semaphore, #tpu.memory_space<semaphore_mem>>) src(%arg9 : memref<8192xf32, #tpu.memory_space<vmem>>) dst(%dma_wait3A_291 : memref<8192xf32, #tpu.memory_space<hbm>>)
    %dma_wait3A_292 = arith.constant 0 : i32
    %dma_wait3A_293 = tpu.memref_slice %arg10[%dma_wait3A_292] : memref<8192xf32, #tpu.memory_space<vmem>> -> memref<4096xf32, #tpu.memory_space<vmem>>
    %dma_wait3A_294 = arith.constant 0 : i32
    %dma_wait3A_295 = tpu.memref_slice %arg8[%dma_wait3A_294] : memref<8192xi32, #tpu.memory_space<vmem>> -> memref<4096xi32, #tpu.memory_space<vmem>>
    %dma_wait3A_296 = arith.constant 0 : i32
    %dma_wait3A_297 = tpu.memref_slice %arg6[%dma_wait3A_296] : memref<524288xf32, #tpu.memory_space<vmem_shared>> -> memref<524288xf32, #tpu.memory_space<vmem_shared>>
    tpu.wait_indirect_dma semaphore(%arg11 : memref<!tpu.dma_semaphore, #tpu.memory_space<semaphore_mem>>) src(%dma_wait3A_297 : memref<524288xf32, #tpu.memory_space<vmem_shared>>) dst(%dma_wait3A_293 : memref<4096xf32, #tpu.memory_space<vmem>>)
    %dma_wait3A_298 = arith.constant 4096 : i32
    %dma_wait3A_299 = tpu.memref_slice %arg10[%dma_wait3A_298] : memref<8192xf32, #tpu.memory_space<vmem>> -> memref<4096xf32, #tpu.memory_space<vmem>>
    %dma_wait3A_300 = arith.constant 4096 : i32
    %dma_wait3A_301 = tpu.memref_slice %arg8[%dma_wait3A_300] : memref<8192xi32, #tpu.memory_space<vmem>> -> memref<4096xi32, #tpu.memory_space<vmem>>
    %dma_wait3A_302 = arith.constant 0 : i32
    %dma_wait3A_303 = tpu.memref_slice %arg6[%dma_wait3A_302] : memref<524288xf32, #tpu.memory_space<vmem_shared>> -> memref<524288xf32, #tpu.memory_space<vmem_shared>>
    tpu.wait_indirect_dma semaphore(%arg12 : memref<!tpu.dma_semaphore, #tpu.memory_space<semaphore_mem>>) src(%dma_wait3A_303 : memref<524288xf32, #tpu.memory_space<vmem_shared>>) dst(%dma_wait3A_299 : memref<4096xf32, #tpu.memory_space<vmem>>)
    %add3A_304 = arith.constant 655360 : i32
    %add3A_305 = arith.addi %mul3A_0, %add3A_304 : i32
    %mul3A_306 = arith.constant 8192 : i32
    %mul3A_307 = arith.muli %arg1, %mul3A_306 : i32
    %add3A_308 = arith.addi %add3A_305, %mul3A_307 : i32
    %dma_start3A_309 = tpu.memref_slice %arg4[%add3A_308] : memref<4194304xf32, #tpu.memory_space<hbm>> -> memref<8192xf32, #tpu.memory_space<hbm>>
    %dma_start3A_310 = tpu.memref_slice %arg4[%add3A_308] : memref<4194304xf32, #tpu.memory_space<hbm>> -> memref<8192xf32, #tpu.memory_space<hbm>>
    tpu.enqueue_dma source(%arg10 : memref<8192xf32, #tpu.memory_space<vmem>>) target(%dma_start3A_310 : memref<8192xf32, #tpu.memory_space<hbm>>) target_semaphore(%arg13 : memref<!tpu.dma_semaphore, #tpu.memory_space<semaphore_mem>>)
    %dma_wait3A_311 = tpu.memref_slice %arg5[%mul3A_270] : memref<524288xf32, #tpu.memory_space<vmem_shared>> -> memref<32768xf32, #tpu.memory_space<vmem_shared>>
    %dma_wait3A_312 = tpu.memref_slice %arg2[%add3A_268] : memref<16777216xf32, #tpu.memory_space<hbm>> -> memref<32768xf32, #tpu.memory_space<hbm>>
    tpu.wait_dma2 semaphore(%arg14 : memref<!tpu.dma_semaphore, #tpu.memory_space<semaphore_mem>>) src(%dma_wait3A_312 : memref<32768xf32, #tpu.memory_space<hbm>>) dst(%dma_wait3A_311 : memref<32768xf32, #tpu.memory_space<vmem_shared>>)
    %barrier3A_313 = arith.constant 0 : index
    tpu.barrier barrier_id(%barrier3A_313)
    %add3A_314 = arith.constant 3670016 : i32
    %add3A_315 = arith.addi %mul3A_2, %add3A_314 : i32
    %mul3A_316 = arith.constant 32768 : i32
    %mul3A_317 = arith.muli %arg1, %mul3A_316 : i32
    %add3A_318 = arith.addi %add3A_315, %mul3A_317 : i32
    %mul3A_319 = arith.constant 32768 : i32
    %mul3A_320 = arith.muli %arg1, %mul3A_319 : i32
    %dma_start3A_321 = tpu.memref_slice %arg6[%mul3A_320] : memref<524288xf32, #tpu.memory_space<vmem_shared>> -> memref<32768xf32, #tpu.memory_space<vmem_shared>>
    %dma_start3A_322 = tpu.memref_slice %arg2[%add3A_318] : memref<16777216xf32, #tpu.memory_space<hbm>> -> memref<32768xf32, #tpu.memory_space<hbm>>
    tpu.enqueue_dma source(%dma_start3A_322 : memref<32768xf32, #tpu.memory_space<hbm>>) target(%dma_start3A_321 : memref<32768xf32, #tpu.memory_space<vmem_shared>>) target_semaphore(%arg14 : memref<!tpu.dma_semaphore, #tpu.memory_space<semaphore_mem>>)
    %dma_start3A_323 = arith.constant 0 : i32
    %dma_start3A_324 = tpu.memref_slice %arg9[%dma_start3A_323] : memref<8192xf32, #tpu.memory_space<vmem>> -> memref<4096xf32, #tpu.memory_space<vmem>>
    %dma_start3A_325 = arith.constant 0 : i32
    %dma_start3A_326 = tpu.memref_slice %arg7[%dma_start3A_325] : memref<8192xi32, #tpu.memory_space<vmem>> -> memref<4096xi32, #tpu.memory_space<vmem>>
    %dma_start3A_327 = arith.constant 0 : i32
    %dma_start3A_328 = tpu.memref_slice %arg5[%dma_start3A_327] : memref<524288xf32, #tpu.memory_space<vmem_shared>> -> memref<524288xf32, #tpu.memory_space<vmem_shared>>
    tpu.enqueue_indirect_dma source(%dma_start3A_328 : memref<524288xf32, #tpu.memory_space<vmem_shared>>) target(%dma_start3A_324 : memref<4096xf32, #tpu.memory_space<vmem>>) offsets(%dma_start3A_326 : memref<4096xi32, #tpu.memory_space<vmem>>) semaphore(%arg11 : memref<!tpu.dma_semaphore, #tpu.memory_space<semaphore_mem>>)
    %dma_start3A_329 = arith.constant 4096 : i32
    %dma_start3A_330 = tpu.memref_slice %arg9[%dma_start3A_329] : memref<8192xf32, #tpu.memory_space<vmem>> -> memref<4096xf32, #tpu.memory_space<vmem>>
    %dma_start3A_331 = arith.constant 4096 : i32
    %dma_start3A_332 = tpu.memref_slice %arg7[%dma_start3A_331] : memref<8192xi32, #tpu.memory_space<vmem>> -> memref<4096xi32, #tpu.memory_space<vmem>>
    %dma_start3A_333 = arith.constant 0 : i32
    %dma_start3A_334 = tpu.memref_slice %arg5[%dma_start3A_333] : memref<524288xf32, #tpu.memory_space<vmem_shared>> -> memref<524288xf32, #tpu.memory_space<vmem_shared>>
    tpu.enqueue_indirect_dma source(%dma_start3A_334 : memref<524288xf32, #tpu.memory_space<vmem_shared>>) target(%dma_start3A_330 : memref<4096xf32, #tpu.memory_space<vmem>>) offsets(%dma_start3A_332 : memref<4096xi32, #tpu.memory_space<vmem>>) semaphore(%arg12 : memref<!tpu.dma_semaphore, #tpu.memory_space<semaphore_mem>>)
    %add3A_335 = arith.constant 917504 : i32
    %add3A_336 = arith.addi %mul3A_0, %add3A_335 : i32
    %mul3A_337 = arith.constant 8192 : i32
    %mul3A_338 = arith.muli %arg1, %mul3A_337 : i32
    %add3A_339 = arith.addi %add3A_336, %mul3A_338 : i32
    "tpu.region"() ({
      %run_scoped3A = tpu.sem_alloc : memref<!tpu.dma_semaphore, #tpu.memory_space<semaphore_mem>>
      %dma_start3A_799 = tpu.memref_slice %arg3[%add3A_339] : memref<4194304xi32, #tpu.memory_space<hbm>> -> memref<8192xi32, #tpu.memory_space<hbm>>
      %dma_start3A_800 = tpu.memref_slice %arg3[%add3A_339] : memref<4194304xi32, #tpu.memory_space<hbm>> -> memref<8192xi32, #tpu.memory_space<hbm>>
      tpu.enqueue_dma source(%dma_start3A_800 : memref<8192xi32, #tpu.memory_space<hbm>>) target(%arg8 : memref<8192xi32, #tpu.memory_space<vmem>>) target_semaphore(%run_scoped3A : memref<!tpu.dma_semaphore, #tpu.memory_space<semaphore_mem>>)
      %dma_wait3A_801 = tpu.memref_slice %arg3[%add3A_339] : memref<4194304xi32, #tpu.memory_space<hbm>> -> memref<8192xi32, #tpu.memory_space<hbm>>
      %dma_wait3A_802 = tpu.memref_slice %arg3[%add3A_339] : memref<4194304xi32, #tpu.memory_space<hbm>> -> memref<8192xi32, #tpu.memory_space<hbm>>
      tpu.wait_dma2 semaphore(%run_scoped3A : memref<!tpu.dma_semaphore, #tpu.memory_space<semaphore_mem>>) src(%dma_wait3A_802 : memref<8192xi32, #tpu.memory_space<hbm>>) dst(%arg8 : memref<8192xi32, #tpu.memory_space<vmem>>)
      tpu.yield
    }) : () -> ()
    %dma_wait3A_340 = tpu.memref_slice %arg4[%add3A_308] : memref<4194304xf32, #tpu.memory_space<hbm>> -> memref<8192xf32, #tpu.memory_space<hbm>>
    %dma_wait3A_341 = tpu.memref_slice %arg4[%add3A_308] : memref<4194304xf32, #tpu.memory_space<hbm>> -> memref<8192xf32, #tpu.memory_space<hbm>>
    tpu.wait_dma2 semaphore(%arg13 : memref<!tpu.dma_semaphore, #tpu.memory_space<semaphore_mem>>) src(%arg10 : memref<8192xf32, #tpu.memory_space<vmem>>) dst(%dma_wait3A_341 : memref<8192xf32, #tpu.memory_space<hbm>>)
    %dma_wait3A_342 = arith.constant 0 : i32
    %dma_wait3A_343 = tpu.memref_slice %arg9[%dma_wait3A_342] : memref<8192xf32, #tpu.memory_space<vmem>> -> memref<4096xf32, #tpu.memory_space<vmem>>
    %dma_wait3A_344 = arith.constant 0 : i32
    %dma_wait3A_345 = tpu.memref_slice %arg7[%dma_wait3A_344] : memref<8192xi32, #tpu.memory_space<vmem>> -> memref<4096xi32, #tpu.memory_space<vmem>>
    %dma_wait3A_346 = arith.constant 0 : i32
    %dma_wait3A_347 = tpu.memref_slice %arg5[%dma_wait3A_346] : memref<524288xf32, #tpu.memory_space<vmem_shared>> -> memref<524288xf32, #tpu.memory_space<vmem_shared>>
    tpu.wait_indirect_dma semaphore(%arg11 : memref<!tpu.dma_semaphore, #tpu.memory_space<semaphore_mem>>) src(%dma_wait3A_347 : memref<524288xf32, #tpu.memory_space<vmem_shared>>) dst(%dma_wait3A_343 : memref<4096xf32, #tpu.memory_space<vmem>>)
    %dma_wait3A_348 = arith.constant 4096 : i32
    %dma_wait3A_349 = tpu.memref_slice %arg9[%dma_wait3A_348] : memref<8192xf32, #tpu.memory_space<vmem>> -> memref<4096xf32, #tpu.memory_space<vmem>>
    %dma_wait3A_350 = arith.constant 4096 : i32
    %dma_wait3A_351 = tpu.memref_slice %arg7[%dma_wait3A_350] : memref<8192xi32, #tpu.memory_space<vmem>> -> memref<4096xi32, #tpu.memory_space<vmem>>
    %dma_wait3A_352 = arith.constant 0 : i32
    %dma_wait3A_353 = tpu.memref_slice %arg5[%dma_wait3A_352] : memref<524288xf32, #tpu.memory_space<vmem_shared>> -> memref<524288xf32, #tpu.memory_space<vmem_shared>>
    tpu.wait_indirect_dma semaphore(%arg12 : memref<!tpu.dma_semaphore, #tpu.memory_space<semaphore_mem>>) src(%dma_wait3A_353 : memref<524288xf32, #tpu.memory_space<vmem_shared>>) dst(%dma_wait3A_349 : memref<4096xf32, #tpu.memory_space<vmem>>)
    %add3A_354 = arith.constant 786432 : i32
    %add3A_355 = arith.addi %mul3A_0, %add3A_354 : i32
    %mul3A_356 = arith.constant 8192 : i32
    %mul3A_357 = arith.muli %arg1, %mul3A_356 : i32
    %add3A_358 = arith.addi %add3A_355, %mul3A_357 : i32
    %dma_start3A_359 = tpu.memref_slice %arg4[%add3A_358] : memref<4194304xf32, #tpu.memory_space<hbm>> -> memref<8192xf32, #tpu.memory_space<hbm>>
    %dma_start3A_360 = tpu.memref_slice %arg4[%add3A_358] : memref<4194304xf32, #tpu.memory_space<hbm>> -> memref<8192xf32, #tpu.memory_space<hbm>>
    tpu.enqueue_dma source(%arg9 : memref<8192xf32, #tpu.memory_space<vmem>>) target(%dma_start3A_360 : memref<8192xf32, #tpu.memory_space<hbm>>) target_semaphore(%arg13 : memref<!tpu.dma_semaphore, #tpu.memory_space<semaphore_mem>>)
    %dma_wait3A_361 = tpu.memref_slice %arg6[%mul3A_320] : memref<524288xf32, #tpu.memory_space<vmem_shared>> -> memref<32768xf32, #tpu.memory_space<vmem_shared>>
    %dma_wait3A_362 = tpu.memref_slice %arg2[%add3A_318] : memref<16777216xf32, #tpu.memory_space<hbm>> -> memref<32768xf32, #tpu.memory_space<hbm>>
    tpu.wait_dma2 semaphore(%arg14 : memref<!tpu.dma_semaphore, #tpu.memory_space<semaphore_mem>>) src(%dma_wait3A_362 : memref<32768xf32, #tpu.memory_space<hbm>>) dst(%dma_wait3A_361 : memref<32768xf32, #tpu.memory_space<vmem_shared>>)
    %barrier3A_363 = arith.constant 0 : index
    tpu.barrier barrier_id(%barrier3A_363)
    %add3A_364 = arith.constant 4194304 : i32
    %add3A_365 = arith.addi %mul3A_2, %add3A_364 : i32
    %mul3A_366 = arith.constant 32768 : i32
    %mul3A_367 = arith.muli %arg1, %mul3A_366 : i32
    %add3A_368 = arith.addi %add3A_365, %mul3A_367 : i32
    %mul3A_369 = arith.constant 32768 : i32
    %mul3A_370 = arith.muli %arg1, %mul3A_369 : i32
    %dma_start3A_371 = tpu.memref_slice %arg5[%mul3A_370] : memref<524288xf32, #tpu.memory_space<vmem_shared>> -> memref<32768xf32, #tpu.memory_space<vmem_shared>>
    %dma_start3A_372 = tpu.memref_slice %arg2[%add3A_368] : memref<16777216xf32, #tpu.memory_space<hbm>> -> memref<32768xf32, #tpu.memory_space<hbm>>
    tpu.enqueue_dma source(%dma_start3A_372 : memref<32768xf32, #tpu.memory_space<hbm>>) target(%dma_start3A_371 : memref<32768xf32, #tpu.memory_space<vmem_shared>>) target_semaphore(%arg14 : memref<!tpu.dma_semaphore, #tpu.memory_space<semaphore_mem>>)
    %dma_start3A_373 = arith.constant 0 : i32
    %dma_start3A_374 = tpu.memref_slice %arg10[%dma_start3A_373] : memref<8192xf32, #tpu.memory_space<vmem>> -> memref<4096xf32, #tpu.memory_space<vmem>>
    %dma_start3A_375 = arith.constant 0 : i32
    %dma_start3A_376 = tpu.memref_slice %arg8[%dma_start3A_375] : memref<8192xi32, #tpu.memory_space<vmem>> -> memref<4096xi32, #tpu.memory_space<vmem>>
    %dma_start3A_377 = arith.constant 0 : i32
    %dma_start3A_378 = tpu.memref_slice %arg6[%dma_start3A_377] : memref<524288xf32, #tpu.memory_space<vmem_shared>> -> memref<524288xf32, #tpu.memory_space<vmem_shared>>
    tpu.enqueue_indirect_dma source(%dma_start3A_378 : memref<524288xf32, #tpu.memory_space<vmem_shared>>) target(%dma_start3A_374 : memref<4096xf32, #tpu.memory_space<vmem>>) offsets(%dma_start3A_376 : memref<4096xi32, #tpu.memory_space<vmem>>) semaphore(%arg11 : memref<!tpu.dma_semaphore, #tpu.memory_space<semaphore_mem>>)
    %dma_start3A_379 = arith.constant 4096 : i32
    %dma_start3A_380 = tpu.memref_slice %arg10[%dma_start3A_379] : memref<8192xf32, #tpu.memory_space<vmem>> -> memref<4096xf32, #tpu.memory_space<vmem>>
    %dma_start3A_381 = arith.constant 4096 : i32
    %dma_start3A_382 = tpu.memref_slice %arg8[%dma_start3A_381] : memref<8192xi32, #tpu.memory_space<vmem>> -> memref<4096xi32, #tpu.memory_space<vmem>>
    %dma_start3A_383 = arith.constant 0 : i32
    %dma_start3A_384 = tpu.memref_slice %arg6[%dma_start3A_383] : memref<524288xf32, #tpu.memory_space<vmem_shared>> -> memref<524288xf32, #tpu.memory_space<vmem_shared>>
    tpu.enqueue_indirect_dma source(%dma_start3A_384 : memref<524288xf32, #tpu.memory_space<vmem_shared>>) target(%dma_start3A_380 : memref<4096xf32, #tpu.memory_space<vmem>>) offsets(%dma_start3A_382 : memref<4096xi32, #tpu.memory_space<vmem>>) semaphore(%arg12 : memref<!tpu.dma_semaphore, #tpu.memory_space<semaphore_mem>>)
    %add3A_385 = arith.constant 1048576 : i32
    %add3A_386 = arith.addi %mul3A_0, %add3A_385 : i32
    %mul3A_387 = arith.constant 8192 : i32
    %mul3A_388 = arith.muli %arg1, %mul3A_387 : i32
    %add3A_389 = arith.addi %add3A_386, %mul3A_388 : i32
    "tpu.region"() ({
      %run_scoped3A = tpu.sem_alloc : memref<!tpu.dma_semaphore, #tpu.memory_space<semaphore_mem>>
      %dma_start3A_799 = tpu.memref_slice %arg3[%add3A_389] : memref<4194304xi32, #tpu.memory_space<hbm>> -> memref<8192xi32, #tpu.memory_space<hbm>>
      %dma_start3A_800 = tpu.memref_slice %arg3[%add3A_389] : memref<4194304xi32, #tpu.memory_space<hbm>> -> memref<8192xi32, #tpu.memory_space<hbm>>
      tpu.enqueue_dma source(%dma_start3A_800 : memref<8192xi32, #tpu.memory_space<hbm>>) target(%arg7 : memref<8192xi32, #tpu.memory_space<vmem>>) target_semaphore(%run_scoped3A : memref<!tpu.dma_semaphore, #tpu.memory_space<semaphore_mem>>)
      %dma_wait3A_801 = tpu.memref_slice %arg3[%add3A_389] : memref<4194304xi32, #tpu.memory_space<hbm>> -> memref<8192xi32, #tpu.memory_space<hbm>>
      %dma_wait3A_802 = tpu.memref_slice %arg3[%add3A_389] : memref<4194304xi32, #tpu.memory_space<hbm>> -> memref<8192xi32, #tpu.memory_space<hbm>>
      tpu.wait_dma2 semaphore(%run_scoped3A : memref<!tpu.dma_semaphore, #tpu.memory_space<semaphore_mem>>) src(%dma_wait3A_802 : memref<8192xi32, #tpu.memory_space<hbm>>) dst(%arg7 : memref<8192xi32, #tpu.memory_space<vmem>>)
      tpu.yield
    }) : () -> ()
    %dma_wait3A_390 = tpu.memref_slice %arg4[%add3A_358] : memref<4194304xf32, #tpu.memory_space<hbm>> -> memref<8192xf32, #tpu.memory_space<hbm>>
    %dma_wait3A_391 = tpu.memref_slice %arg4[%add3A_358] : memref<4194304xf32, #tpu.memory_space<hbm>> -> memref<8192xf32, #tpu.memory_space<hbm>>
    tpu.wait_dma2 semaphore(%arg13 : memref<!tpu.dma_semaphore, #tpu.memory_space<semaphore_mem>>) src(%arg9 : memref<8192xf32, #tpu.memory_space<vmem>>) dst(%dma_wait3A_391 : memref<8192xf32, #tpu.memory_space<hbm>>)
    %dma_wait3A_392 = arith.constant 0 : i32
    %dma_wait3A_393 = tpu.memref_slice %arg10[%dma_wait3A_392] : memref<8192xf32, #tpu.memory_space<vmem>> -> memref<4096xf32, #tpu.memory_space<vmem>>
    %dma_wait3A_394 = arith.constant 0 : i32
    %dma_wait3A_395 = tpu.memref_slice %arg8[%dma_wait3A_394] : memref<8192xi32, #tpu.memory_space<vmem>> -> memref<4096xi32, #tpu.memory_space<vmem>>
    %dma_wait3A_396 = arith.constant 0 : i32
    %dma_wait3A_397 = tpu.memref_slice %arg6[%dma_wait3A_396] : memref<524288xf32, #tpu.memory_space<vmem_shared>> -> memref<524288xf32, #tpu.memory_space<vmem_shared>>
    tpu.wait_indirect_dma semaphore(%arg11 : memref<!tpu.dma_semaphore, #tpu.memory_space<semaphore_mem>>) src(%dma_wait3A_397 : memref<524288xf32, #tpu.memory_space<vmem_shared>>) dst(%dma_wait3A_393 : memref<4096xf32, #tpu.memory_space<vmem>>)
    %dma_wait3A_398 = arith.constant 4096 : i32
    %dma_wait3A_399 = tpu.memref_slice %arg10[%dma_wait3A_398] : memref<8192xf32, #tpu.memory_space<vmem>> -> memref<4096xf32, #tpu.memory_space<vmem>>
    %dma_wait3A_400 = arith.constant 4096 : i32
    %dma_wait3A_401 = tpu.memref_slice %arg8[%dma_wait3A_400] : memref<8192xi32, #tpu.memory_space<vmem>> -> memref<4096xi32, #tpu.memory_space<vmem>>
    %dma_wait3A_402 = arith.constant 0 : i32
    %dma_wait3A_403 = tpu.memref_slice %arg6[%dma_wait3A_402] : memref<524288xf32, #tpu.memory_space<vmem_shared>> -> memref<524288xf32, #tpu.memory_space<vmem_shared>>
    tpu.wait_indirect_dma semaphore(%arg12 : memref<!tpu.dma_semaphore, #tpu.memory_space<semaphore_mem>>) src(%dma_wait3A_403 : memref<524288xf32, #tpu.memory_space<vmem_shared>>) dst(%dma_wait3A_399 : memref<4096xf32, #tpu.memory_space<vmem>>)
    %add3A_404 = arith.constant 917504 : i32
    %add3A_405 = arith.addi %mul3A_0, %add3A_404 : i32
    %mul3A_406 = arith.constant 8192 : i32
    %mul3A_407 = arith.muli %arg1, %mul3A_406 : i32
    %add3A_408 = arith.addi %add3A_405, %mul3A_407 : i32
    %dma_start3A_409 = tpu.memref_slice %arg4[%add3A_408] : memref<4194304xf32, #tpu.memory_space<hbm>> -> memref<8192xf32, #tpu.memory_space<hbm>>
    %dma_start3A_410 = tpu.memref_slice %arg4[%add3A_408] : memref<4194304xf32, #tpu.memory_space<hbm>> -> memref<8192xf32, #tpu.memory_space<hbm>>
    tpu.enqueue_dma source(%arg10 : memref<8192xf32, #tpu.memory_space<vmem>>) target(%dma_start3A_410 : memref<8192xf32, #tpu.memory_space<hbm>>) target_semaphore(%arg13 : memref<!tpu.dma_semaphore, #tpu.memory_space<semaphore_mem>>)
    %dma_wait3A_411 = tpu.memref_slice %arg5[%mul3A_370] : memref<524288xf32, #tpu.memory_space<vmem_shared>> -> memref<32768xf32, #tpu.memory_space<vmem_shared>>
    %dma_wait3A_412 = tpu.memref_slice %arg2[%add3A_368] : memref<16777216xf32, #tpu.memory_space<hbm>> -> memref<32768xf32, #tpu.memory_space<hbm>>
    tpu.wait_dma2 semaphore(%arg14 : memref<!tpu.dma_semaphore, #tpu.memory_space<semaphore_mem>>) src(%dma_wait3A_412 : memref<32768xf32, #tpu.memory_space<hbm>>) dst(%dma_wait3A_411 : memref<32768xf32, #tpu.memory_space<vmem_shared>>)
    %barrier3A_413 = arith.constant 0 : index
    tpu.barrier barrier_id(%barrier3A_413)
    %add3A_414 = arith.constant 4718592 : i32
    %add3A_415 = arith.addi %mul3A_2, %add3A_414 : i32
    %mul3A_416 = arith.constant 32768 : i32
    %mul3A_417 = arith.muli %arg1, %mul3A_416 : i32
    %add3A_418 = arith.addi %add3A_415, %mul3A_417 : i32
    %mul3A_419 = arith.constant 32768 : i32
    %mul3A_420 = arith.muli %arg1, %mul3A_419 : i32
    %dma_start3A_421 = tpu.memref_slice %arg6[%mul3A_420] : memref<524288xf32, #tpu.memory_space<vmem_shared>> -> memref<32768xf32, #tpu.memory_space<vmem_shared>>
    %dma_start3A_422 = tpu.memref_slice %arg2[%add3A_418] : memref<16777216xf32, #tpu.memory_space<hbm>> -> memref<32768xf32, #tpu.memory_space<hbm>>
    tpu.enqueue_dma source(%dma_start3A_422 : memref<32768xf32, #tpu.memory_space<hbm>>) target(%dma_start3A_421 : memref<32768xf32, #tpu.memory_space<vmem_shared>>) target_semaphore(%arg14 : memref<!tpu.dma_semaphore, #tpu.memory_space<semaphore_mem>>)
    %dma_start3A_423 = arith.constant 0 : i32
    %dma_start3A_424 = tpu.memref_slice %arg9[%dma_start3A_423] : memref<8192xf32, #tpu.memory_space<vmem>> -> memref<4096xf32, #tpu.memory_space<vmem>>
    %dma_start3A_425 = arith.constant 0 : i32
    %dma_start3A_426 = tpu.memref_slice %arg7[%dma_start3A_425] : memref<8192xi32, #tpu.memory_space<vmem>> -> memref<4096xi32, #tpu.memory_space<vmem>>
    %dma_start3A_427 = arith.constant 0 : i32
    %dma_start3A_428 = tpu.memref_slice %arg5[%dma_start3A_427] : memref<524288xf32, #tpu.memory_space<vmem_shared>> -> memref<524288xf32, #tpu.memory_space<vmem_shared>>
    tpu.enqueue_indirect_dma source(%dma_start3A_428 : memref<524288xf32, #tpu.memory_space<vmem_shared>>) target(%dma_start3A_424 : memref<4096xf32, #tpu.memory_space<vmem>>) offsets(%dma_start3A_426 : memref<4096xi32, #tpu.memory_space<vmem>>) semaphore(%arg11 : memref<!tpu.dma_semaphore, #tpu.memory_space<semaphore_mem>>)
    %dma_start3A_429 = arith.constant 4096 : i32
    %dma_start3A_430 = tpu.memref_slice %arg9[%dma_start3A_429] : memref<8192xf32, #tpu.memory_space<vmem>> -> memref<4096xf32, #tpu.memory_space<vmem>>
    %dma_start3A_431 = arith.constant 4096 : i32
    %dma_start3A_432 = tpu.memref_slice %arg7[%dma_start3A_431] : memref<8192xi32, #tpu.memory_space<vmem>> -> memref<4096xi32, #tpu.memory_space<vmem>>
    %dma_start3A_433 = arith.constant 0 : i32
    %dma_start3A_434 = tpu.memref_slice %arg5[%dma_start3A_433] : memref<524288xf32, #tpu.memory_space<vmem_shared>> -> memref<524288xf32, #tpu.memory_space<vmem_shared>>
    tpu.enqueue_indirect_dma source(%dma_start3A_434 : memref<524288xf32, #tpu.memory_space<vmem_shared>>) target(%dma_start3A_430 : memref<4096xf32, #tpu.memory_space<vmem>>) offsets(%dma_start3A_432 : memref<4096xi32, #tpu.memory_space<vmem>>) semaphore(%arg12 : memref<!tpu.dma_semaphore, #tpu.memory_space<semaphore_mem>>)
    %add3A_435 = arith.constant 1179648 : i32
    %add3A_436 = arith.addi %mul3A_0, %add3A_435 : i32
    %mul3A_437 = arith.constant 8192 : i32
    %mul3A_438 = arith.muli %arg1, %mul3A_437 : i32
    %add3A_439 = arith.addi %add3A_436, %mul3A_438 : i32
    "tpu.region"() ({
      %run_scoped3A = tpu.sem_alloc : memref<!tpu.dma_semaphore, #tpu.memory_space<semaphore_mem>>
      %dma_start3A_799 = tpu.memref_slice %arg3[%add3A_439] : memref<4194304xi32, #tpu.memory_space<hbm>> -> memref<8192xi32, #tpu.memory_space<hbm>>
      %dma_start3A_800 = tpu.memref_slice %arg3[%add3A_439] : memref<4194304xi32, #tpu.memory_space<hbm>> -> memref<8192xi32, #tpu.memory_space<hbm>>
      tpu.enqueue_dma source(%dma_start3A_800 : memref<8192xi32, #tpu.memory_space<hbm>>) target(%arg8 : memref<8192xi32, #tpu.memory_space<vmem>>) target_semaphore(%run_scoped3A : memref<!tpu.dma_semaphore, #tpu.memory_space<semaphore_mem>>)
      %dma_wait3A_801 = tpu.memref_slice %arg3[%add3A_439] : memref<4194304xi32, #tpu.memory_space<hbm>> -> memref<8192xi32, #tpu.memory_space<hbm>>
      %dma_wait3A_802 = tpu.memref_slice %arg3[%add3A_439] : memref<4194304xi32, #tpu.memory_space<hbm>> -> memref<8192xi32, #tpu.memory_space<hbm>>
      tpu.wait_dma2 semaphore(%run_scoped3A : memref<!tpu.dma_semaphore, #tpu.memory_space<semaphore_mem>>) src(%dma_wait3A_802 : memref<8192xi32, #tpu.memory_space<hbm>>) dst(%arg8 : memref<8192xi32, #tpu.memory_space<vmem>>)
      tpu.yield
    }) : () -> ()
    %dma_wait3A_440 = tpu.memref_slice %arg4[%add3A_408] : memref<4194304xf32, #tpu.memory_space<hbm>> -> memref<8192xf32, #tpu.memory_space<hbm>>
    %dma_wait3A_441 = tpu.memref_slice %arg4[%add3A_408] : memref<4194304xf32, #tpu.memory_space<hbm>> -> memref<8192xf32, #tpu.memory_space<hbm>>
    tpu.wait_dma2 semaphore(%arg13 : memref<!tpu.dma_semaphore, #tpu.memory_space<semaphore_mem>>) src(%arg10 : memref<8192xf32, #tpu.memory_space<vmem>>) dst(%dma_wait3A_441 : memref<8192xf32, #tpu.memory_space<hbm>>)
    %dma_wait3A_442 = arith.constant 0 : i32
    %dma_wait3A_443 = tpu.memref_slice %arg9[%dma_wait3A_442] : memref<8192xf32, #tpu.memory_space<vmem>> -> memref<4096xf32, #tpu.memory_space<vmem>>
    %dma_wait3A_444 = arith.constant 0 : i32
    %dma_wait3A_445 = tpu.memref_slice %arg7[%dma_wait3A_444] : memref<8192xi32, #tpu.memory_space<vmem>> -> memref<4096xi32, #tpu.memory_space<vmem>>
    %dma_wait3A_446 = arith.constant 0 : i32
    %dma_wait3A_447 = tpu.memref_slice %arg5[%dma_wait3A_446] : memref<524288xf32, #tpu.memory_space<vmem_shared>> -> memref<524288xf32, #tpu.memory_space<vmem_shared>>
    tpu.wait_indirect_dma semaphore(%arg11 : memref<!tpu.dma_semaphore, #tpu.memory_space<semaphore_mem>>) src(%dma_wait3A_447 : memref<524288xf32, #tpu.memory_space<vmem_shared>>) dst(%dma_wait3A_443 : memref<4096xf32, #tpu.memory_space<vmem>>)
    %dma_wait3A_448 = arith.constant 4096 : i32
    %dma_wait3A_449 = tpu.memref_slice %arg9[%dma_wait3A_448] : memref<8192xf32, #tpu.memory_space<vmem>> -> memref<4096xf32, #tpu.memory_space<vmem>>
    %dma_wait3A_450 = arith.constant 4096 : i32
    %dma_wait3A_451 = tpu.memref_slice %arg7[%dma_wait3A_450] : memref<8192xi32, #tpu.memory_space<vmem>> -> memref<4096xi32, #tpu.memory_space<vmem>>
    %dma_wait3A_452 = arith.constant 0 : i32
    %dma_wait3A_453 = tpu.memref_slice %arg5[%dma_wait3A_452] : memref<524288xf32, #tpu.memory_space<vmem_shared>> -> memref<524288xf32, #tpu.memory_space<vmem_shared>>
    tpu.wait_indirect_dma semaphore(%arg12 : memref<!tpu.dma_semaphore, #tpu.memory_space<semaphore_mem>>) src(%dma_wait3A_453 : memref<524288xf32, #tpu.memory_space<vmem_shared>>) dst(%dma_wait3A_449 : memref<4096xf32, #tpu.memory_space<vmem>>)
    %add3A_454 = arith.constant 1048576 : i32
    %add3A_455 = arith.addi %mul3A_0, %add3A_454 : i32
    %mul3A_456 = arith.constant 8192 : i32
    %mul3A_457 = arith.muli %arg1, %mul3A_456 : i32
    %add3A_458 = arith.addi %add3A_455, %mul3A_457 : i32
    %dma_start3A_459 = tpu.memref_slice %arg4[%add3A_458] : memref<4194304xf32, #tpu.memory_space<hbm>> -> memref<8192xf32, #tpu.memory_space<hbm>>
    %dma_start3A_460 = tpu.memref_slice %arg4[%add3A_458] : memref<4194304xf32, #tpu.memory_space<hbm>> -> memref<8192xf32, #tpu.memory_space<hbm>>
    tpu.enqueue_dma source(%arg9 : memref<8192xf32, #tpu.memory_space<vmem>>) target(%dma_start3A_460 : memref<8192xf32, #tpu.memory_space<hbm>>) target_semaphore(%arg13 : memref<!tpu.dma_semaphore, #tpu.memory_space<semaphore_mem>>)
    %dma_wait3A_461 = tpu.memref_slice %arg6[%mul3A_420] : memref<524288xf32, #tpu.memory_space<vmem_shared>> -> memref<32768xf32, #tpu.memory_space<vmem_shared>>
    %dma_wait3A_462 = tpu.memref_slice %arg2[%add3A_418] : memref<16777216xf32, #tpu.memory_space<hbm>> -> memref<32768xf32, #tpu.memory_space<hbm>>
    tpu.wait_dma2 semaphore(%arg14 : memref<!tpu.dma_semaphore, #tpu.memory_space<semaphore_mem>>) src(%dma_wait3A_462 : memref<32768xf32, #tpu.memory_space<hbm>>) dst(%dma_wait3A_461 : memref<32768xf32, #tpu.memory_space<vmem_shared>>)
    %barrier3A_463 = arith.constant 0 : index
    tpu.barrier barrier_id(%barrier3A_463)
    %add3A_464 = arith.constant 5242880 : i32
    %add3A_465 = arith.addi %mul3A_2, %add3A_464 : i32
    %mul3A_466 = arith.constant 32768 : i32
    %mul3A_467 = arith.muli %arg1, %mul3A_466 : i32
    %add3A_468 = arith.addi %add3A_465, %mul3A_467 : i32
    %mul3A_469 = arith.constant 32768 : i32
    %mul3A_470 = arith.muli %arg1, %mul3A_469 : i32
    %dma_start3A_471 = tpu.memref_slice %arg5[%mul3A_470] : memref<524288xf32, #tpu.memory_space<vmem_shared>> -> memref<32768xf32, #tpu.memory_space<vmem_shared>>
    %dma_start3A_472 = tpu.memref_slice %arg2[%add3A_468] : memref<16777216xf32, #tpu.memory_space<hbm>> -> memref<32768xf32, #tpu.memory_space<hbm>>
    tpu.enqueue_dma source(%dma_start3A_472 : memref<32768xf32, #tpu.memory_space<hbm>>) target(%dma_start3A_471 : memref<32768xf32, #tpu.memory_space<vmem_shared>>) target_semaphore(%arg14 : memref<!tpu.dma_semaphore, #tpu.memory_space<semaphore_mem>>)
    %dma_start3A_473 = arith.constant 0 : i32
    %dma_start3A_474 = tpu.memref_slice %arg10[%dma_start3A_473] : memref<8192xf32, #tpu.memory_space<vmem>> -> memref<4096xf32, #tpu.memory_space<vmem>>
    %dma_start3A_475 = arith.constant 0 : i32
    %dma_start3A_476 = tpu.memref_slice %arg8[%dma_start3A_475] : memref<8192xi32, #tpu.memory_space<vmem>> -> memref<4096xi32, #tpu.memory_space<vmem>>
    %dma_start3A_477 = arith.constant 0 : i32
    %dma_start3A_478 = tpu.memref_slice %arg6[%dma_start3A_477] : memref<524288xf32, #tpu.memory_space<vmem_shared>> -> memref<524288xf32, #tpu.memory_space<vmem_shared>>
    tpu.enqueue_indirect_dma source(%dma_start3A_478 : memref<524288xf32, #tpu.memory_space<vmem_shared>>) target(%dma_start3A_474 : memref<4096xf32, #tpu.memory_space<vmem>>) offsets(%dma_start3A_476 : memref<4096xi32, #tpu.memory_space<vmem>>) semaphore(%arg11 : memref<!tpu.dma_semaphore, #tpu.memory_space<semaphore_mem>>)
    %dma_start3A_479 = arith.constant 4096 : i32
    %dma_start3A_480 = tpu.memref_slice %arg10[%dma_start3A_479] : memref<8192xf32, #tpu.memory_space<vmem>> -> memref<4096xf32, #tpu.memory_space<vmem>>
    %dma_start3A_481 = arith.constant 4096 : i32
    %dma_start3A_482 = tpu.memref_slice %arg8[%dma_start3A_481] : memref<8192xi32, #tpu.memory_space<vmem>> -> memref<4096xi32, #tpu.memory_space<vmem>>
    %dma_start3A_483 = arith.constant 0 : i32
    %dma_start3A_484 = tpu.memref_slice %arg6[%dma_start3A_483] : memref<524288xf32, #tpu.memory_space<vmem_shared>> -> memref<524288xf32, #tpu.memory_space<vmem_shared>>
    tpu.enqueue_indirect_dma source(%dma_start3A_484 : memref<524288xf32, #tpu.memory_space<vmem_shared>>) target(%dma_start3A_480 : memref<4096xf32, #tpu.memory_space<vmem>>) offsets(%dma_start3A_482 : memref<4096xi32, #tpu.memory_space<vmem>>) semaphore(%arg12 : memref<!tpu.dma_semaphore, #tpu.memory_space<semaphore_mem>>)
    %add3A_485 = arith.constant 1310720 : i32
    %add3A_486 = arith.addi %mul3A_0, %add3A_485 : i32
    %mul3A_487 = arith.constant 8192 : i32
    %mul3A_488 = arith.muli %arg1, %mul3A_487 : i32
    %add3A_489 = arith.addi %add3A_486, %mul3A_488 : i32
    "tpu.region"() ({
      %run_scoped3A = tpu.sem_alloc : memref<!tpu.dma_semaphore, #tpu.memory_space<semaphore_mem>>
      %dma_start3A_799 = tpu.memref_slice %arg3[%add3A_489] : memref<4194304xi32, #tpu.memory_space<hbm>> -> memref<8192xi32, #tpu.memory_space<hbm>>
      %dma_start3A_800 = tpu.memref_slice %arg3[%add3A_489] : memref<4194304xi32, #tpu.memory_space<hbm>> -> memref<8192xi32, #tpu.memory_space<hbm>>
      tpu.enqueue_dma source(%dma_start3A_800 : memref<8192xi32, #tpu.memory_space<hbm>>) target(%arg7 : memref<8192xi32, #tpu.memory_space<vmem>>) target_semaphore(%run_scoped3A : memref<!tpu.dma_semaphore, #tpu.memory_space<semaphore_mem>>)
      %dma_wait3A_801 = tpu.memref_slice %arg3[%add3A_489] : memref<4194304xi32, #tpu.memory_space<hbm>> -> memref<8192xi32, #tpu.memory_space<hbm>>
      %dma_wait3A_802 = tpu.memref_slice %arg3[%add3A_489] : memref<4194304xi32, #tpu.memory_space<hbm>> -> memref<8192xi32, #tpu.memory_space<hbm>>
      tpu.wait_dma2 semaphore(%run_scoped3A : memref<!tpu.dma_semaphore, #tpu.memory_space<semaphore_mem>>) src(%dma_wait3A_802 : memref<8192xi32, #tpu.memory_space<hbm>>) dst(%arg7 : memref<8192xi32, #tpu.memory_space<vmem>>)
      tpu.yield
    }) : () -> ()
    %dma_wait3A_490 = tpu.memref_slice %arg4[%add3A_458] : memref<4194304xf32, #tpu.memory_space<hbm>> -> memref<8192xf32, #tpu.memory_space<hbm>>
    %dma_wait3A_491 = tpu.memref_slice %arg4[%add3A_458] : memref<4194304xf32, #tpu.memory_space<hbm>> -> memref<8192xf32, #tpu.memory_space<hbm>>
    tpu.wait_dma2 semaphore(%arg13 : memref<!tpu.dma_semaphore, #tpu.memory_space<semaphore_mem>>) src(%arg9 : memref<8192xf32, #tpu.memory_space<vmem>>) dst(%dma_wait3A_491 : memref<8192xf32, #tpu.memory_space<hbm>>)
    %dma_wait3A_492 = arith.constant 0 : i32
    %dma_wait3A_493 = tpu.memref_slice %arg10[%dma_wait3A_492] : memref<8192xf32, #tpu.memory_space<vmem>> -> memref<4096xf32, #tpu.memory_space<vmem>>
    %dma_wait3A_494 = arith.constant 0 : i32
    %dma_wait3A_495 = tpu.memref_slice %arg8[%dma_wait3A_494] : memref<8192xi32, #tpu.memory_space<vmem>> -> memref<4096xi32, #tpu.memory_space<vmem>>
    %dma_wait3A_496 = arith.constant 0 : i32
    %dma_wait3A_497 = tpu.memref_slice %arg6[%dma_wait3A_496] : memref<524288xf32, #tpu.memory_space<vmem_shared>> -> memref<524288xf32, #tpu.memory_space<vmem_shared>>
    tpu.wait_indirect_dma semaphore(%arg11 : memref<!tpu.dma_semaphore, #tpu.memory_space<semaphore_mem>>) src(%dma_wait3A_497 : memref<524288xf32, #tpu.memory_space<vmem_shared>>) dst(%dma_wait3A_493 : memref<4096xf32, #tpu.memory_space<vmem>>)
    %dma_wait3A_498 = arith.constant 4096 : i32
    %dma_wait3A_499 = tpu.memref_slice %arg10[%dma_wait3A_498] : memref<8192xf32, #tpu.memory_space<vmem>> -> memref<4096xf32, #tpu.memory_space<vmem>>
    %dma_wait3A_500 = arith.constant 4096 : i32
    %dma_wait3A_501 = tpu.memref_slice %arg8[%dma_wait3A_500] : memref<8192xi32, #tpu.memory_space<vmem>> -> memref<4096xi32, #tpu.memory_space<vmem>>
    %dma_wait3A_502 = arith.constant 0 : i32
    %dma_wait3A_503 = tpu.memref_slice %arg6[%dma_wait3A_502] : memref<524288xf32, #tpu.memory_space<vmem_shared>> -> memref<524288xf32, #tpu.memory_space<vmem_shared>>
    tpu.wait_indirect_dma semaphore(%arg12 : memref<!tpu.dma_semaphore, #tpu.memory_space<semaphore_mem>>) src(%dma_wait3A_503 : memref<524288xf32, #tpu.memory_space<vmem_shared>>) dst(%dma_wait3A_499 : memref<4096xf32, #tpu.memory_space<vmem>>)
    %add3A_504 = arith.constant 1179648 : i32
    %add3A_505 = arith.addi %mul3A_0, %add3A_504 : i32
    %mul3A_506 = arith.constant 8192 : i32
    %mul3A_507 = arith.muli %arg1, %mul3A_506 : i32
    %add3A_508 = arith.addi %add3A_505, %mul3A_507 : i32
    %dma_start3A_509 = tpu.memref_slice %arg4[%add3A_508] : memref<4194304xf32, #tpu.memory_space<hbm>> -> memref<8192xf32, #tpu.memory_space<hbm>>
    %dma_start3A_510 = tpu.memref_slice %arg4[%add3A_508] : memref<4194304xf32, #tpu.memory_space<hbm>> -> memref<8192xf32, #tpu.memory_space<hbm>>
    tpu.enqueue_dma source(%arg10 : memref<8192xf32, #tpu.memory_space<vmem>>) target(%dma_start3A_510 : memref<8192xf32, #tpu.memory_space<hbm>>) target_semaphore(%arg13 : memref<!tpu.dma_semaphore, #tpu.memory_space<semaphore_mem>>)
    %dma_wait3A_511 = tpu.memref_slice %arg5[%mul3A_470] : memref<524288xf32, #tpu.memory_space<vmem_shared>> -> memref<32768xf32, #tpu.memory_space<vmem_shared>>
    %dma_wait3A_512 = tpu.memref_slice %arg2[%add3A_468] : memref<16777216xf32, #tpu.memory_space<hbm>> -> memref<32768xf32, #tpu.memory_space<hbm>>
    tpu.wait_dma2 semaphore(%arg14 : memref<!tpu.dma_semaphore, #tpu.memory_space<semaphore_mem>>) src(%dma_wait3A_512 : memref<32768xf32, #tpu.memory_space<hbm>>) dst(%dma_wait3A_511 : memref<32768xf32, #tpu.memory_space<vmem_shared>>)
    %barrier3A_513 = arith.constant 0 : index
    tpu.barrier barrier_id(%barrier3A_513)
    %add3A_514 = arith.constant 5767168 : i32
    %add3A_515 = arith.addi %mul3A_2, %add3A_514 : i32
    %mul3A_516 = arith.constant 32768 : i32
    %mul3A_517 = arith.muli %arg1, %mul3A_516 : i32
    %add3A_518 = arith.addi %add3A_515, %mul3A_517 : i32
    %mul3A_519 = arith.constant 32768 : i32
    %mul3A_520 = arith.muli %arg1, %mul3A_519 : i32
    %dma_start3A_521 = tpu.memref_slice %arg6[%mul3A_520] : memref<524288xf32, #tpu.memory_space<vmem_shared>> -> memref<32768xf32, #tpu.memory_space<vmem_shared>>
    %dma_start3A_522 = tpu.memref_slice %arg2[%add3A_518] : memref<16777216xf32, #tpu.memory_space<hbm>> -> memref<32768xf32, #tpu.memory_space<hbm>>
    tpu.enqueue_dma source(%dma_start3A_522 : memref<32768xf32, #tpu.memory_space<hbm>>) target(%dma_start3A_521 : memref<32768xf32, #tpu.memory_space<vmem_shared>>) target_semaphore(%arg14 : memref<!tpu.dma_semaphore, #tpu.memory_space<semaphore_mem>>)
    %dma_start3A_523 = arith.constant 0 : i32
    %dma_start3A_524 = tpu.memref_slice %arg9[%dma_start3A_523] : memref<8192xf32, #tpu.memory_space<vmem>> -> memref<4096xf32, #tpu.memory_space<vmem>>
    %dma_start3A_525 = arith.constant 0 : i32
    %dma_start3A_526 = tpu.memref_slice %arg7[%dma_start3A_525] : memref<8192xi32, #tpu.memory_space<vmem>> -> memref<4096xi32, #tpu.memory_space<vmem>>
    %dma_start3A_527 = arith.constant 0 : i32
    %dma_start3A_528 = tpu.memref_slice %arg5[%dma_start3A_527] : memref<524288xf32, #tpu.memory_space<vmem_shared>> -> memref<524288xf32, #tpu.memory_space<vmem_shared>>
    tpu.enqueue_indirect_dma source(%dma_start3A_528 : memref<524288xf32, #tpu.memory_space<vmem_shared>>) target(%dma_start3A_524 : memref<4096xf32, #tpu.memory_space<vmem>>) offsets(%dma_start3A_526 : memref<4096xi32, #tpu.memory_space<vmem>>) semaphore(%arg11 : memref<!tpu.dma_semaphore, #tpu.memory_space<semaphore_mem>>)
    %dma_start3A_529 = arith.constant 4096 : i32
    %dma_start3A_530 = tpu.memref_slice %arg9[%dma_start3A_529] : memref<8192xf32, #tpu.memory_space<vmem>> -> memref<4096xf32, #tpu.memory_space<vmem>>
    %dma_start3A_531 = arith.constant 4096 : i32
    %dma_start3A_532 = tpu.memref_slice %arg7[%dma_start3A_531] : memref<8192xi32, #tpu.memory_space<vmem>> -> memref<4096xi32, #tpu.memory_space<vmem>>
    %dma_start3A_533 = arith.constant 0 : i32
    %dma_start3A_534 = tpu.memref_slice %arg5[%dma_start3A_533] : memref<524288xf32, #tpu.memory_space<vmem_shared>> -> memref<524288xf32, #tpu.memory_space<vmem_shared>>
    tpu.enqueue_indirect_dma source(%dma_start3A_534 : memref<524288xf32, #tpu.memory_space<vmem_shared>>) target(%dma_start3A_530 : memref<4096xf32, #tpu.memory_space<vmem>>) offsets(%dma_start3A_532 : memref<4096xi32, #tpu.memory_space<vmem>>) semaphore(%arg12 : memref<!tpu.dma_semaphore, #tpu.memory_space<semaphore_mem>>)
    %add3A_535 = arith.constant 1441792 : i32
    %add3A_536 = arith.addi %mul3A_0, %add3A_535 : i32
    %mul3A_537 = arith.constant 8192 : i32
    %mul3A_538 = arith.muli %arg1, %mul3A_537 : i32
    %add3A_539 = arith.addi %add3A_536, %mul3A_538 : i32
    "tpu.region"() ({
      %run_scoped3A = tpu.sem_alloc : memref<!tpu.dma_semaphore, #tpu.memory_space<semaphore_mem>>
      %dma_start3A_799 = tpu.memref_slice %arg3[%add3A_539] : memref<4194304xi32, #tpu.memory_space<hbm>> -> memref<8192xi32, #tpu.memory_space<hbm>>
      %dma_start3A_800 = tpu.memref_slice %arg3[%add3A_539] : memref<4194304xi32, #tpu.memory_space<hbm>> -> memref<8192xi32, #tpu.memory_space<hbm>>
      tpu.enqueue_dma source(%dma_start3A_800 : memref<8192xi32, #tpu.memory_space<hbm>>) target(%arg8 : memref<8192xi32, #tpu.memory_space<vmem>>) target_semaphore(%run_scoped3A : memref<!tpu.dma_semaphore, #tpu.memory_space<semaphore_mem>>)
      %dma_wait3A_801 = tpu.memref_slice %arg3[%add3A_539] : memref<4194304xi32, #tpu.memory_space<hbm>> -> memref<8192xi32, #tpu.memory_space<hbm>>
      %dma_wait3A_802 = tpu.memref_slice %arg3[%add3A_539] : memref<4194304xi32, #tpu.memory_space<hbm>> -> memref<8192xi32, #tpu.memory_space<hbm>>
      tpu.wait_dma2 semaphore(%run_scoped3A : memref<!tpu.dma_semaphore, #tpu.memory_space<semaphore_mem>>) src(%dma_wait3A_802 : memref<8192xi32, #tpu.memory_space<hbm>>) dst(%arg8 : memref<8192xi32, #tpu.memory_space<vmem>>)
      tpu.yield
    }) : () -> ()
    %dma_wait3A_540 = tpu.memref_slice %arg4[%add3A_508] : memref<4194304xf32, #tpu.memory_space<hbm>> -> memref<8192xf32, #tpu.memory_space<hbm>>
    %dma_wait3A_541 = tpu.memref_slice %arg4[%add3A_508] : memref<4194304xf32, #tpu.memory_space<hbm>> -> memref<8192xf32, #tpu.memory_space<hbm>>
    tpu.wait_dma2 semaphore(%arg13 : memref<!tpu.dma_semaphore, #tpu.memory_space<semaphore_mem>>) src(%arg10 : memref<8192xf32, #tpu.memory_space<vmem>>) dst(%dma_wait3A_541 : memref<8192xf32, #tpu.memory_space<hbm>>)
    %dma_wait3A_542 = arith.constant 0 : i32
    %dma_wait3A_543 = tpu.memref_slice %arg9[%dma_wait3A_542] : memref<8192xf32, #tpu.memory_space<vmem>> -> memref<4096xf32, #tpu.memory_space<vmem>>
    %dma_wait3A_544 = arith.constant 0 : i32
    %dma_wait3A_545 = tpu.memref_slice %arg7[%dma_wait3A_544] : memref<8192xi32, #tpu.memory_space<vmem>> -> memref<4096xi32, #tpu.memory_space<vmem>>
    %dma_wait3A_546 = arith.constant 0 : i32
    %dma_wait3A_547 = tpu.memref_slice %arg5[%dma_wait3A_546] : memref<524288xf32, #tpu.memory_space<vmem_shared>> -> memref<524288xf32, #tpu.memory_space<vmem_shared>>
    tpu.wait_indirect_dma semaphore(%arg11 : memref<!tpu.dma_semaphore, #tpu.memory_space<semaphore_mem>>) src(%dma_wait3A_547 : memref<524288xf32, #tpu.memory_space<vmem_shared>>) dst(%dma_wait3A_543 : memref<4096xf32, #tpu.memory_space<vmem>>)
    %dma_wait3A_548 = arith.constant 4096 : i32
    %dma_wait3A_549 = tpu.memref_slice %arg9[%dma_wait3A_548] : memref<8192xf32, #tpu.memory_space<vmem>> -> memref<4096xf32, #tpu.memory_space<vmem>>
    %dma_wait3A_550 = arith.constant 4096 : i32
    %dma_wait3A_551 = tpu.memref_slice %arg7[%dma_wait3A_550] : memref<8192xi32, #tpu.memory_space<vmem>> -> memref<4096xi32, #tpu.memory_space<vmem>>
    %dma_wait3A_552 = arith.constant 0 : i32
    %dma_wait3A_553 = tpu.memref_slice %arg5[%dma_wait3A_552] : memref<524288xf32, #tpu.memory_space<vmem_shared>> -> memref<524288xf32, #tpu.memory_space<vmem_shared>>
    tpu.wait_indirect_dma semaphore(%arg12 : memref<!tpu.dma_semaphore, #tpu.memory_space<semaphore_mem>>) src(%dma_wait3A_553 : memref<524288xf32, #tpu.memory_space<vmem_shared>>) dst(%dma_wait3A_549 : memref<4096xf32, #tpu.memory_space<vmem>>)
    %add3A_554 = arith.constant 1310720 : i32
    %add3A_555 = arith.addi %mul3A_0, %add3A_554 : i32
    %mul3A_556 = arith.constant 8192 : i32
    %mul3A_557 = arith.muli %arg1, %mul3A_556 : i32
    %add3A_558 = arith.addi %add3A_555, %mul3A_557 : i32
    %dma_start3A_559 = tpu.memref_slice %arg4[%add3A_558] : memref<4194304xf32, #tpu.memory_space<hbm>> -> memref<8192xf32, #tpu.memory_space<hbm>>
    %dma_start3A_560 = tpu.memref_slice %arg4[%add3A_558] : memref<4194304xf32, #tpu.memory_space<hbm>> -> memref<8192xf32, #tpu.memory_space<hbm>>
    tpu.enqueue_dma source(%arg9 : memref<8192xf32, #tpu.memory_space<vmem>>) target(%dma_start3A_560 : memref<8192xf32, #tpu.memory_space<hbm>>) target_semaphore(%arg13 : memref<!tpu.dma_semaphore, #tpu.memory_space<semaphore_mem>>)
    %dma_wait3A_561 = tpu.memref_slice %arg6[%mul3A_520] : memref<524288xf32, #tpu.memory_space<vmem_shared>> -> memref<32768xf32, #tpu.memory_space<vmem_shared>>
    %dma_wait3A_562 = tpu.memref_slice %arg2[%add3A_518] : memref<16777216xf32, #tpu.memory_space<hbm>> -> memref<32768xf32, #tpu.memory_space<hbm>>
    tpu.wait_dma2 semaphore(%arg14 : memref<!tpu.dma_semaphore, #tpu.memory_space<semaphore_mem>>) src(%dma_wait3A_562 : memref<32768xf32, #tpu.memory_space<hbm>>) dst(%dma_wait3A_561 : memref<32768xf32, #tpu.memory_space<vmem_shared>>)
    %barrier3A_563 = arith.constant 0 : index
    tpu.barrier barrier_id(%barrier3A_563)
    %add3A_564 = arith.constant 6291456 : i32
    %add3A_565 = arith.addi %mul3A_2, %add3A_564 : i32
    %mul3A_566 = arith.constant 32768 : i32
    %mul3A_567 = arith.muli %arg1, %mul3A_566 : i32
    %add3A_568 = arith.addi %add3A_565, %mul3A_567 : i32
    %mul3A_569 = arith.constant 32768 : i32
    %mul3A_570 = arith.muli %arg1, %mul3A_569 : i32
    %dma_start3A_571 = tpu.memref_slice %arg5[%mul3A_570] : memref<524288xf32, #tpu.memory_space<vmem_shared>> -> memref<32768xf32, #tpu.memory_space<vmem_shared>>
    %dma_start3A_572 = tpu.memref_slice %arg2[%add3A_568] : memref<16777216xf32, #tpu.memory_space<hbm>> -> memref<32768xf32, #tpu.memory_space<hbm>>
    tpu.enqueue_dma source(%dma_start3A_572 : memref<32768xf32, #tpu.memory_space<hbm>>) target(%dma_start3A_571 : memref<32768xf32, #tpu.memory_space<vmem_shared>>) target_semaphore(%arg14 : memref<!tpu.dma_semaphore, #tpu.memory_space<semaphore_mem>>)
    %dma_start3A_573 = arith.constant 0 : i32
    %dma_start3A_574 = tpu.memref_slice %arg10[%dma_start3A_573] : memref<8192xf32, #tpu.memory_space<vmem>> -> memref<4096xf32, #tpu.memory_space<vmem>>
    %dma_start3A_575 = arith.constant 0 : i32
    %dma_start3A_576 = tpu.memref_slice %arg8[%dma_start3A_575] : memref<8192xi32, #tpu.memory_space<vmem>> -> memref<4096xi32, #tpu.memory_space<vmem>>
    %dma_start3A_577 = arith.constant 0 : i32
    %dma_start3A_578 = tpu.memref_slice %arg6[%dma_start3A_577] : memref<524288xf32, #tpu.memory_space<vmem_shared>> -> memref<524288xf32, #tpu.memory_space<vmem_shared>>
    tpu.enqueue_indirect_dma source(%dma_start3A_578 : memref<524288xf32, #tpu.memory_space<vmem_shared>>) target(%dma_start3A_574 : memref<4096xf32, #tpu.memory_space<vmem>>) offsets(%dma_start3A_576 : memref<4096xi32, #tpu.memory_space<vmem>>) semaphore(%arg11 : memref<!tpu.dma_semaphore, #tpu.memory_space<semaphore_mem>>)
    %dma_start3A_579 = arith.constant 4096 : i32
    %dma_start3A_580 = tpu.memref_slice %arg10[%dma_start3A_579] : memref<8192xf32, #tpu.memory_space<vmem>> -> memref<4096xf32, #tpu.memory_space<vmem>>
    %dma_start3A_581 = arith.constant 4096 : i32
    %dma_start3A_582 = tpu.memref_slice %arg8[%dma_start3A_581] : memref<8192xi32, #tpu.memory_space<vmem>> -> memref<4096xi32, #tpu.memory_space<vmem>>
    %dma_start3A_583 = arith.constant 0 : i32
    %dma_start3A_584 = tpu.memref_slice %arg6[%dma_start3A_583] : memref<524288xf32, #tpu.memory_space<vmem_shared>> -> memref<524288xf32, #tpu.memory_space<vmem_shared>>
    tpu.enqueue_indirect_dma source(%dma_start3A_584 : memref<524288xf32, #tpu.memory_space<vmem_shared>>) target(%dma_start3A_580 : memref<4096xf32, #tpu.memory_space<vmem>>) offsets(%dma_start3A_582 : memref<4096xi32, #tpu.memory_space<vmem>>) semaphore(%arg12 : memref<!tpu.dma_semaphore, #tpu.memory_space<semaphore_mem>>)
    %add3A_585 = arith.constant 1572864 : i32
    %add3A_586 = arith.addi %mul3A_0, %add3A_585 : i32
    %mul3A_587 = arith.constant 8192 : i32
    %mul3A_588 = arith.muli %arg1, %mul3A_587 : i32
    %add3A_589 = arith.addi %add3A_586, %mul3A_588 : i32
    "tpu.region"() ({
      %run_scoped3A = tpu.sem_alloc : memref<!tpu.dma_semaphore, #tpu.memory_space<semaphore_mem>>
      %dma_start3A_799 = tpu.memref_slice %arg3[%add3A_589] : memref<4194304xi32, #tpu.memory_space<hbm>> -> memref<8192xi32, #tpu.memory_space<hbm>>
      %dma_start3A_800 = tpu.memref_slice %arg3[%add3A_589] : memref<4194304xi32, #tpu.memory_space<hbm>> -> memref<8192xi32, #tpu.memory_space<hbm>>
      tpu.enqueue_dma source(%dma_start3A_800 : memref<8192xi32, #tpu.memory_space<hbm>>) target(%arg7 : memref<8192xi32, #tpu.memory_space<vmem>>) target_semaphore(%run_scoped3A : memref<!tpu.dma_semaphore, #tpu.memory_space<semaphore_mem>>)
      %dma_wait3A_801 = tpu.memref_slice %arg3[%add3A_589] : memref<4194304xi32, #tpu.memory_space<hbm>> -> memref<8192xi32, #tpu.memory_space<hbm>>
      %dma_wait3A_802 = tpu.memref_slice %arg3[%add3A_589] : memref<4194304xi32, #tpu.memory_space<hbm>> -> memref<8192xi32, #tpu.memory_space<hbm>>
      tpu.wait_dma2 semaphore(%run_scoped3A : memref<!tpu.dma_semaphore, #tpu.memory_space<semaphore_mem>>) src(%dma_wait3A_802 : memref<8192xi32, #tpu.memory_space<hbm>>) dst(%arg7 : memref<8192xi32, #tpu.memory_space<vmem>>)
      tpu.yield
    }) : () -> ()
    %dma_wait3A_590 = tpu.memref_slice %arg4[%add3A_558] : memref<4194304xf32, #tpu.memory_space<hbm>> -> memref<8192xf32, #tpu.memory_space<hbm>>
    %dma_wait3A_591 = tpu.memref_slice %arg4[%add3A_558] : memref<4194304xf32, #tpu.memory_space<hbm>> -> memref<8192xf32, #tpu.memory_space<hbm>>
    tpu.wait_dma2 semaphore(%arg13 : memref<!tpu.dma_semaphore, #tpu.memory_space<semaphore_mem>>) src(%arg9 : memref<8192xf32, #tpu.memory_space<vmem>>) dst(%dma_wait3A_591 : memref<8192xf32, #tpu.memory_space<hbm>>)
    %dma_wait3A_592 = arith.constant 0 : i32
    %dma_wait3A_593 = tpu.memref_slice %arg10[%dma_wait3A_592] : memref<8192xf32, #tpu.memory_space<vmem>> -> memref<4096xf32, #tpu.memory_space<vmem>>
    %dma_wait3A_594 = arith.constant 0 : i32
    %dma_wait3A_595 = tpu.memref_slice %arg8[%dma_wait3A_594] : memref<8192xi32, #tpu.memory_space<vmem>> -> memref<4096xi32, #tpu.memory_space<vmem>>
    %dma_wait3A_596 = arith.constant 0 : i32
    %dma_wait3A_597 = tpu.memref_slice %arg6[%dma_wait3A_596] : memref<524288xf32, #tpu.memory_space<vmem_shared>> -> memref<524288xf32, #tpu.memory_space<vmem_shared>>
    tpu.wait_indirect_dma semaphore(%arg11 : memref<!tpu.dma_semaphore, #tpu.memory_space<semaphore_mem>>) src(%dma_wait3A_597 : memref<524288xf32, #tpu.memory_space<vmem_shared>>) dst(%dma_wait3A_593 : memref<4096xf32, #tpu.memory_space<vmem>>)
    %dma_wait3A_598 = arith.constant 4096 : i32
    %dma_wait3A_599 = tpu.memref_slice %arg10[%dma_wait3A_598] : memref<8192xf32, #tpu.memory_space<vmem>> -> memref<4096xf32, #tpu.memory_space<vmem>>
    %dma_wait3A_600 = arith.constant 4096 : i32
    %dma_wait3A_601 = tpu.memref_slice %arg8[%dma_wait3A_600] : memref<8192xi32, #tpu.memory_space<vmem>> -> memref<4096xi32, #tpu.memory_space<vmem>>
    %dma_wait3A_602 = arith.constant 0 : i32
    %dma_wait3A_603 = tpu.memref_slice %arg6[%dma_wait3A_602] : memref<524288xf32, #tpu.memory_space<vmem_shared>> -> memref<524288xf32, #tpu.memory_space<vmem_shared>>
    tpu.wait_indirect_dma semaphore(%arg12 : memref<!tpu.dma_semaphore, #tpu.memory_space<semaphore_mem>>) src(%dma_wait3A_603 : memref<524288xf32, #tpu.memory_space<vmem_shared>>) dst(%dma_wait3A_599 : memref<4096xf32, #tpu.memory_space<vmem>>)
    %add3A_604 = arith.constant 1441792 : i32
    %add3A_605 = arith.addi %mul3A_0, %add3A_604 : i32
    %mul3A_606 = arith.constant 8192 : i32
    %mul3A_607 = arith.muli %arg1, %mul3A_606 : i32
    %add3A_608 = arith.addi %add3A_605, %mul3A_607 : i32
    %dma_start3A_609 = tpu.memref_slice %arg4[%add3A_608] : memref<4194304xf32, #tpu.memory_space<hbm>> -> memref<8192xf32, #tpu.memory_space<hbm>>
    %dma_start3A_610 = tpu.memref_slice %arg4[%add3A_608] : memref<4194304xf32, #tpu.memory_space<hbm>> -> memref<8192xf32, #tpu.memory_space<hbm>>
    tpu.enqueue_dma source(%arg10 : memref<8192xf32, #tpu.memory_space<vmem>>) target(%dma_start3A_610 : memref<8192xf32, #tpu.memory_space<hbm>>) target_semaphore(%arg13 : memref<!tpu.dma_semaphore, #tpu.memory_space<semaphore_mem>>)
    %dma_wait3A_611 = tpu.memref_slice %arg5[%mul3A_570] : memref<524288xf32, #tpu.memory_space<vmem_shared>> -> memref<32768xf32, #tpu.memory_space<vmem_shared>>
    %dma_wait3A_612 = tpu.memref_slice %arg2[%add3A_568] : memref<16777216xf32, #tpu.memory_space<hbm>> -> memref<32768xf32, #tpu.memory_space<hbm>>
    tpu.wait_dma2 semaphore(%arg14 : memref<!tpu.dma_semaphore, #tpu.memory_space<semaphore_mem>>) src(%dma_wait3A_612 : memref<32768xf32, #tpu.memory_space<hbm>>) dst(%dma_wait3A_611 : memref<32768xf32, #tpu.memory_space<vmem_shared>>)
    %barrier3A_613 = arith.constant 0 : index
    tpu.barrier barrier_id(%barrier3A_613)
    %add3A_614 = arith.constant 6815744 : i32
    %add3A_615 = arith.addi %mul3A_2, %add3A_614 : i32
    %mul3A_616 = arith.constant 32768 : i32
    %mul3A_617 = arith.muli %arg1, %mul3A_616 : i32
    %add3A_618 = arith.addi %add3A_615, %mul3A_617 : i32
    %mul3A_619 = arith.constant 32768 : i32
    %mul3A_620 = arith.muli %arg1, %mul3A_619 : i32
    %dma_start3A_621 = tpu.memref_slice %arg6[%mul3A_620] : memref<524288xf32, #tpu.memory_space<vmem_shared>> -> memref<32768xf32, #tpu.memory_space<vmem_shared>>
    %dma_start3A_622 = tpu.memref_slice %arg2[%add3A_618] : memref<16777216xf32, #tpu.memory_space<hbm>> -> memref<32768xf32, #tpu.memory_space<hbm>>
    tpu.enqueue_dma source(%dma_start3A_622 : memref<32768xf32, #tpu.memory_space<hbm>>) target(%dma_start3A_621 : memref<32768xf32, #tpu.memory_space<vmem_shared>>) target_semaphore(%arg14 : memref<!tpu.dma_semaphore, #tpu.memory_space<semaphore_mem>>)
    %dma_start3A_623 = arith.constant 0 : i32
    %dma_start3A_624 = tpu.memref_slice %arg9[%dma_start3A_623] : memref<8192xf32, #tpu.memory_space<vmem>> -> memref<4096xf32, #tpu.memory_space<vmem>>
    %dma_start3A_625 = arith.constant 0 : i32
    %dma_start3A_626 = tpu.memref_slice %arg7[%dma_start3A_625] : memref<8192xi32, #tpu.memory_space<vmem>> -> memref<4096xi32, #tpu.memory_space<vmem>>
    %dma_start3A_627 = arith.constant 0 : i32
    %dma_start3A_628 = tpu.memref_slice %arg5[%dma_start3A_627] : memref<524288xf32, #tpu.memory_space<vmem_shared>> -> memref<524288xf32, #tpu.memory_space<vmem_shared>>
    tpu.enqueue_indirect_dma source(%dma_start3A_628 : memref<524288xf32, #tpu.memory_space<vmem_shared>>) target(%dma_start3A_624 : memref<4096xf32, #tpu.memory_space<vmem>>) offsets(%dma_start3A_626 : memref<4096xi32, #tpu.memory_space<vmem>>) semaphore(%arg11 : memref<!tpu.dma_semaphore, #tpu.memory_space<semaphore_mem>>)
    %dma_start3A_629 = arith.constant 4096 : i32
    %dma_start3A_630 = tpu.memref_slice %arg9[%dma_start3A_629] : memref<8192xf32, #tpu.memory_space<vmem>> -> memref<4096xf32, #tpu.memory_space<vmem>>
    %dma_start3A_631 = arith.constant 4096 : i32
    %dma_start3A_632 = tpu.memref_slice %arg7[%dma_start3A_631] : memref<8192xi32, #tpu.memory_space<vmem>> -> memref<4096xi32, #tpu.memory_space<vmem>>
    %dma_start3A_633 = arith.constant 0 : i32
    %dma_start3A_634 = tpu.memref_slice %arg5[%dma_start3A_633] : memref<524288xf32, #tpu.memory_space<vmem_shared>> -> memref<524288xf32, #tpu.memory_space<vmem_shared>>
    tpu.enqueue_indirect_dma source(%dma_start3A_634 : memref<524288xf32, #tpu.memory_space<vmem_shared>>) target(%dma_start3A_630 : memref<4096xf32, #tpu.memory_space<vmem>>) offsets(%dma_start3A_632 : memref<4096xi32, #tpu.memory_space<vmem>>) semaphore(%arg12 : memref<!tpu.dma_semaphore, #tpu.memory_space<semaphore_mem>>)
    %add3A_635 = arith.constant 1703936 : i32
    %add3A_636 = arith.addi %mul3A_0, %add3A_635 : i32
    %mul3A_637 = arith.constant 8192 : i32
    %mul3A_638 = arith.muli %arg1, %mul3A_637 : i32
    %add3A_639 = arith.addi %add3A_636, %mul3A_638 : i32
    "tpu.region"() ({
      %run_scoped3A = tpu.sem_alloc : memref<!tpu.dma_semaphore, #tpu.memory_space<semaphore_mem>>
      %dma_start3A_799 = tpu.memref_slice %arg3[%add3A_639] : memref<4194304xi32, #tpu.memory_space<hbm>> -> memref<8192xi32, #tpu.memory_space<hbm>>
      %dma_start3A_800 = tpu.memref_slice %arg3[%add3A_639] : memref<4194304xi32, #tpu.memory_space<hbm>> -> memref<8192xi32, #tpu.memory_space<hbm>>
      tpu.enqueue_dma source(%dma_start3A_800 : memref<8192xi32, #tpu.memory_space<hbm>>) target(%arg8 : memref<8192xi32, #tpu.memory_space<vmem>>) target_semaphore(%run_scoped3A : memref<!tpu.dma_semaphore, #tpu.memory_space<semaphore_mem>>)
      %dma_wait3A_801 = tpu.memref_slice %arg3[%add3A_639] : memref<4194304xi32, #tpu.memory_space<hbm>> -> memref<8192xi32, #tpu.memory_space<hbm>>
      %dma_wait3A_802 = tpu.memref_slice %arg3[%add3A_639] : memref<4194304xi32, #tpu.memory_space<hbm>> -> memref<8192xi32, #tpu.memory_space<hbm>>
      tpu.wait_dma2 semaphore(%run_scoped3A : memref<!tpu.dma_semaphore, #tpu.memory_space<semaphore_mem>>) src(%dma_wait3A_802 : memref<8192xi32, #tpu.memory_space<hbm>>) dst(%arg8 : memref<8192xi32, #tpu.memory_space<vmem>>)
      tpu.yield
    }) : () -> ()
    %dma_wait3A_640 = tpu.memref_slice %arg4[%add3A_608] : memref<4194304xf32, #tpu.memory_space<hbm>> -> memref<8192xf32, #tpu.memory_space<hbm>>
    %dma_wait3A_641 = tpu.memref_slice %arg4[%add3A_608] : memref<4194304xf32, #tpu.memory_space<hbm>> -> memref<8192xf32, #tpu.memory_space<hbm>>
    tpu.wait_dma2 semaphore(%arg13 : memref<!tpu.dma_semaphore, #tpu.memory_space<semaphore_mem>>) src(%arg10 : memref<8192xf32, #tpu.memory_space<vmem>>) dst(%dma_wait3A_641 : memref<8192xf32, #tpu.memory_space<hbm>>)
    %dma_wait3A_642 = arith.constant 0 : i32
    %dma_wait3A_643 = tpu.memref_slice %arg9[%dma_wait3A_642] : memref<8192xf32, #tpu.memory_space<vmem>> -> memref<4096xf32, #tpu.memory_space<vmem>>
    %dma_wait3A_644 = arith.constant 0 : i32
    %dma_wait3A_645 = tpu.memref_slice %arg7[%dma_wait3A_644] : memref<8192xi32, #tpu.memory_space<vmem>> -> memref<4096xi32, #tpu.memory_space<vmem>>
    %dma_wait3A_646 = arith.constant 0 : i32
    %dma_wait3A_647 = tpu.memref_slice %arg5[%dma_wait3A_646] : memref<524288xf32, #tpu.memory_space<vmem_shared>> -> memref<524288xf32, #tpu.memory_space<vmem_shared>>
    tpu.wait_indirect_dma semaphore(%arg11 : memref<!tpu.dma_semaphore, #tpu.memory_space<semaphore_mem>>) src(%dma_wait3A_647 : memref<524288xf32, #tpu.memory_space<vmem_shared>>) dst(%dma_wait3A_643 : memref<4096xf32, #tpu.memory_space<vmem>>)
    %dma_wait3A_648 = arith.constant 4096 : i32
    %dma_wait3A_649 = tpu.memref_slice %arg9[%dma_wait3A_648] : memref<8192xf32, #tpu.memory_space<vmem>> -> memref<4096xf32, #tpu.memory_space<vmem>>
    %dma_wait3A_650 = arith.constant 4096 : i32
    %dma_wait3A_651 = tpu.memref_slice %arg7[%dma_wait3A_650] : memref<8192xi32, #tpu.memory_space<vmem>> -> memref<4096xi32, #tpu.memory_space<vmem>>
    %dma_wait3A_652 = arith.constant 0 : i32
    %dma_wait3A_653 = tpu.memref_slice %arg5[%dma_wait3A_652] : memref<524288xf32, #tpu.memory_space<vmem_shared>> -> memref<524288xf32, #tpu.memory_space<vmem_shared>>
    tpu.wait_indirect_dma semaphore(%arg12 : memref<!tpu.dma_semaphore, #tpu.memory_space<semaphore_mem>>) src(%dma_wait3A_653 : memref<524288xf32, #tpu.memory_space<vmem_shared>>) dst(%dma_wait3A_649 : memref<4096xf32, #tpu.memory_space<vmem>>)
    %add3A_654 = arith.constant 1572864 : i32
    %add3A_655 = arith.addi %mul3A_0, %add3A_654 : i32
    %mul3A_656 = arith.constant 8192 : i32
    %mul3A_657 = arith.muli %arg1, %mul3A_656 : i32
    %add3A_658 = arith.addi %add3A_655, %mul3A_657 : i32
    %dma_start3A_659 = tpu.memref_slice %arg4[%add3A_658] : memref<4194304xf32, #tpu.memory_space<hbm>> -> memref<8192xf32, #tpu.memory_space<hbm>>
    %dma_start3A_660 = tpu.memref_slice %arg4[%add3A_658] : memref<4194304xf32, #tpu.memory_space<hbm>> -> memref<8192xf32, #tpu.memory_space<hbm>>
    tpu.enqueue_dma source(%arg9 : memref<8192xf32, #tpu.memory_space<vmem>>) target(%dma_start3A_660 : memref<8192xf32, #tpu.memory_space<hbm>>) target_semaphore(%arg13 : memref<!tpu.dma_semaphore, #tpu.memory_space<semaphore_mem>>)
    %dma_wait3A_661 = tpu.memref_slice %arg6[%mul3A_620] : memref<524288xf32, #tpu.memory_space<vmem_shared>> -> memref<32768xf32, #tpu.memory_space<vmem_shared>>
    %dma_wait3A_662 = tpu.memref_slice %arg2[%add3A_618] : memref<16777216xf32, #tpu.memory_space<hbm>> -> memref<32768xf32, #tpu.memory_space<hbm>>
    tpu.wait_dma2 semaphore(%arg14 : memref<!tpu.dma_semaphore, #tpu.memory_space<semaphore_mem>>) src(%dma_wait3A_662 : memref<32768xf32, #tpu.memory_space<hbm>>) dst(%dma_wait3A_661 : memref<32768xf32, #tpu.memory_space<vmem_shared>>)
    %barrier3A_663 = arith.constant 0 : index
    tpu.barrier barrier_id(%barrier3A_663)
    %add3A_664 = arith.constant 7340032 : i32
    %add3A_665 = arith.addi %mul3A_2, %add3A_664 : i32
    %mul3A_666 = arith.constant 32768 : i32
    %mul3A_667 = arith.muli %arg1, %mul3A_666 : i32
    %add3A_668 = arith.addi %add3A_665, %mul3A_667 : i32
    %mul3A_669 = arith.constant 32768 : i32
    %mul3A_670 = arith.muli %arg1, %mul3A_669 : i32
    %dma_start3A_671 = tpu.memref_slice %arg5[%mul3A_670] : memref<524288xf32, #tpu.memory_space<vmem_shared>> -> memref<32768xf32, #tpu.memory_space<vmem_shared>>
    %dma_start3A_672 = tpu.memref_slice %arg2[%add3A_668] : memref<16777216xf32, #tpu.memory_space<hbm>> -> memref<32768xf32, #tpu.memory_space<hbm>>
    tpu.enqueue_dma source(%dma_start3A_672 : memref<32768xf32, #tpu.memory_space<hbm>>) target(%dma_start3A_671 : memref<32768xf32, #tpu.memory_space<vmem_shared>>) target_semaphore(%arg14 : memref<!tpu.dma_semaphore, #tpu.memory_space<semaphore_mem>>)
    %dma_start3A_673 = arith.constant 0 : i32
    %dma_start3A_674 = tpu.memref_slice %arg10[%dma_start3A_673] : memref<8192xf32, #tpu.memory_space<vmem>> -> memref<4096xf32, #tpu.memory_space<vmem>>
    %dma_start3A_675 = arith.constant 0 : i32
    %dma_start3A_676 = tpu.memref_slice %arg8[%dma_start3A_675] : memref<8192xi32, #tpu.memory_space<vmem>> -> memref<4096xi32, #tpu.memory_space<vmem>>
    %dma_start3A_677 = arith.constant 0 : i32
    %dma_start3A_678 = tpu.memref_slice %arg6[%dma_start3A_677] : memref<524288xf32, #tpu.memory_space<vmem_shared>> -> memref<524288xf32, #tpu.memory_space<vmem_shared>>
    tpu.enqueue_indirect_dma source(%dma_start3A_678 : memref<524288xf32, #tpu.memory_space<vmem_shared>>) target(%dma_start3A_674 : memref<4096xf32, #tpu.memory_space<vmem>>) offsets(%dma_start3A_676 : memref<4096xi32, #tpu.memory_space<vmem>>) semaphore(%arg11 : memref<!tpu.dma_semaphore, #tpu.memory_space<semaphore_mem>>)
    %dma_start3A_679 = arith.constant 4096 : i32
    %dma_start3A_680 = tpu.memref_slice %arg10[%dma_start3A_679] : memref<8192xf32, #tpu.memory_space<vmem>> -> memref<4096xf32, #tpu.memory_space<vmem>>
    %dma_start3A_681 = arith.constant 4096 : i32
    %dma_start3A_682 = tpu.memref_slice %arg8[%dma_start3A_681] : memref<8192xi32, #tpu.memory_space<vmem>> -> memref<4096xi32, #tpu.memory_space<vmem>>
    %dma_start3A_683 = arith.constant 0 : i32
    %dma_start3A_684 = tpu.memref_slice %arg6[%dma_start3A_683] : memref<524288xf32, #tpu.memory_space<vmem_shared>> -> memref<524288xf32, #tpu.memory_space<vmem_shared>>
    tpu.enqueue_indirect_dma source(%dma_start3A_684 : memref<524288xf32, #tpu.memory_space<vmem_shared>>) target(%dma_start3A_680 : memref<4096xf32, #tpu.memory_space<vmem>>) offsets(%dma_start3A_682 : memref<4096xi32, #tpu.memory_space<vmem>>) semaphore(%arg12 : memref<!tpu.dma_semaphore, #tpu.memory_space<semaphore_mem>>)
    %add3A_685 = arith.constant 1835008 : i32
    %add3A_686 = arith.addi %mul3A_0, %add3A_685 : i32
    %mul3A_687 = arith.constant 8192 : i32
    %mul3A_688 = arith.muli %arg1, %mul3A_687 : i32
    %add3A_689 = arith.addi %add3A_686, %mul3A_688 : i32
    "tpu.region"() ({
      %run_scoped3A = tpu.sem_alloc : memref<!tpu.dma_semaphore, #tpu.memory_space<semaphore_mem>>
      %dma_start3A_799 = tpu.memref_slice %arg3[%add3A_689] : memref<4194304xi32, #tpu.memory_space<hbm>> -> memref<8192xi32, #tpu.memory_space<hbm>>
      %dma_start3A_800 = tpu.memref_slice %arg3[%add3A_689] : memref<4194304xi32, #tpu.memory_space<hbm>> -> memref<8192xi32, #tpu.memory_space<hbm>>
      tpu.enqueue_dma source(%dma_start3A_800 : memref<8192xi32, #tpu.memory_space<hbm>>) target(%arg7 : memref<8192xi32, #tpu.memory_space<vmem>>) target_semaphore(%run_scoped3A : memref<!tpu.dma_semaphore, #tpu.memory_space<semaphore_mem>>)
      %dma_wait3A_801 = tpu.memref_slice %arg3[%add3A_689] : memref<4194304xi32, #tpu.memory_space<hbm>> -> memref<8192xi32, #tpu.memory_space<hbm>>
      %dma_wait3A_802 = tpu.memref_slice %arg3[%add3A_689] : memref<4194304xi32, #tpu.memory_space<hbm>> -> memref<8192xi32, #tpu.memory_space<hbm>>
      tpu.wait_dma2 semaphore(%run_scoped3A : memref<!tpu.dma_semaphore, #tpu.memory_space<semaphore_mem>>) src(%dma_wait3A_802 : memref<8192xi32, #tpu.memory_space<hbm>>) dst(%arg7 : memref<8192xi32, #tpu.memory_space<vmem>>)
      tpu.yield
    }) : () -> ()
    %dma_wait3A_690 = tpu.memref_slice %arg4[%add3A_658] : memref<4194304xf32, #tpu.memory_space<hbm>> -> memref<8192xf32, #tpu.memory_space<hbm>>
    %dma_wait3A_691 = tpu.memref_slice %arg4[%add3A_658] : memref<4194304xf32, #tpu.memory_space<hbm>> -> memref<8192xf32, #tpu.memory_space<hbm>>
    tpu.wait_dma2 semaphore(%arg13 : memref<!tpu.dma_semaphore, #tpu.memory_space<semaphore_mem>>) src(%arg9 : memref<8192xf32, #tpu.memory_space<vmem>>) dst(%dma_wait3A_691 : memref<8192xf32, #tpu.memory_space<hbm>>)
    %dma_wait3A_692 = arith.constant 0 : i32
    %dma_wait3A_693 = tpu.memref_slice %arg10[%dma_wait3A_692] : memref<8192xf32, #tpu.memory_space<vmem>> -> memref<4096xf32, #tpu.memory_space<vmem>>
    %dma_wait3A_694 = arith.constant 0 : i32
    %dma_wait3A_695 = tpu.memref_slice %arg8[%dma_wait3A_694] : memref<8192xi32, #tpu.memory_space<vmem>> -> memref<4096xi32, #tpu.memory_space<vmem>>
    %dma_wait3A_696 = arith.constant 0 : i32
    %dma_wait3A_697 = tpu.memref_slice %arg6[%dma_wait3A_696] : memref<524288xf32, #tpu.memory_space<vmem_shared>> -> memref<524288xf32, #tpu.memory_space<vmem_shared>>
    tpu.wait_indirect_dma semaphore(%arg11 : memref<!tpu.dma_semaphore, #tpu.memory_space<semaphore_mem>>) src(%dma_wait3A_697 : memref<524288xf32, #tpu.memory_space<vmem_shared>>) dst(%dma_wait3A_693 : memref<4096xf32, #tpu.memory_space<vmem>>)
    %dma_wait3A_698 = arith.constant 4096 : i32
    %dma_wait3A_699 = tpu.memref_slice %arg10[%dma_wait3A_698] : memref<8192xf32, #tpu.memory_space<vmem>> -> memref<4096xf32, #tpu.memory_space<vmem>>
    %dma_wait3A_700 = arith.constant 4096 : i32
    %dma_wait3A_701 = tpu.memref_slice %arg8[%dma_wait3A_700] : memref<8192xi32, #tpu.memory_space<vmem>> -> memref<4096xi32, #tpu.memory_space<vmem>>
    %dma_wait3A_702 = arith.constant 0 : i32
    %dma_wait3A_703 = tpu.memref_slice %arg6[%dma_wait3A_702] : memref<524288xf32, #tpu.memory_space<vmem_shared>> -> memref<524288xf32, #tpu.memory_space<vmem_shared>>
    tpu.wait_indirect_dma semaphore(%arg12 : memref<!tpu.dma_semaphore, #tpu.memory_space<semaphore_mem>>) src(%dma_wait3A_703 : memref<524288xf32, #tpu.memory_space<vmem_shared>>) dst(%dma_wait3A_699 : memref<4096xf32, #tpu.memory_space<vmem>>)
    %add3A_704 = arith.constant 1703936 : i32
    %add3A_705 = arith.addi %mul3A_0, %add3A_704 : i32
    %mul3A_706 = arith.constant 8192 : i32
    %mul3A_707 = arith.muli %arg1, %mul3A_706 : i32
    %add3A_708 = arith.addi %add3A_705, %mul3A_707 : i32
    %dma_start3A_709 = tpu.memref_slice %arg4[%add3A_708] : memref<4194304xf32, #tpu.memory_space<hbm>> -> memref<8192xf32, #tpu.memory_space<hbm>>
    %dma_start3A_710 = tpu.memref_slice %arg4[%add3A_708] : memref<4194304xf32, #tpu.memory_space<hbm>> -> memref<8192xf32, #tpu.memory_space<hbm>>
    tpu.enqueue_dma source(%arg10 : memref<8192xf32, #tpu.memory_space<vmem>>) target(%dma_start3A_710 : memref<8192xf32, #tpu.memory_space<hbm>>) target_semaphore(%arg13 : memref<!tpu.dma_semaphore, #tpu.memory_space<semaphore_mem>>)
    %dma_wait3A_711 = tpu.memref_slice %arg5[%mul3A_670] : memref<524288xf32, #tpu.memory_space<vmem_shared>> -> memref<32768xf32, #tpu.memory_space<vmem_shared>>
    %dma_wait3A_712 = tpu.memref_slice %arg2[%add3A_668] : memref<16777216xf32, #tpu.memory_space<hbm>> -> memref<32768xf32, #tpu.memory_space<hbm>>
    tpu.wait_dma2 semaphore(%arg14 : memref<!tpu.dma_semaphore, #tpu.memory_space<semaphore_mem>>) src(%dma_wait3A_712 : memref<32768xf32, #tpu.memory_space<hbm>>) dst(%dma_wait3A_711 : memref<32768xf32, #tpu.memory_space<vmem_shared>>)
    %barrier3A_713 = arith.constant 0 : index
    tpu.barrier barrier_id(%barrier3A_713)
    %add3A_714 = arith.constant 7864320 : i32
    %add3A_715 = arith.addi %mul3A_2, %add3A_714 : i32
    %mul3A_716 = arith.constant 32768 : i32
    %mul3A_717 = arith.muli %arg1, %mul3A_716 : i32
    %add3A_718 = arith.addi %add3A_715, %mul3A_717 : i32
    %mul3A_719 = arith.constant 32768 : i32
    %mul3A_720 = arith.muli %arg1, %mul3A_719 : i32
    %dma_start3A_721 = tpu.memref_slice %arg6[%mul3A_720] : memref<524288xf32, #tpu.memory_space<vmem_shared>> -> memref<32768xf32, #tpu.memory_space<vmem_shared>>
    %dma_start3A_722 = tpu.memref_slice %arg2[%add3A_718] : memref<16777216xf32, #tpu.memory_space<hbm>> -> memref<32768xf32, #tpu.memory_space<hbm>>
    tpu.enqueue_dma source(%dma_start3A_722 : memref<32768xf32, #tpu.memory_space<hbm>>) target(%dma_start3A_721 : memref<32768xf32, #tpu.memory_space<vmem_shared>>) target_semaphore(%arg14 : memref<!tpu.dma_semaphore, #tpu.memory_space<semaphore_mem>>)
    %dma_start3A_723 = arith.constant 0 : i32
    %dma_start3A_724 = tpu.memref_slice %arg9[%dma_start3A_723] : memref<8192xf32, #tpu.memory_space<vmem>> -> memref<4096xf32, #tpu.memory_space<vmem>>
    %dma_start3A_725 = arith.constant 0 : i32
    %dma_start3A_726 = tpu.memref_slice %arg7[%dma_start3A_725] : memref<8192xi32, #tpu.memory_space<vmem>> -> memref<4096xi32, #tpu.memory_space<vmem>>
    %dma_start3A_727 = arith.constant 0 : i32
    %dma_start3A_728 = tpu.memref_slice %arg5[%dma_start3A_727] : memref<524288xf32, #tpu.memory_space<vmem_shared>> -> memref<524288xf32, #tpu.memory_space<vmem_shared>>
    tpu.enqueue_indirect_dma source(%dma_start3A_728 : memref<524288xf32, #tpu.memory_space<vmem_shared>>) target(%dma_start3A_724 : memref<4096xf32, #tpu.memory_space<vmem>>) offsets(%dma_start3A_726 : memref<4096xi32, #tpu.memory_space<vmem>>) semaphore(%arg11 : memref<!tpu.dma_semaphore, #tpu.memory_space<semaphore_mem>>)
    %dma_start3A_729 = arith.constant 4096 : i32
    %dma_start3A_730 = tpu.memref_slice %arg9[%dma_start3A_729] : memref<8192xf32, #tpu.memory_space<vmem>> -> memref<4096xf32, #tpu.memory_space<vmem>>
    %dma_start3A_731 = arith.constant 4096 : i32
    %dma_start3A_732 = tpu.memref_slice %arg7[%dma_start3A_731] : memref<8192xi32, #tpu.memory_space<vmem>> -> memref<4096xi32, #tpu.memory_space<vmem>>
    %dma_start3A_733 = arith.constant 0 : i32
    %dma_start3A_734 = tpu.memref_slice %arg5[%dma_start3A_733] : memref<524288xf32, #tpu.memory_space<vmem_shared>> -> memref<524288xf32, #tpu.memory_space<vmem_shared>>
    tpu.enqueue_indirect_dma source(%dma_start3A_734 : memref<524288xf32, #tpu.memory_space<vmem_shared>>) target(%dma_start3A_730 : memref<4096xf32, #tpu.memory_space<vmem>>) offsets(%dma_start3A_732 : memref<4096xi32, #tpu.memory_space<vmem>>) semaphore(%arg12 : memref<!tpu.dma_semaphore, #tpu.memory_space<semaphore_mem>>)
    %add3A_735 = arith.constant 1966080 : i32
    %add3A_736 = arith.addi %mul3A_0, %add3A_735 : i32
    %mul3A_737 = arith.constant 8192 : i32
    %mul3A_738 = arith.muli %arg1, %mul3A_737 : i32
    %add3A_739 = arith.addi %add3A_736, %mul3A_738 : i32
    "tpu.region"() ({
      %run_scoped3A = tpu.sem_alloc : memref<!tpu.dma_semaphore, #tpu.memory_space<semaphore_mem>>
      %dma_start3A_799 = tpu.memref_slice %arg3[%add3A_739] : memref<4194304xi32, #tpu.memory_space<hbm>> -> memref<8192xi32, #tpu.memory_space<hbm>>
      %dma_start3A_800 = tpu.memref_slice %arg3[%add3A_739] : memref<4194304xi32, #tpu.memory_space<hbm>> -> memref<8192xi32, #tpu.memory_space<hbm>>
      tpu.enqueue_dma source(%dma_start3A_800 : memref<8192xi32, #tpu.memory_space<hbm>>) target(%arg8 : memref<8192xi32, #tpu.memory_space<vmem>>) target_semaphore(%run_scoped3A : memref<!tpu.dma_semaphore, #tpu.memory_space<semaphore_mem>>)
      %dma_wait3A_801 = tpu.memref_slice %arg3[%add3A_739] : memref<4194304xi32, #tpu.memory_space<hbm>> -> memref<8192xi32, #tpu.memory_space<hbm>>
      %dma_wait3A_802 = tpu.memref_slice %arg3[%add3A_739] : memref<4194304xi32, #tpu.memory_space<hbm>> -> memref<8192xi32, #tpu.memory_space<hbm>>
      tpu.wait_dma2 semaphore(%run_scoped3A : memref<!tpu.dma_semaphore, #tpu.memory_space<semaphore_mem>>) src(%dma_wait3A_802 : memref<8192xi32, #tpu.memory_space<hbm>>) dst(%arg8 : memref<8192xi32, #tpu.memory_space<vmem>>)
      tpu.yield
    }) : () -> ()
    %dma_wait3A_740 = tpu.memref_slice %arg4[%add3A_708] : memref<4194304xf32, #tpu.memory_space<hbm>> -> memref<8192xf32, #tpu.memory_space<hbm>>
    %dma_wait3A_741 = tpu.memref_slice %arg4[%add3A_708] : memref<4194304xf32, #tpu.memory_space<hbm>> -> memref<8192xf32, #tpu.memory_space<hbm>>
    tpu.wait_dma2 semaphore(%arg13 : memref<!tpu.dma_semaphore, #tpu.memory_space<semaphore_mem>>) src(%arg10 : memref<8192xf32, #tpu.memory_space<vmem>>) dst(%dma_wait3A_741 : memref<8192xf32, #tpu.memory_space<hbm>>)
    %dma_wait3A_742 = arith.constant 0 : i32
    %dma_wait3A_743 = tpu.memref_slice %arg9[%dma_wait3A_742] : memref<8192xf32, #tpu.memory_space<vmem>> -> memref<4096xf32, #tpu.memory_space<vmem>>
    %dma_wait3A_744 = arith.constant 0 : i32
    %dma_wait3A_745 = tpu.memref_slice %arg7[%dma_wait3A_744] : memref<8192xi32, #tpu.memory_space<vmem>> -> memref<4096xi32, #tpu.memory_space<vmem>>
    %dma_wait3A_746 = arith.constant 0 : i32
    %dma_wait3A_747 = tpu.memref_slice %arg5[%dma_wait3A_746] : memref<524288xf32, #tpu.memory_space<vmem_shared>> -> memref<524288xf32, #tpu.memory_space<vmem_shared>>
    tpu.wait_indirect_dma semaphore(%arg11 : memref<!tpu.dma_semaphore, #tpu.memory_space<semaphore_mem>>) src(%dma_wait3A_747 : memref<524288xf32, #tpu.memory_space<vmem_shared>>) dst(%dma_wait3A_743 : memref<4096xf32, #tpu.memory_space<vmem>>)
    %dma_wait3A_748 = arith.constant 4096 : i32
    %dma_wait3A_749 = tpu.memref_slice %arg9[%dma_wait3A_748] : memref<8192xf32, #tpu.memory_space<vmem>> -> memref<4096xf32, #tpu.memory_space<vmem>>
    %dma_wait3A_750 = arith.constant 4096 : i32
    %dma_wait3A_751 = tpu.memref_slice %arg7[%dma_wait3A_750] : memref<8192xi32, #tpu.memory_space<vmem>> -> memref<4096xi32, #tpu.memory_space<vmem>>
    %dma_wait3A_752 = arith.constant 0 : i32
    %dma_wait3A_753 = tpu.memref_slice %arg5[%dma_wait3A_752] : memref<524288xf32, #tpu.memory_space<vmem_shared>> -> memref<524288xf32, #tpu.memory_space<vmem_shared>>
    tpu.wait_indirect_dma semaphore(%arg12 : memref<!tpu.dma_semaphore, #tpu.memory_space<semaphore_mem>>) src(%dma_wait3A_753 : memref<524288xf32, #tpu.memory_space<vmem_shared>>) dst(%dma_wait3A_749 : memref<4096xf32, #tpu.memory_space<vmem>>)
    %add3A_754 = arith.constant 1835008 : i32
    %add3A_755 = arith.addi %mul3A_0, %add3A_754 : i32
    %mul3A_756 = arith.constant 8192 : i32
    %mul3A_757 = arith.muli %arg1, %mul3A_756 : i32
    %add3A_758 = arith.addi %add3A_755, %mul3A_757 : i32
    %dma_start3A_759 = tpu.memref_slice %arg4[%add3A_758] : memref<4194304xf32, #tpu.memory_space<hbm>> -> memref<8192xf32, #tpu.memory_space<hbm>>
    %dma_start3A_760 = tpu.memref_slice %arg4[%add3A_758] : memref<4194304xf32, #tpu.memory_space<hbm>> -> memref<8192xf32, #tpu.memory_space<hbm>>
    tpu.enqueue_dma source(%arg9 : memref<8192xf32, #tpu.memory_space<vmem>>) target(%dma_start3A_760 : memref<8192xf32, #tpu.memory_space<hbm>>) target_semaphore(%arg13 : memref<!tpu.dma_semaphore, #tpu.memory_space<semaphore_mem>>)
    %dma_wait3A_761 = tpu.memref_slice %arg6[%mul3A_720] : memref<524288xf32, #tpu.memory_space<vmem_shared>> -> memref<32768xf32, #tpu.memory_space<vmem_shared>>
    %dma_wait3A_762 = tpu.memref_slice %arg2[%add3A_718] : memref<16777216xf32, #tpu.memory_space<hbm>> -> memref<32768xf32, #tpu.memory_space<hbm>>
    tpu.wait_dma2 semaphore(%arg14 : memref<!tpu.dma_semaphore, #tpu.memory_space<semaphore_mem>>) src(%dma_wait3A_762 : memref<32768xf32, #tpu.memory_space<hbm>>) dst(%dma_wait3A_761 : memref<32768xf32, #tpu.memory_space<vmem_shared>>)
    %barrier3A_763 = arith.constant 0 : index
    tpu.barrier barrier_id(%barrier3A_763)
    %dma_start3A_764 = arith.constant 0 : i32
    %dma_start3A_765 = tpu.memref_slice %arg10[%dma_start3A_764] : memref<8192xf32, #tpu.memory_space<vmem>> -> memref<4096xf32, #tpu.memory_space<vmem>>
    %dma_start3A_766 = arith.constant 0 : i32
    %dma_start3A_767 = tpu.memref_slice %arg8[%dma_start3A_766] : memref<8192xi32, #tpu.memory_space<vmem>> -> memref<4096xi32, #tpu.memory_space<vmem>>
    %dma_start3A_768 = arith.constant 0 : i32
    %dma_start3A_769 = tpu.memref_slice %arg6[%dma_start3A_768] : memref<524288xf32, #tpu.memory_space<vmem_shared>> -> memref<524288xf32, #tpu.memory_space<vmem_shared>>
    tpu.enqueue_indirect_dma source(%dma_start3A_769 : memref<524288xf32, #tpu.memory_space<vmem_shared>>) target(%dma_start3A_765 : memref<4096xf32, #tpu.memory_space<vmem>>) offsets(%dma_start3A_767 : memref<4096xi32, #tpu.memory_space<vmem>>) semaphore(%arg11 : memref<!tpu.dma_semaphore, #tpu.memory_space<semaphore_mem>>)
    %dma_start3A_770 = arith.constant 4096 : i32
    %dma_start3A_771 = tpu.memref_slice %arg10[%dma_start3A_770] : memref<8192xf32, #tpu.memory_space<vmem>> -> memref<4096xf32, #tpu.memory_space<vmem>>
    %dma_start3A_772 = arith.constant 4096 : i32
    %dma_start3A_773 = tpu.memref_slice %arg8[%dma_start3A_772] : memref<8192xi32, #tpu.memory_space<vmem>> -> memref<4096xi32, #tpu.memory_space<vmem>>
    %dma_start3A_774 = arith.constant 0 : i32
    %dma_start3A_775 = tpu.memref_slice %arg6[%dma_start3A_774] : memref<524288xf32, #tpu.memory_space<vmem_shared>> -> memref<524288xf32, #tpu.memory_space<vmem_shared>>
    tpu.enqueue_indirect_dma source(%dma_start3A_775 : memref<524288xf32, #tpu.memory_space<vmem_shared>>) target(%dma_start3A_771 : memref<4096xf32, #tpu.memory_space<vmem>>) offsets(%dma_start3A_773 : memref<4096xi32, #tpu.memory_space<vmem>>) semaphore(%arg12 : memref<!tpu.dma_semaphore, #tpu.memory_space<semaphore_mem>>)
    %dma_wait3A_776 = arith.constant 0 : i32
    %dma_wait3A_777 = tpu.memref_slice %arg10[%dma_wait3A_776] : memref<8192xf32, #tpu.memory_space<vmem>> -> memref<4096xf32, #tpu.memory_space<vmem>>
    %dma_wait3A_778 = arith.constant 0 : i32
    %dma_wait3A_779 = tpu.memref_slice %arg8[%dma_wait3A_778] : memref<8192xi32, #tpu.memory_space<vmem>> -> memref<4096xi32, #tpu.memory_space<vmem>>
    %dma_wait3A_780 = arith.constant 0 : i32
    %dma_wait3A_781 = tpu.memref_slice %arg6[%dma_wait3A_780] : memref<524288xf32, #tpu.memory_space<vmem_shared>> -> memref<524288xf32, #tpu.memory_space<vmem_shared>>
    tpu.wait_indirect_dma semaphore(%arg11 : memref<!tpu.dma_semaphore, #tpu.memory_space<semaphore_mem>>) src(%dma_wait3A_781 : memref<524288xf32, #tpu.memory_space<vmem_shared>>) dst(%dma_wait3A_777 : memref<4096xf32, #tpu.memory_space<vmem>>)
    %dma_wait3A_782 = arith.constant 4096 : i32
    %dma_wait3A_783 = tpu.memref_slice %arg10[%dma_wait3A_782] : memref<8192xf32, #tpu.memory_space<vmem>> -> memref<4096xf32, #tpu.memory_space<vmem>>
    %dma_wait3A_784 = arith.constant 4096 : i32
    %dma_wait3A_785 = tpu.memref_slice %arg8[%dma_wait3A_784] : memref<8192xi32, #tpu.memory_space<vmem>> -> memref<4096xi32, #tpu.memory_space<vmem>>
    %dma_wait3A_786 = arith.constant 0 : i32
    %dma_wait3A_787 = tpu.memref_slice %arg6[%dma_wait3A_786] : memref<524288xf32, #tpu.memory_space<vmem_shared>> -> memref<524288xf32, #tpu.memory_space<vmem_shared>>
    tpu.wait_indirect_dma semaphore(%arg12 : memref<!tpu.dma_semaphore, #tpu.memory_space<semaphore_mem>>) src(%dma_wait3A_787 : memref<524288xf32, #tpu.memory_space<vmem_shared>>) dst(%dma_wait3A_783 : memref<4096xf32, #tpu.memory_space<vmem>>)
    %add3A_788 = arith.constant 1966080 : i32
    %add3A_789 = arith.addi %mul3A_0, %add3A_788 : i32
    %mul3A_790 = arith.constant 8192 : i32
    %mul3A_791 = arith.muli %arg1, %mul3A_790 : i32
    %add3A_792 = arith.addi %add3A_789, %mul3A_791 : i32
    %dma_start3A_793 = tpu.memref_slice %arg4[%add3A_792] : memref<4194304xf32, #tpu.memory_space<hbm>> -> memref<8192xf32, #tpu.memory_space<hbm>>
    %dma_start3A_794 = tpu.memref_slice %arg4[%add3A_792] : memref<4194304xf32, #tpu.memory_space<hbm>> -> memref<8192xf32, #tpu.memory_space<hbm>>
    tpu.enqueue_dma source(%arg10 : memref<8192xf32, #tpu.memory_space<vmem>>) target(%dma_start3A_794 : memref<8192xf32, #tpu.memory_space<hbm>>) target_semaphore(%arg13 : memref<!tpu.dma_semaphore, #tpu.memory_space<semaphore_mem>>)
    %dma_wait3A_795 = tpu.memref_slice %arg4[%add3A_758] : memref<4194304xf32, #tpu.memory_space<hbm>> -> memref<8192xf32, #tpu.memory_space<hbm>>
    %dma_wait3A_796 = tpu.memref_slice %arg4[%add3A_758] : memref<4194304xf32, #tpu.memory_space<hbm>> -> memref<8192xf32, #tpu.memory_space<hbm>>
    tpu.wait_dma2 semaphore(%arg13 : memref<!tpu.dma_semaphore, #tpu.memory_space<semaphore_mem>>) src(%arg9 : memref<8192xf32, #tpu.memory_space<vmem>>) dst(%dma_wait3A_796 : memref<8192xf32, #tpu.memory_space<hbm>>)
    %dma_wait3A_797 = tpu.memref_slice %arg4[%add3A_792] : memref<4194304xf32, #tpu.memory_space<hbm>> -> memref<8192xf32, #tpu.memory_space<hbm>>
    %dma_wait3A_798 = tpu.memref_slice %arg4[%add3A_792] : memref<4194304xf32, #tpu.memory_space<hbm>> -> memref<8192xf32, #tpu.memory_space<hbm>>
    tpu.wait_dma2 semaphore(%arg13 : memref<!tpu.dma_semaphore, #tpu.memory_space<semaphore_mem>>) src(%arg10 : memref<8192xf32, #tpu.memory_space<vmem>>) dst(%dma_wait3A_798 : memref<8192xf32, #tpu.memory_space<hbm>>)
    return
  }
}

module attributes {stable_mosaic.version = 14 : i64} {
  func.func @_addr_body(%arg0: i32, %arg1: memref<512x1024xi32, #tpu.memory_space<vmem>>, %arg2: memref<1024x16xi32, #tpu.memory_space<vmem>>, %arg3: memref<1024x512xi32, #tpu.memory_space<vmem>>, %arg4: memref<1024x1024xbf16, #tpu.memory_space<vmem>>, %arg5: memref<1024x1024xbf16, #tpu.memory_space<vmem>>, %arg6: memref<1024x128xi32, #tpu.memory_space<vmem>>) attributes {dimension_semantics = [#tpu.dimension_semantics<arbitrary>], iteration_bounds = array<i64: 8>, scalar_prefetch = 0 : i64, scratch_operands = 3 : i64, tpu.core_type = #tpu.core_type<tc>, window_params = [{transform_indices = @transform_0, window_bounds = array<i64: 512, 1024>}, {pipeline_mode = #tpu.pipeline_mode<synchronous>, transform_indices = @transform_1, window_bounds = array<i64: 1024, 16>}, {transform_indices = @transform_2, window_bounds = array<i64: 1024, 512>}]} {
    %eq3A = arith.constant 0 : i32
    %eq3A_0 = arith.cmpi eq, %arg0, %eq3A : i32
    %convert_element_type3A = arith.extui %eq3A_0 : i1 to i32
    %cond3A = arith.constant 0 : i32
    %cond3A_1 = arith.cmpi ne, %convert_element_type3A, %cond3A : i32
    scf.if %cond3A_1 {
      %iota3A = tpu.iota {dimensions = array<i32: 1>} : vector<1024x1024xi32>
      %broadcast_in_dim3A = arith.constant 0.000000e+00 : f32
      %broadcast_in_dim3A_26 = vector.broadcast %broadcast_in_dim3A : f32 to vector<1024x1024xf32>
      %broadcast_in_dim3A_27 = arith.constant 0.000000e+00 : f32
      %broadcast_in_dim3A_28 = vector.broadcast %broadcast_in_dim3A_27 : f32 to vector<1024x1024xf32>
      %get3A_29 = arith.constant 0 : index
      %get3A_30 = arith.constant 0 : index
      %get3A_31 = vector.load %arg2[%get3A_29, %get3A_30] : memref<1024x16xi32, #tpu.memory_space<vmem>>, vector<1024x1xi32>
      %eq3A_32 = vector.broadcast %get3A_31 : vector<1024x1xi32> to vector<1024x1024xi32>
      %eq3A_33 = arith.cmpi eq, %iota3A, %eq3A_32 : vector<1024x1024xi32>
      %jit3A = arith.constant 6.553600e+04 : f32
      %jit3A_34 = arith.constant 0.000000e+00 : f32
      %broadcast_in_dim3A_35 = vector.broadcast %jit3A : f32 to vector<1024x1024xf32>
      %broadcast_in_dim3A_36 = vector.broadcast %jit3A_34 : f32 to vector<1024x1024xf32>
      %select_n3A = arith.select %eq3A_33, %broadcast_in_dim3A_35, %broadcast_in_dim3A_36 : vector<1024x1024xi1>, vector<1024x1024xf32>
      %add3A_37 = arith.addf %broadcast_in_dim3A_26, %select_n3A : vector<1024x1024xf32>
      %get3A_38 = arith.constant 0 : index
      %get3A_39 = arith.constant 1 : index
      %get3A_40 = vector.load %arg2[%get3A_38, %get3A_39] : memref<1024x16xi32, #tpu.memory_space<vmem>>, vector<1024x1xi32>
      %eq3A_41 = vector.broadcast %get3A_40 : vector<1024x1xi32> to vector<1024x1024xi32>
      %eq3A_42 = arith.cmpi eq, %iota3A, %eq3A_41 : vector<1024x1024xi32>
      %jit3A_43 = arith.constant 3.276800e+04 : f32
      %jit3A_44 = arith.constant 0.000000e+00 : f32
      %broadcast_in_dim3A_45 = vector.broadcast %jit3A_43 : f32 to vector<1024x1024xf32>
      %broadcast_in_dim3A_46 = vector.broadcast %jit3A_44 : f32 to vector<1024x1024xf32>
      %select_n3A_47 = arith.select %eq3A_42, %broadcast_in_dim3A_45, %broadcast_in_dim3A_46 : vector<1024x1024xi1>, vector<1024x1024xf32>
      %add3A_48 = arith.addf %add3A_37, %select_n3A_47 : vector<1024x1024xf32>
      %get3A_49 = arith.constant 0 : index
      %get3A_50 = arith.constant 2 : index
      %get3A_51 = vector.load %arg2[%get3A_49, %get3A_50] : memref<1024x16xi32, #tpu.memory_space<vmem>>, vector<1024x1xi32>
      %eq3A_52 = vector.broadcast %get3A_51 : vector<1024x1xi32> to vector<1024x1024xi32>
      %eq3A_53 = arith.cmpi eq, %iota3A, %eq3A_52 : vector<1024x1024xi32>
      %jit3A_54 = arith.constant 1.638400e+04 : f32
      %jit3A_55 = arith.constant 0.000000e+00 : f32
      %broadcast_in_dim3A_56 = vector.broadcast %jit3A_54 : f32 to vector<1024x1024xf32>
      %broadcast_in_dim3A_57 = vector.broadcast %jit3A_55 : f32 to vector<1024x1024xf32>
      %select_n3A_58 = arith.select %eq3A_53, %broadcast_in_dim3A_56, %broadcast_in_dim3A_57 : vector<1024x1024xi1>, vector<1024x1024xf32>
      %add3A_59 = arith.addf %add3A_48, %select_n3A_58 : vector<1024x1024xf32>
      %get3A_60 = arith.constant 0 : index
      %get3A_61 = arith.constant 3 : index
      %get3A_62 = vector.load %arg2[%get3A_60, %get3A_61] : memref<1024x16xi32, #tpu.memory_space<vmem>>, vector<1024x1xi32>
      %eq3A_63 = vector.broadcast %get3A_62 : vector<1024x1xi32> to vector<1024x1024xi32>
      %eq3A_64 = arith.cmpi eq, %iota3A, %eq3A_63 : vector<1024x1024xi32>
      %jit3A_65 = arith.constant 8.192000e+03 : f32
      %jit3A_66 = arith.constant 0.000000e+00 : f32
      %broadcast_in_dim3A_67 = vector.broadcast %jit3A_65 : f32 to vector<1024x1024xf32>
      %broadcast_in_dim3A_68 = vector.broadcast %jit3A_66 : f32 to vector<1024x1024xf32>
      %select_n3A_69 = arith.select %eq3A_64, %broadcast_in_dim3A_67, %broadcast_in_dim3A_68 : vector<1024x1024xi1>, vector<1024x1024xf32>
      %add3A_70 = arith.addf %add3A_59, %select_n3A_69 : vector<1024x1024xf32>
      %get3A_71 = arith.constant 0 : index
      %get3A_72 = arith.constant 4 : index
      %get3A_73 = vector.load %arg2[%get3A_71, %get3A_72] : memref<1024x16xi32, #tpu.memory_space<vmem>>, vector<1024x1xi32>
      %eq3A_74 = vector.broadcast %get3A_73 : vector<1024x1xi32> to vector<1024x1024xi32>
      %eq3A_75 = arith.cmpi eq, %iota3A, %eq3A_74 : vector<1024x1024xi32>
      %jit3A_76 = arith.constant 4.096000e+03 : f32
      %jit3A_77 = arith.constant 0.000000e+00 : f32
      %broadcast_in_dim3A_78 = vector.broadcast %jit3A_76 : f32 to vector<1024x1024xf32>
      %broadcast_in_dim3A_79 = vector.broadcast %jit3A_77 : f32 to vector<1024x1024xf32>
      %select_n3A_80 = arith.select %eq3A_75, %broadcast_in_dim3A_78, %broadcast_in_dim3A_79 : vector<1024x1024xi1>, vector<1024x1024xf32>
      %add3A_81 = arith.addf %add3A_70, %select_n3A_80 : vector<1024x1024xf32>
      %get3A_82 = arith.constant 0 : index
      %get3A_83 = arith.constant 5 : index
      %get3A_84 = vector.load %arg2[%get3A_82, %get3A_83] : memref<1024x16xi32, #tpu.memory_space<vmem>>, vector<1024x1xi32>
      %eq3A_85 = vector.broadcast %get3A_84 : vector<1024x1xi32> to vector<1024x1024xi32>
      %eq3A_86 = arith.cmpi eq, %iota3A, %eq3A_85 : vector<1024x1024xi32>
      %jit3A_87 = arith.constant 2.048000e+03 : f32
      %jit3A_88 = arith.constant 0.000000e+00 : f32
      %broadcast_in_dim3A_89 = vector.broadcast %jit3A_87 : f32 to vector<1024x1024xf32>
      %broadcast_in_dim3A_90 = vector.broadcast %jit3A_88 : f32 to vector<1024x1024xf32>
      %select_n3A_91 = arith.select %eq3A_86, %broadcast_in_dim3A_89, %broadcast_in_dim3A_90 : vector<1024x1024xi1>, vector<1024x1024xf32>
      %add3A_92 = arith.addf %add3A_81, %select_n3A_91 : vector<1024x1024xf32>
      %get3A_93 = arith.constant 0 : index
      %get3A_94 = arith.constant 6 : index
      %get3A_95 = vector.load %arg2[%get3A_93, %get3A_94] : memref<1024x16xi32, #tpu.memory_space<vmem>>, vector<1024x1xi32>
      %eq3A_96 = vector.broadcast %get3A_95 : vector<1024x1xi32> to vector<1024x1024xi32>
      %eq3A_97 = arith.cmpi eq, %iota3A, %eq3A_96 : vector<1024x1024xi32>
      %jit3A_98 = arith.constant 1.024000e+03 : f32
      %jit3A_99 = arith.constant 0.000000e+00 : f32
      %broadcast_in_dim3A_100 = vector.broadcast %jit3A_98 : f32 to vector<1024x1024xf32>
      %broadcast_in_dim3A_101 = vector.broadcast %jit3A_99 : f32 to vector<1024x1024xf32>
      %select_n3A_102 = arith.select %eq3A_97, %broadcast_in_dim3A_100, %broadcast_in_dim3A_101 : vector<1024x1024xi1>, vector<1024x1024xf32>
      %add3A_103 = arith.addf %add3A_92, %select_n3A_102 : vector<1024x1024xf32>
      %get3A_104 = arith.constant 0 : index
      %get3A_105 = arith.constant 7 : index
      %get3A_106 = vector.load %arg2[%get3A_104, %get3A_105] : memref<1024x16xi32, #tpu.memory_space<vmem>>, vector<1024x1xi32>
      %eq3A_107 = vector.broadcast %get3A_106 : vector<1024x1xi32> to vector<1024x1024xi32>
      %eq3A_108 = arith.cmpi eq, %iota3A, %eq3A_107 : vector<1024x1024xi32>
      %jit3A_109 = arith.constant 6.400000e+01 : f32
      %jit3A_110 = arith.constant 0.000000e+00 : f32
      %broadcast_in_dim3A_111 = vector.broadcast %jit3A_109 : f32 to vector<1024x1024xf32>
      %broadcast_in_dim3A_112 = vector.broadcast %jit3A_110 : f32 to vector<1024x1024xf32>
      %select_n3A_113 = arith.select %eq3A_108, %broadcast_in_dim3A_111, %broadcast_in_dim3A_112 : vector<1024x1024xi1>, vector<1024x1024xf32>
      %add3A_114 = arith.addf %broadcast_in_dim3A_28, %select_n3A_113 : vector<1024x1024xf32>
      %get3A_115 = arith.constant 0 : index
      %get3A_116 = arith.constant 8 : index
      %get3A_117 = vector.load %arg2[%get3A_115, %get3A_116] : memref<1024x16xi32, #tpu.memory_space<vmem>>, vector<1024x1xi32>
      %eq3A_118 = vector.broadcast %get3A_117 : vector<1024x1xi32> to vector<1024x1024xi32>
      %eq3A_119 = arith.cmpi eq, %iota3A, %eq3A_118 : vector<1024x1024xi32>
      %jit3A_120 = arith.constant 3.200000e+01 : f32
      %jit3A_121 = arith.constant 0.000000e+00 : f32
      %broadcast_in_dim3A_122 = vector.broadcast %jit3A_120 : f32 to vector<1024x1024xf32>
      %broadcast_in_dim3A_123 = vector.broadcast %jit3A_121 : f32 to vector<1024x1024xf32>
      %select_n3A_124 = arith.select %eq3A_119, %broadcast_in_dim3A_122, %broadcast_in_dim3A_123 : vector<1024x1024xi1>, vector<1024x1024xf32>
      %add3A_125 = arith.addf %add3A_114, %select_n3A_124 : vector<1024x1024xf32>
      %get3A_126 = arith.constant 0 : index
      %get3A_127 = arith.constant 9 : index
      %get3A_128 = vector.load %arg2[%get3A_126, %get3A_127] : memref<1024x16xi32, #tpu.memory_space<vmem>>, vector<1024x1xi32>
      %eq3A_129 = vector.broadcast %get3A_128 : vector<1024x1xi32> to vector<1024x1024xi32>
      %eq3A_130 = arith.cmpi eq, %iota3A, %eq3A_129 : vector<1024x1024xi32>
      %jit3A_131 = arith.constant 1.600000e+01 : f32
      %jit3A_132 = arith.constant 0.000000e+00 : f32
      %broadcast_in_dim3A_133 = vector.broadcast %jit3A_131 : f32 to vector<1024x1024xf32>
      %broadcast_in_dim3A_134 = vector.broadcast %jit3A_132 : f32 to vector<1024x1024xf32>
      %select_n3A_135 = arith.select %eq3A_130, %broadcast_in_dim3A_133, %broadcast_in_dim3A_134 : vector<1024x1024xi1>, vector<1024x1024xf32>
      %add3A_136 = arith.addf %add3A_125, %select_n3A_135 : vector<1024x1024xf32>
      %get3A_137 = arith.constant 0 : index
      %get3A_138 = arith.constant 10 : index
      %get3A_139 = vector.load %arg2[%get3A_137, %get3A_138] : memref<1024x16xi32, #tpu.memory_space<vmem>>, vector<1024x1xi32>
      %eq3A_140 = vector.broadcast %get3A_139 : vector<1024x1xi32> to vector<1024x1024xi32>
      %eq3A_141 = arith.cmpi eq, %iota3A, %eq3A_140 : vector<1024x1024xi32>
      %jit3A_142 = arith.constant 8.000000e+00 : f32
      %jit3A_143 = arith.constant 0.000000e+00 : f32
      %broadcast_in_dim3A_144 = vector.broadcast %jit3A_142 : f32 to vector<1024x1024xf32>
      %broadcast_in_dim3A_145 = vector.broadcast %jit3A_143 : f32 to vector<1024x1024xf32>
      %select_n3A_146 = arith.select %eq3A_141, %broadcast_in_dim3A_144, %broadcast_in_dim3A_145 : vector<1024x1024xi1>, vector<1024x1024xf32>
      %add3A_147 = arith.addf %add3A_136, %select_n3A_146 : vector<1024x1024xf32>
      %get3A_148 = arith.constant 0 : index
      %get3A_149 = arith.constant 11 : index
      %get3A_150 = vector.load %arg2[%get3A_148, %get3A_149] : memref<1024x16xi32, #tpu.memory_space<vmem>>, vector<1024x1xi32>
      %eq3A_151 = vector.broadcast %get3A_150 : vector<1024x1xi32> to vector<1024x1024xi32>
      %eq3A_152 = arith.cmpi eq, %iota3A, %eq3A_151 : vector<1024x1024xi32>
      %jit3A_153 = arith.constant 4.000000e+00 : f32
      %jit3A_154 = arith.constant 0.000000e+00 : f32
      %broadcast_in_dim3A_155 = vector.broadcast %jit3A_153 : f32 to vector<1024x1024xf32>
      %broadcast_in_dim3A_156 = vector.broadcast %jit3A_154 : f32 to vector<1024x1024xf32>
      %select_n3A_157 = arith.select %eq3A_152, %broadcast_in_dim3A_155, %broadcast_in_dim3A_156 : vector<1024x1024xi1>, vector<1024x1024xf32>
      %add3A_158 = arith.addf %add3A_147, %select_n3A_157 : vector<1024x1024xf32>
      %get3A_159 = arith.constant 0 : index
      %get3A_160 = arith.constant 12 : index
      %get3A_161 = vector.load %arg2[%get3A_159, %get3A_160] : memref<1024x16xi32, #tpu.memory_space<vmem>>, vector<1024x1xi32>
      %eq3A_162 = vector.broadcast %get3A_161 : vector<1024x1xi32> to vector<1024x1024xi32>
      %eq3A_163 = arith.cmpi eq, %iota3A, %eq3A_162 : vector<1024x1024xi32>
      %jit3A_164 = arith.constant 2.000000e+00 : f32
      %jit3A_165 = arith.constant 0.000000e+00 : f32
      %broadcast_in_dim3A_166 = vector.broadcast %jit3A_164 : f32 to vector<1024x1024xf32>
      %broadcast_in_dim3A_167 = vector.broadcast %jit3A_165 : f32 to vector<1024x1024xf32>
      %select_n3A_168 = arith.select %eq3A_163, %broadcast_in_dim3A_166, %broadcast_in_dim3A_167 : vector<1024x1024xi1>, vector<1024x1024xf32>
      %add3A_169 = arith.addf %add3A_158, %select_n3A_168 : vector<1024x1024xf32>
      %get3A_170 = arith.constant 0 : index
      %get3A_171 = arith.constant 13 : index
      %get3A_172 = vector.load %arg2[%get3A_170, %get3A_171] : memref<1024x16xi32, #tpu.memory_space<vmem>>, vector<1024x1xi32>
      %eq3A_173 = vector.broadcast %get3A_172 : vector<1024x1xi32> to vector<1024x1024xi32>
      %eq3A_174 = arith.cmpi eq, %iota3A, %eq3A_173 : vector<1024x1024xi32>
      %jit3A_175 = arith.constant 1.000000e+00 : f32
      %jit3A_176 = arith.constant 0.000000e+00 : f32
      %broadcast_in_dim3A_177 = vector.broadcast %jit3A_175 : f32 to vector<1024x1024xf32>
      %broadcast_in_dim3A_178 = vector.broadcast %jit3A_176 : f32 to vector<1024x1024xf32>
      %select_n3A_179 = arith.select %eq3A_174, %broadcast_in_dim3A_177, %broadcast_in_dim3A_178 : vector<1024x1024xi1>, vector<1024x1024xf32>
      %add3A_180 = arith.addf %add3A_169, %select_n3A_179 : vector<1024x1024xf32>
      %convert_element_type3A_181 = arith.truncf %add3A_103 : vector<1024x1024xf32> to vector<1024x1024xbf16>
      %swap3A_182 = arith.constant 0 : index
      %swap3A_183 = arith.constant 0 : index
      %swap3A_184 = vector.load %arg4[%swap3A_182, %swap3A_183] : memref<1024x1024xbf16, #tpu.memory_space<vmem>>, vector<1024x1024xbf16>
      tpu.vector_store %arg4[%swap3A_182, %swap3A_183], %convert_element_type3A_181 {strides = array<i32>} : memref<1024x1024xbf16, #tpu.memory_space<vmem>>, vector<1024x1024xbf16>,
      %convert_element_type3A_185 = arith.truncf %add3A_180 : vector<1024x1024xf32> to vector<1024x1024xbf16>
      %swap3A_186 = arith.constant 0 : index
      %swap3A_187 = arith.constant 0 : index
      %swap3A_188 = vector.load %arg5[%swap3A_186, %swap3A_187] : memref<1024x1024xbf16, #tpu.memory_space<vmem>>, vector<1024x1024xbf16>
      tpu.vector_store %arg5[%swap3A_186, %swap3A_187], %convert_element_type3A_185 {strides = array<i32>} : memref<1024x1024xbf16, #tpu.memory_space<vmem>>, vector<1024x1024xbf16>,
      %iota3A_189 = tpu.iota {dimensions = array<i32: 0>} : vector<1024x128xi32>
      %shift_right_arithmetic3A = arith.constant 3 : i32
      %shift_right_arithmetic3A_190 = vector.broadcast %shift_right_arithmetic3A : i32 to vector<1024x128xi32>
      %shift_right_arithmetic3A_191 = arith.shrsi %iota3A_189, %shift_right_arithmetic3A_190 : vector<1024x128xi32>
      %and3A = arith.constant 3 : i32
      %and3A_192 = vector.broadcast %and3A : i32 to vector<1024x128xi32>
      %and3A_193 = arith.andi %shift_right_arithmetic3A_191, %and3A_192 : vector<1024x128xi32>
      %mul3A = arith.constant 131072 : i32
      %mul3A_194 = vector.broadcast %mul3A : i32 to vector<1024x128xi32>
      %mul3A_195 = arith.muli %and3A_193, %mul3A_194 : vector<1024x128xi32>
      %and3A_196 = arith.constant 7 : i32
      %and3A_197 = vector.broadcast %and3A_196 : i32 to vector<1024x128xi32>
      %and3A_198 = arith.andi %iota3A_189, %and3A_197 : vector<1024x128xi32>
      %mul3A_199 = arith.constant 128 : i32
      %mul3A_200 = vector.broadcast %mul3A_199 : i32 to vector<1024x128xi32>
      %mul3A_201 = arith.muli %and3A_198, %mul3A_200 : vector<1024x128xi32>
      %add3A_202 = arith.addi %mul3A_195, %mul3A_201 : vector<1024x128xi32>
      %swap3A_203 = arith.constant 0 : index
      %swap3A_204 = arith.constant 0 : index
      %swap3A_205 = vector.load %arg6[%swap3A_203, %swap3A_204] : memref<1024x128xi32, #tpu.memory_space<vmem>>, vector<1024x128xi32>
      tpu.vector_store %arg6[%swap3A_203, %swap3A_204], %add3A_202 {strides = array<i32>} : memref<1024x128xi32, #tpu.memory_space<vmem>>, vector<1024x128xi32>,
    } else {
    }
    %get3A = arith.constant 0 : index
    %get3A_2 = arith.constant 0 : index
    %get3A_3 = vector.load %arg1[%get3A, %get3A_2] : memref<512x1024xi32, #tpu.memory_space<vmem>>, vector<512x1024xi32>
    %ne3A = arith.constant 0 : i32
    %ne3A_4 = vector.broadcast %ne3A : i32 to vector<512x1024xi32>
    %ne3A_5 = arith.cmpi ne, %get3A_3, %ne3A_4 : vector<512x1024xi32>
    %convert_element_type3A_6 = arith.extui %ne3A_5 : vector<512x1024xi1> to vector<512x1024xi32>
    %convert_element_type3A_7 = arith.sitofp %convert_element_type3A_6 : vector<512x1024xi32> to vector<512x1024xf32>
    %convert_element_type3A_8 = arith.truncf %convert_element_type3A_7 : vector<512x1024xf32> to vector<512x1024xbf16>
    %transpose3A = tpu.transpose %convert_element_type3A_8, [1, 0] : vector<512x1024xbf16> -> vector<1024x512xbf16>
    %get3A_9 = arith.constant 0 : index
    %get3A_10 = arith.constant 0 : index
    %get3A_11 = vector.load %arg4[%get3A_9, %get3A_10] : memref<1024x1024xbf16, #tpu.memory_space<vmem>>, vector<1024x1024xbf16>
    %dot_general3A = arith.constant dense<0.000000e+00> : vector<1024x512xf32>
    %dot_general3A_12 = tpu.matmul %get3A_11, %transpose3A, %dot_general3A {dimension_numbers = #tpu.dot_dimension_numbers<[1], [0], [0], [1], [0, 0, 1, 1], [], []>, transpose_lhs_hint = false} : vector<1024x1024xbf16>, vector<1024x512xbf16>, vector<1024x512xf32> -> vector<1024x512xf32>
    %get3A_13 = arith.constant 0 : index
    %get3A_14 = arith.constant 0 : index
    %get3A_15 = vector.load %arg5[%get3A_13, %get3A_14] : memref<1024x1024xbf16, #tpu.memory_space<vmem>>, vector<1024x1024xbf16>
    %dot_general3A_16 = arith.constant dense<0.000000e+00> : vector<1024x512xf32>
    %dot_general3A_17 = tpu.matmul %get3A_15, %transpose3A, %dot_general3A_16 {dimension_numbers = #tpu.dot_dimension_numbers<[1], [0], [0], [1], [0, 0, 1, 1], [], []>, transpose_lhs_hint = false} : vector<1024x1024xbf16>, vector<1024x512xbf16>, vector<1024x512xf32> -> vector<1024x512xf32>
    %add3A = arith.addf %dot_general3A_12, %dot_general3A_17 : vector<1024x512xf32>
    %convert_element_type3A_18 = arith.fptosi %add3A : vector<1024x512xf32> to vector<1024x512xi32>
    %get3A_19 = arith.constant 0 : index
    %get3A_20 = arith.constant 0 : index
    %get3A_21 = vector.load %arg6[%get3A_19, %get3A_20] : memref<1024x128xi32, #tpu.memory_space<vmem>>, vector<1024x1xi32>
    %add3A_22 = vector.broadcast %get3A_21 : vector<1024x1xi32> to vector<1024x512xi32>
    %add3A_23 = arith.addi %convert_element_type3A_18, %add3A_22 : vector<1024x512xi32>
    %swap3A = arith.constant 0 : index
    %swap3A_24 = arith.constant 0 : index
    %swap3A_25 = vector.load %arg3[%swap3A, %swap3A_24] : memref<1024x512xi32, #tpu.memory_space<vmem>>, vector<1024x512xi32>
    tpu.vector_store %arg3[%swap3A, %swap3A_24], %add3A_23 {strides = array<i32>} : memref<1024x512xi32, #tpu.memory_space<vmem>>, vector<1024x512xi32>,
    return
  }
  func.func @transform_0(%arg0: i32) -> (i32, i32) {
    %c0_i32 = arith.constant 0 : i32
    %c0_i32_0 = arith.constant 0 : i32
    return %arg0, %c0_i32 : i32, i32
  }
  func.func @transform_1(%arg0: i32) -> (i32, i32) {
    %c0_i32 = arith.constant 0 : i32
    %c0_i32_0 = arith.constant 0 : i32
    %c0_i32_1 = arith.constant 0 : i32
    return %c0_i32, %c0_i32_0 : i32, i32
  }
  func.func @transform_2(%arg0: i32) -> (i32, i32) {
    %c0_i32 = arith.constant 0 : i32
    %c0_i32_0 = arith.constant 0 : i32
    return %c0_i32, %arg0 : i32, i32
  }
}

module attributes {stable_mosaic.version = 14 : i64} {
  func.func @_tr_body(%arg0: i32, %arg1: memref<1024x512xf32, #tpu.memory_space<vmem>>, %arg2: memref<512x1024xf32, #tpu.memory_space<vmem>>) attributes {dimension_semantics = [#tpu.dimension_semantics<arbitrary>], iteration_bounds = array<i64: 8>, scalar_prefetch = 0 : i64, scratch_operands = 0 : i64, tpu.core_type = #tpu.core_type<tc>, window_params = [{transform_indices = @transform_0, window_bounds = array<i64: 1024, 512>}, {transform_indices = @transform_1, window_bounds = array<i64: 512, 1024>}]} {
    %get3A = arith.constant 0 : index
    %get3A_0 = arith.constant 0 : index
    %get3A_1 = vector.load %arg1[%get3A, %get3A_0] : memref<1024x512xf32, #tpu.memory_space<vmem>>, vector<1024x512xf32>
    %transpose3A = tpu.transpose %get3A_1, [1, 0] : vector<1024x512xf32> -> vector<512x1024xf32>
    %swap3A = arith.constant 0 : index
    %swap3A_2 = arith.constant 0 : index
    %swap3A_3 = vector.load %arg2[%swap3A, %swap3A_2] : memref<512x1024xf32, #tpu.memory_space<vmem>>, vector<512x1024xf32>
    tpu.vector_store %arg2[%swap3A, %swap3A_2], %transpose3A {strides = array<i32>} : memref<512x1024xf32, #tpu.memory_space<vmem>>, vector<512x1024xf32>,
    return
  }
  func.func @transform_0(%arg0: i32) -> (i32, i32) {
    %c0_i32 = arith.constant 0 : i32
    %c0_i32_0 = arith.constant 0 : i32
    return %c0_i32, %arg0 : i32, i32
  }
  func.func @transform_1(%arg0: i32) -> (i32, i32) {
    %c0_i32 = arith.constant 0 : i32
    %c0_i32_0 = arith.constant 0 : i32
    return %arg0, %c0_i32 : i32, i32
  }
}

</mosaic_0001>

<sc_bundles>
// kernel: kernel.5.cloned.1.call-start
scs
__scs_entry_jumppad:
0x0: {  	(pc) =	sbr.rel $0x88, $3  }
0x1: {  	(tag) =	ssettag $0x0;
	lr =	simm.s32 $0x1  }
0x2: {  	[smem:$0x3F9E] =	sst lr;
	_ =	strace $0xD0000000  }
0x3: {  	_ = 	snop  }
0x4: {  	_ = 	snop  }
0x5: {  	_ = 	snop  }
0x6: {  	_ = 	snop  }
0x7: {  	_ = 	snop  }
__scs_overlays_trampoline_lowered:
0x8: {  	[smem:$0x3FAD] =	sst s0  }
0x9: {  	[smem:$0x3FAE] =	sst s1  }
0xa: {  	[smem:$0x3FAF] =	sst s2  }
0xb: {  	[smem:$0x3FB0] =	sst s3  }
0xc: {  	[smem:$0x3FB1] =	sst s4  }
0xd: {  	[smem:$0x3FB2] =	sst s5  }
0xe: {  	[smem:$0x3FB3] =	sst s6  }
0xf: {  	[smem:$0x3FB4] =	sst s7  }
0x10: {  	[smem:$0x3FB5] =	sst s8  }
0x11: {  	[smem:$0x3FB6] =	sst s9;
	s0 =	simm.s32 @!p0 $0x0  }
0x12: {  	s1 =	sld [smem:$0x3F9C];
	s0 =	simm.s32 @p0 $0x1  }
0x13: {  	[smem:$0x3FB7] =	sst s0;
	s0 =	simm.s32 @!p1 $0x0  }
0x14: {  	s2 =	sld [smem:$0x3F9B];
	s0 =	simm.s32 @p1 $0x1  }
0x15: {  	[smem:$0x3FB8] =	sst s0;
	s0 =	simm.s32 @!p2 $0x0  }
0x16: {  	s3 =	sld [smem:$0x3FDB];
	s0 =	simm.s32 @p2 $0x1  }
0x17: {  	s4 =	simm.s32 $0x1BF5;
	[smem:$0x3FBA] =	sst s0  }
0x18: {  	s0 =	sld [smem:$0x3F9D];
	_ =	swait.ge [sflag:s4], $0x0  }
0x19: {  	s7 =	sld [smem:$0x3F9E]  }
0x1a: {  	s8 =	sadd.s32 $0xFFFFE003, lr  }
0x1b: {  	s9 =	sadd.s32 $0xFFFFFEF7, lr;
	s5 =	simm.s32 $0xFFFFFFFF;
	p2 =	slt.u32 s8, $0xFFFFF086  }
0x1c: {  	p1 =	slt.u32 s9, $0xF7A;
	s5 =	simm.s32 @!p2 $0x0  }
0x1d: {  	s5 =	simm.s32 @p1 $0x1;
	p0 =	seq.s32 s7, s2  }
0x1e: {  	s7 =	smul.u32 @!p0 $0xF7A, s2;
	p2 =	seq.s32 @!p0 s5, $0x0  }
0x1f: {  	s9 =	smul.u32 $0xF7A, s1;
	s8 =	simm.s32 @!p0 $0x1BF5;
	p2 =	por !p2, p0  }
0x20: {  	[sflag:s8] =	ssyncset.s32 @!p0 $0xFFFFF086;
	s6 =	sadd.s32 @!p0 s3, s7;
	s7 =	simm.s32 @!p0 $0x108  }
0x21: {  	s3 =	sadd.s32 s3, s9;
	s6 =	sadd.s32 @!p0 $0x88, s6;
	s7 =	simm.s32 @p2 $0x1082  }
0x22: {  	[simem:s7], [sflag:s8] =	dma.local @!p0 [hbm:s6], $0xF7A  }
0x23: {  	s9 =	sor.u32 $0xD0000000, s2;
	s6 =	simm.s32 $0x108;
	_ =	swait.ge @!p0 [sflag:s8], $0x0  }
0x24: {  	s3 =	sadd.s32 $0x88, s3;
	s6 =	simm.s32 @!p1 $0x1082;
	[sflag:s4] =	ssyncset.s32 $0xFFFFF086  }
0x25: {  	[simem:s6], [sflag:s4] =	dma.local [hbm:s3], $0xF7A  }
0x26: {  	[smem:$0x3F9E] =	sst s1;
	(tag) =	ssettag s2;
	_ =	strace s9  }
0x27: {  	s1 =	sld [smem:$0x3FAE]  }
0x28: {  	s2 =	sld [smem:$0x3FAF]  }
0x29: {  	s4 =	sld [smem:$0x3FB1]  }
0x2a: {  	p0 =	seq.s32 s5, $0x0;
	s5 =	sld [smem:$0x3FB2]  }
0x2b: {  	s6 =	sld [smem:$0x3FB3]  }
0x2c: {  	s7 =	sld [smem:$0x3FB4]  }
0x2d: {  	s3 =	simm.s32 $0x108;
	s8 =	sld [smem:$0x3FB5]  }
0x2e: {  	s3 =	simm.s32 @!p0 $0x1082;
	s9 =	sld [smem:$0x3FB6]  }
0x2f: {  	lr =	sadd.s32 s0, s3;
	s0 =	sld [smem:$0x3FAD]  }
0x30: {  	s3 =	sld [smem:$0x3FB0]  }
0x31: {  	[smem:$0x3FB9] =	sst s10  }
0x32: {  	s10 =	sld [smem:$0x3FB7];
	_ =	sdelay $0x3  }
0x33: {  	p0 =	seq.s32 s10, $0x1;
	s10 =	sld [smem:$0x3FB9];
	_ =	sdelay $0x3  }
0x34: {  	[smem:$0x3FB9] =	sst s10  }
0x35: {  	s10 =	sld [smem:$0x3FB8];
	_ =	sdelay $0x3  }
0x36: {  	p1 =	seq.s32 s10, $0x1;
	s10 =	sld [smem:$0x3FB9];
	_ =	sdelay $0x3  }
0x37: {  	[smem:$0x3FB9] =	sst s10  }
0x38: {  	s10 =	sld [smem:$0x3FBA]  }
0x39: {  	_ = 	snop;
	(pc) =	sbr.ind lr, $3  }
0x3a: {  	_ = 	snop  }
0x3b: {  	_ = 	snop  }
0x3c: {  	p2 =	seq.s32 s10, $0x1;
	s10 =	sld [smem:$0x3FB9]  }
0x3d: {  	_ =	shalt  }
0x3e: {  	_ =	shalt  }
0x3f: {  	_ =	shalt  }
0x40: {  	_ =	shalt  }
0x41: {  	_ =	shalt  }
0x42: {  	_ =	shalt  }
0x43: {  	_ =	shalt  }
0x44: {  	_ =	shalt  }
0x45: {  	_ =	shalt  }
0x46: {  	_ =	shalt  }
0x47: {  	_ =	shalt  }
0x48: {  	_ =	shalt  }
0x49: {  	_ =	shalt  }
0x4a: {  	_ =	shalt  }
0x4b: {  	_ =	shalt  }
0x4c: {  	_ =	shalt  }
0x4d: {  	_ =	shalt  }
0x4e: {  	_ =	shalt  }
0x4f: {  	_ =	shalt  }
0x50: {  	_ =	shalt  }
0x51: {  	_ =	shalt  }
0x52: {  	_ =	shalt  }
0x53: {  	_ =	shalt  }
0x54: {  	_ =	shalt  }
0x55: {  	_ =	shalt  }
0x56: {  	_ =	shalt  }
0x57: {  	_ =	shalt  }
0x58: {  	_ =	shalt  }
0x59: {  	_ =	shalt  }
0x5a: {  	_ =	shalt  }
0x5b: {  	_ =	shalt  }
0x5c: {  	_ =	shalt  }
0x5d: {  	_ =	shalt  }
0x5e: {  	_ =	shalt  }
0x5f: {  	_ =	shalt  }
0x60: {  	_ =	shalt  }
0x61: {  	_ =	shalt  }
0x62: {  	_ =	shalt  }
0x63: {  	_ =	shalt  }
0x64: {  	_ =	shalt  }
0x65: {  	_ =	shalt  }
0x66: {  	_ =	shalt  }
0x67: {  	_ =	shalt  }
0x68: {  	_ =	shalt  }
0x69: {  	_ =	shalt  }
0x6a: {  	_ =	shalt  }
0x6b: {  	_ =	shalt  }
0x6c: {  	_ =	shalt  }
0x6d: {  	_ =	shalt  }
0x6e: {  	_ =	shalt  }
0x6f: {  	_ =	shalt  }
0x70: {  	_ =	shalt  }
0x71: {  	_ =	shalt  }
0x72: {  	_ =	shalt  }
0x73: {  	_ =	shalt  }
0x74: {  	_ =	shalt  }
0x75: {  	_ =	shalt  }
0x76: {  	_ =	shalt  }
0x77: {  	_ =	shalt  }
0x78: {  	_ =	shalt  }
0x79: {  	_ =	shalt  }
0x7a: {  	_ =	shalt  }
0x7b: {  	_ =	shalt  }
0x7c: {  	_ =	shalt  }
0x7d: {  	_ =	shalt  }
0x7e: {  	_ =	shalt  }
0x7f: {  	_ =	shalt  }
0x80: {  	_ =	shalt  }
0x81: {  	_ =	shalt  }
0x82: {  	_ =	shalt  }
0x83: {  	_ =	shalt  }
0x84: {  	_ =	shalt  }
0x85: {  	_ =	shalt  }
0x86: {  	_ =	shalt  }
0x87: {  	_ =	shalt  }
.Lfunc_end0:
.L_simem_size_0:
called_computation_lowered:
.L_overlay_start_0:
0x88: {  	s2 =	sld [smem:$0x3FD9]  }
0x89: {  	s3 =	sld [smem:$0x3FFE];
	_ =	sdelay $0x1  }
0x8a: {  	s1 =	srdreg.scid  }
0x8b: {  	s0 =	sand.u32 $0x1, s1  }
0x8c: {  	s17 =	sshll.u32 s0, $0xA;
	s2 =	sadd.s32 s3, s2  }
0x8d: {  	s2 =	sadd.s32 s2, s17  }
0x8e: {  	[smem:$0x3FC5] =	sst s2  }
0x8f: {  	_ = 	snop  }
0x90: {  	s2 =	sld [smem:$0x3FC7]  }
0x91: {  	s18 =	sld [smem:$0x3FD0];
	(tm) =	ssettm $0x1  }
0x92: {  	s4 =	sld [smem:$0x3FFB];
	_ =	sdelay $0x3  }
0x93: {  	_ =	strace s4  }
0x94: {  	s4 =	sld [smem:$0x3FFC];
	_ =	sdelay $0x3  }
0x95: {  	_ =	strace s4  }
0x96: {  	s4 =	sld [smem:$0x3FFD];
	_ =	sdelay $0x3  }
0x97: {  	_ =	strace s4  }
0x98: {  	_ =	strace $0x8FFFFFFF  }
0x99: {  	s19 =	sld [smem:$0x3FDB];
	_ =	sdelay $0x1  }
0x9a: {  	s5 =	simm.s32 $_scs_section_size  }
0x9b: {  	s6 =	simm.s32 $_size__tile_overlayer_lowered;
	s7 =	simm.s32 $_tile_overlayer_lowered  }
0x9c: {  	s22 =	simm.s32 $0x1BFF;
	s21 =	sshll.u32 s7, $0x1;
	s4 =	sadd.s32 s5, s19  }
0x9d: {  	s8 =	simm.s32 $0x0;
	s20 =	sshll.u32 s6, $0x1;
	s6 =	sadd.s32 s21, s4  }
0x9e: {  	[timem:s8], [sflag:s22] =	dma.local [hbm:s6], s20  }
0x9f: {  	_ =	swait.ge [sflag:s22], s20  }
0xa0: {  	s5 =	ssub.s32 $0x0, s20;
	[sflag:s22] =	ssyncset.done $0x0  }
0xa1: {  	[sflag:s22] =	ssyncadd.s32 s5;
	_ =	sdelay $0x1  }
0xa2: {  	s23 =	simm.s32 $0x1B8B  }
0xa3: {  	_ =	swait.ge [sflag:s23], $0x1  }
0xa4: {  	[sflag:s23] =	ssyncset.done $0x0  }
0xa5: {  	s25 =	simm.s32 $0x1B8E;
	s24 =	sld [smem:$0x3FFE];
	[sflag:s23] =	ssyncadd.s32 $0xFFFFFFFF  }
0xa6: {  	s26 =	simm.s32 $execute0_lowered;
	[smem:$0x3FD2] =	sst s25  }
0xa7: {  	s6 =	sshll.u32 s26, $0x1;
	_ =	strace $0x80000046;
	[dreg:$0x1] =	wrdreg $0xFFFFFFFF  }
0xa8: {  	s28 =	simm.s32 $_size_execute0_lowered;
	s4 =	sadd.s32 s4, s6;
	[dreg:$0x0] =	wrdreg $0x0  }
0xa9: {  	s6 =	sshll.u32 s28, $0x1;
	[dreg:$0x2] =	wrdreg s4  }
0xaa: {  	[dreg:$0x3] =	wrdreg s6  }
0xab: {  	[dreg:$0x4] =	wrdreg $0xC0  }
0xac: {  	_ =	task [dreg:s8], $0x5FFFF  }
0xad: {  	[dreg:$0x1] =	wrdreg $0xFFFFFFFF  }
0xae: {  	[dreg:$0x0] =	wrdreg $0x60  }
0xaf: {  	[dreg:$0x2] =	wrdreg s2  }
0xb0: {  	[dreg:$0x3] =	wrdreg s18  }
0xb1: {  	[dreg:$0x4] =	wrdreg s24  }
0xb2: {  	[dreg:$0x5] =	wrdreg $0x0  }
0xb3: {  	[dreg:$0x6] =	wrdreg $0x80000  }
0xb4: {  	[dreg:$0x7] =	wrdreg $0x9  }
0xb5: {  	_ =	task.clear_ibuf [dreg:s8], $0x8FFFF;
	_ =	strace $0x90000046  }
0xb6: {  	s29 =	simm.s32 $0x9;
	_ =	strace $0x80000048  }
0xb7: {  	_ =	swait.ge [sflag:s29], $0x1  }
0xb8: {  	[sflag:s29] =	ssyncadd.s32 $0xFFFFFFFF  }
0xb9: {  	_ =	strace $0x90000048  }
0xba: {  	_ =	sfence  }
0xbb: {  	s30 =	sld [smem:$0x0];
	_ =	sdelay $0x2  }
0xbc: {  	s31 =	sshll.u32 s1, $0xD;
	s1 =	sshrl.u32 s1, $0x2  }
0xbd: {  	s3 =	sand.u32 $0x4000, s31;
	s1 =	sadd.s32 s1, s30  }
0xbe: {  	s0 =	sor.u32 s3, s0;
	s1 =	sshll.u32 s1, $0x11  }
0xbf: {  	s0 =	sor.u32 s1, s0  }
0xc0: {  	s0 =	sadd.s32 $0x8F2B, s0  }
0xc1: {  	[sflag:s0] =	ssyncadd.remote.s32 $0x1  }
0xc2: {  	_ =	sfence.sel $0xFFFF  }
0xc3: {  	[dreg:$0x0] =	wrdreg $0xFFFFFFFF;
	(pc) =	sbr.abs _section_cstart, $3  }
0xc4: {  	[dreg:$0x1] =	wrdreg $0xFFFFFFFF  }
0xc5: {  	_ =	task.clear_ibuf [dreg:s8], $0x2FFFF;
	_ =	strace $0x9FFFFFFF  }
0xc6: {  	(tm) =	ssettm $0x7FFFFFFF  }
0xc7: {  	_ =	shalt  }
tec
execute0_lowered:
.L_overlay_start_1:
0x0: {  	(tag) =	ssettag $0x1  }
0x1: {  	s5 =	rddreg [dreg:$0x0]  }
0x2: {  	s29 =	rddreg [dreg:$0x1]  }
0x3: {  	s6 =	rddreg [dreg:$0x2]  }
0x4: {  	s2 =	rddreg [dreg:$0x3]  }
0x5: {  	s3 =	rddreg [dreg:$0x4];
	s0 =	srdreg.scid  }
0x6: {  	s1 =	stileid.u32;
	s4 =	simm.s32 $0x0;
	s0 =	sand.u32 $0x1, s0  }
0x7: {  	s9 =	sshll.u32 s1, $0xA;
	[smem:$0x7FF] =	sst s4;
	s8 =	sshll.u32 s0, $0x12  }
0x8: {  	[smem:$0x7FD] =	sst s0;
	s30 =	sor.u32 s9, s8  }
0x9: {  	s31 =	sadd.s32 $0x400, s6;
	_ =	strace $0x80000047;
	s12 =	sadd.s32 s29, s30  }
0xa: {  	s8 =	sor.u32 $0x4000, s30;
	s15 =	sadd.s32 s31, s30;
	[dreg:$0x6] =	wrdreg s12  }
0xb: {  	s17 =	sor.u32 $0x8000, s30;
	s14 =	sadd.s32 s29, s8;
	[dreg:$0x9] =	wrdreg s15  }
0xc: {  	s11 =	sshll.u32 s1, $0xF;
	s18 =	sadd.s32 s29, s17;
	[dreg:$0x8] =	wrdreg s14  }
0xd: {  	s21 =	sor.u32 $0xC000, s30;
	s19 =	sadd.s32 s31, s8;
	[dreg:$0xb] =	wrdreg s18  }
0xe: {  	s7 =	sshll.u32 s0, $0x17;
	s22 =	sadd.s32 s29, s21;
	[dreg:$0xc] =	wrdreg s19  }
0xf: {  	s25 =	sor.u32 $0x10000, s30;
	s23 =	sadd.s32 s31, s17;
	[dreg:$0xe] =	wrdreg s22  }
0x10: {  	s7 =	sor.u32 s11, s7;
	s26 =	sadd.s32 s29, s25;
	[dreg:$0xf] =	wrdreg s23  }
0x11: {  	s9 =	sor.u32 $0x14000, s30;
	s0 =	sadd.s32 s31, s21;
	[dreg:$0x11] =	wrdreg s26  }
0x12: {  	s7 =	sshrl.u32 s7, $0x3;
	s10 =	sadd.s32 s29, s9;
	[dreg:$0x12] =	wrdreg s0  }
0x13: {  	s5 =	sadd.s32 s5, s7;
	s12 =	sadd.s32 s31, s25;
	[dreg:$0x14] =	wrdreg s10  }
0x14: {  	s13 =	sadd.s32 $0x10000, s5;
	[dreg:$0x15] =	wrdreg s12  }
0x15: {  	s16 =	sadd.s32 $0x20000, s5;
	[dreg:$0x7] =	wrdreg s13  }
0x16: {  	s20 =	sadd.s32 $0x30000, s5;
	[dreg:$0xa] =	wrdreg s16  }
0x17: {  	s24 =	sadd.s32 $0x40000, s5;
	[dreg:$0xd] =	wrdreg s20  }
0x18: {  	s8 =	sadd.s32 $0x50000, s5;
	[dreg:$0x10] =	wrdreg s24  }
0x19: {  	s17 =	sadd.s32 $0x70000, s5;
	[dreg:$0x13] =	wrdreg s8  }
0x1a: {  	s21 =	sadd.s32 $0x80000, s5;
	[dreg:$0x19] =	wrdreg s17  }
0x1b: {  	s25 =	sadd.s32 $0x90000, s5;
	[dreg:$0x1c] =	wrdreg s21  }
0x1c: {  	s14 =	sor.u32 $0x18000, s30;
	s13 =	sadd.s32 $0x60000, s5;
	[dreg:$0x1f] =	wrdreg s25  }
0x1d: {  	s15 =	sadd.s32 s29, s14;
	[dreg:$0x16] =	wrdreg s13  }
0x1e: {  	s18 =	sor.u32 $0x1C000, s30;
	s16 =	sadd.s32 s31, s9;
	[dreg:$0x17] =	wrdreg s15  }
0x1f: {  	s19 =	sadd.s32 s29, s18;
	[dreg:$0x18] =	wrdreg s16  }
0x20: {  	s22 =	sor.u32 $0x20000, s30;
	s20 =	sadd.s32 s31, s14;
	[dreg:$0x1a] =	wrdreg s19  }
0x21: {  	s23 =	sadd.s32 s29, s22;
	[dreg:$0x1b] =	wrdreg s20  }
0x22: {  	s26 =	sor.u32 $0x24000, s30;
	s24 =	sadd.s32 s31, s18;
	[dreg:$0x1d] =	wrdreg s23  }
0x23: {  	s0 =	sadd.s32 s29, s26;
	[dreg:$0x1e] =	wrdreg s24  }
0x24: {  	s7 =	sadd.s32 s31, s22;
	[smem:$0x7F0] =	sst s0  }
0x25: {  	s10 =	sor.u32 $0x28000, s30;
	s9 =	sadd.s32 $0xA0000, s5;
	[smem:$0x7F1] =	sst s7  }
0x26: {  	s12 =	sadd.s32 s29, s10;
	[smem:$0x7F2] =	sst s9  }
0x27: {  	s14 =	sadd.s32 $0xB0000, s5;
	[smem:$0x7F3] =	sst s12  }
0x28: {  	s17 =	sadd.s32 s31, s10;
	[smem:$0x7F5] =	sst s14  }
0x29: {  	s18 =	sadd.s32 $0xC0000, s5;
	[smem:$0x7F7] =	sst s17  }
0x2a: {  	s22 =	sadd.s32 $0xD0000, s5;
	[smem:$0x7F8] =	sst s18  }
0x2b: {  	s13 =	sadd.s32 s31, s26;
	s15 =	sor.u32 $0x2C000, s30;
	[smem:$0x7FB] =	sst s22  }
0x2c: {  	s23 =	sor.u32 $0x30000, s30;
	[smem:$0x7F4] =	sst s13;
	s16 =	sadd.s32 s29, s15  }
0x2d: {  	s20 =	sadd.s32 s11, s2;
	s19 =	sadd.s32 s29, s23;
	[smem:$0x7F6] =	sst s16  }
0x2e: {  	s26 =	sor.u32 $0x34000, s30;
	s21 =	sadd.s32 s31, s15;
	[smem:$0x7F9] =	sst s19  }
0x2f: {  	s24 =	sshll.u32 s1, $0x6;
	s25 =	sadd.s32 s29, s26;
	[smem:$0x7FA] =	sst s21  }
0x30: {  	s6 =	sor.u32 $0x1C04, s24;
	s7 =	sshrl.u32 s20, $0x3;
	[smem:$0x7FC] =	sst s25  }
0x31: {  	[spmem:s7], [sflag:s6] =	dma.local [hbm:s5], $0x1000  }
0x32: {  	s8 =	simm.s32 $0x10000;
	s9 =	simm.s32 $0x5;
	s10 =	rddreg [dreg:$0x6]  }
0x33: {  	[tilespmem:s8], [sflag:$0x5] =	stream.linear.gather [hbm4b:s10+s4], $0x2000, $0x38;
	[tilespmem:$0x18000] =	vst v63  }
0x34: {  	_ =	swait.ge [sflag:s9], $0x2000  }
0x35: {  	[sflag:s9] =	ssyncset.done $0x0  }
0x36: {  	s10 =	simm.s32 $0x4;
	[sflag:s9] =	ssyncadd.s32 $0xFFFFE000  }
0x37: {  	_ =	swait.ge [sflag:s10], $0x1000  }
0x38: {  	[sflag:s10] =	ssyncset.done $0x0  }
0x39: {  	[sflag:s10] =	ssyncadd.s32 $0xFFFFF000  }
0x3a: {  	s11 =	sadd.s32 s11, s3;
	s12 =	simm.s32 $0x1000;
	[bflag:$0x0] =	sbarrier.arrive $0xFFFF  }
0x3b: {  	s11 =	sshrl.u32 s11, $0x3;
	s13 =	simm.s32 $0x14000;
	s14 =	rddreg [dreg:$0x7]  }
0x3c: {  	[spmem:s11], [sflag:s6] =	dma.local [hbm:s14], $0x1000  }
0x3d: {  	[tilespmem:s13], [sflag:$0x1] =	stream.indirect.gather [spmem:s2], $0x1, s8, s12, $0xb8;
	[tilespmem:$0x18000] =	vst v63  }
0x3e: {  	s15 =	simm.s32 $0x15000;
	s14 =	simm.s32 $0x11000  }
0x3f: {  	[tilespmem:s15], [sflag:$0x2] =	stream.indirect.gather [spmem:s2], $0x1, s14, s12, $0xb8;
	[tilespmem:$0x18000] =	vst v63  }
0x40: {  	s16 =	simm.s32 $0x12000;
	s17 =	rddreg [dreg:$0x8]  }
0x41: {  	[tilespmem:s16], [sflag:$0x5] =	stream.linear.gather [hbm4b:s17+s4], $0x2000, $0x38;
	[tilespmem:$0x18000] =	vst v63  }
0x42: {  	_ =	swait.ge [sflag:s9], $0x2000  }
0x43: {  	[sflag:s9] =	ssyncset.done $0x0  }
0x44: {  	s17 =	simm.s32 $0x1;
	[sflag:s9] =	ssyncadd.s32 $0xFFFFE000  }
0x45: {  	_ =	swait.ge [sflag:s17], $0x1000  }
0x46: {  	[sflag:s17] =	ssyncset.done $0x0  }
0x47: {  	s18 =	simm.s32 $0x2;
	[sflag:s17] =	ssyncadd.s32 $0xFFFFF000  }
0x48: {  	_ =	swait.ge [sflag:s18], $0x1000  }
0x49: {  	[sflag:s18] =	ssyncset.done $0x0  }
0x4a: {  	s19 =	rddreg [dreg:$0x9];
	[sflag:s18] =	ssyncadd.s32 $0xFFFFF000  }
0x4b: {  	[hbm4b:s19+s4] =	stream.linear.scatter [tilespmem:s13], [sflag:$0x3], $0x2000, $0x38;
	[tilespmem:$0x18000] =	vst v63  }
0x4c: {  	_ =	swait.ge [sflag:s10], $0x1000  }
0x4d: {  	[sflag:s10] =	ssyncset.done $0x0  }
0x4e: {  	[sflag:s10] =	ssyncadd.s32 $0xFFFFF000  }
0x4f: {  	[bflag:$0x0] =	sbarrier.arrive $0xFFFF  }
0x50: {  	s19 =	simm.s32 $0x16000;
	s0 =	rddreg [dreg:$0xa]  }
0x51: {  	[spmem:s7], [sflag:s6] =	dma.local [hbm:s0], $0x1000  }
0x52: {  	[tilespmem:s19], [sflag:$0x1] =	stream.indirect.gather [spmem:s3], $0x1, s16, s12, $0xb8;
	[tilespmem:$0x18000] =	vst v63  }
0x53: {  	s20 =	simm.s32 $0x13000;
	s21 =	simm.s32 $0x17000  }
0x54: {  	[tilespmem:s21], [sflag:$0x2] =	stream.indirect.gather [spmem:s3], $0x1, s20, s12, $0xb8;
	[tilespmem:$0x18000] =	vst v63  }
0x55: {  	s22 =	rddreg [dreg:$0xb]  }
0x56: {  	[tilespmem:s8], [sflag:$0x5] =	stream.linear.gather [hbm4b:s22+s4], $0x2000, $0x38;
	[tilespmem:$0x18000] =	vst v63  }
0x57: {  	_ =	swait.ge [sflag:s9], $0x2000  }
0x58: {  	[sflag:s9] =	ssyncset.done $0x0  }
0x59: {  	s22 =	simm.s32 $0x3;
	[sflag:s9] =	ssyncadd.s32 $0xFFFFE000  }
0x5a: {  	_ =	swait.ge [sflag:s22], $0x2000  }
0x5b: {  	[sflag:s22] =	ssyncset.done $0x0  }
0x5c: {  	[sflag:s22] =	ssyncadd.s32 $0xFFFFE000  }
0x5d: {  	_ =	swait.ge [sflag:s17], $0x1000  }
0x5e: {  	[sflag:s17] =	ssyncset.done $0x0  }
0x5f: {  	[sflag:s17] =	ssyncadd.s32 $0xFFFFF000  }
0x60: {  	_ =	swait.ge [sflag:s18], $0x1000  }
0x61: {  	[sflag:s18] =	ssyncset.done $0x0  }
0x62: {  	s24 =	rddreg [dreg:$0xc];
	[sflag:s18] =	ssyncadd.s32 $0xFFFFF000  }
0x63: {  	[hbm4b:s24+s4] =	stream.linear.scatter [tilespmem:s19], [sflag:$0x3], $0x2000, $0x38;
	[tilespmem:$0x18000] =	vst v63  }
0x64: {  	_ =	swait.ge [sflag:s10], $0x1000  }
0x65: {  	[sflag:s10] =	ssyncset.done $0x0  }
0x66: {  	[sflag:s10] =	ssyncadd.s32 $0xFFFFF000  }
0x67: {  	[bflag:$0x0] =	sbarrier.arrive $0xFFFF  }
0x68: {  	s1 =	rddreg [dreg:$0xd]  }
0x69: {  	[spmem:s11], [sflag:s6] =	dma.local [hbm:s1], $0x1000  }
0x6a: {  	[tilespmem:s13], [sflag:$0x1] =	stream.indirect.gather [spmem:s2], $0x1, s8, s12, $0xb8;
	[tilespmem:$0x18000] =	vst v63  }
0x6b: {  	_ = 	snop  }
0x6c: {  	[tilespmem:s15], [sflag:$0x2] =	stream.indirect.gather [spmem:s2], $0x1, s14, s12, $0xb8;
	[tilespmem:$0x18000] =	vst v63  }
0x6d: {  	s24 =	rddreg [dreg:$0xe]  }
0x6e: {  	[tilespmem:s16], [sflag:$0x5] =	stream.linear.gather [hbm4b:s24+s4], $0x2000, $0x38;
	[tilespmem:$0x18000] =	vst v63  }
0x6f: {  	_ =	swait.ge [sflag:s9], $0x2000  }
0x70: {  	[sflag:s9] =	ssyncset.done $0x0  }
0x71: {  	[sflag:s9] =	ssyncadd.s32 $0xFFFFE000  }
0x72: {  	_ =	swait.ge [sflag:s22], $0x2000  }
0x73: {  	[sflag:s22] =	ssyncset.done $0x0  }
0x74: {  	[sflag:s22] =	ssyncadd.s32 $0xFFFFE000  }
0x75: {  	_ =	swait.ge [sflag:s17], $0x1000  }
0x76: {  	[sflag:s17] =	ssyncset.done $0x0  }
0x77: {  	[sflag:s17] =	ssyncadd.s32 $0xFFFFF000  }
0x78: {  	_ =	swait.ge [sflag:s18], $0x1000  }
0x79: {  	[sflag:s18] =	ssyncset.done $0x0  }
0x7a: {  	s25 =	rddreg [dreg:$0xf];
	[sflag:s18] =	ssyncadd.s32 $0xFFFFF000  }
0x7b: {  	[hbm4b:s25+s4] =	stream.linear.scatter [tilespmem:s13], [sflag:$0x3], $0x2000, $0x38;
	[tilespmem:$0x18000] =	vst v63  }
0x7c: {  	_ =	swait.ge [sflag:s10], $0x1000  }
0x7d: {  	[sflag:s10] =	ssyncset.done $0x0  }
0x7e: {  	[sflag:s10] =	ssyncadd.s32 $0xFFFFF000  }
0x7f: {  	[bflag:$0x0] =	sbarrier.arrive $0xFFFF  }
0x80: {  	s0 =	rddreg [dreg:$0x10]  }
0x81: {  	[spmem:s7], [sflag:s6] =	dma.local [hbm:s0], $0x1000  }
0x82: {  	[tilespmem:s19], [sflag:$0x1] =	stream.indirect.gather [spmem:s3], $0x1, s16, s12, $0xb8;
	[tilespmem:$0x18000] =	vst v63  }
0x83: {  	_ = 	snop  }
0x84: {  	[tilespmem:s21], [sflag:$0x2] =	stream.indirect.gather [spmem:s3], $0x1, s20, s12, $0xb8;
	[tilespmem:$0x18000] =	vst v63  }
0x85: {  	s24 =	rddreg [dreg:$0x11]  }
0x86: {  	[tilespmem:s8], [sflag:$0x5] =	stream.linear.gather [hbm4b:s24+s4], $0x2000, $0x38;
	[tilespmem:$0x18000] =	vst v63  }
0x87: {  	_ =	swait.ge [sflag:s9], $0x2000  }
0x88: {  	[sflag:s9] =	ssyncset.done $0x0  }
0x89: {  	[sflag:s9] =	ssyncadd.s32 $0xFFFFE000  }
0x8a: {  	_ =	swait.ge [sflag:s22], $0x2000  }
0x8b: {  	[sflag:s22] =	ssyncset.done $0x0  }
0x8c: {  	[sflag:s22] =	ssyncadd.s32 $0xFFFFE000  }
0x8d: {  	_ =	swait.ge [sflag:s17], $0x1000  }
0x8e: {  	[sflag:s17] =	ssyncset.done $0x0  }
0x8f: {  	[sflag:s17] =	ssyncadd.s32 $0xFFFFF000  }
0x90: {  	_ =	swait.ge [sflag:s18], $0x1000  }
0x91: {  	[sflag:s18] =	ssyncset.done $0x0  }
0x92: {  	s1 =	rddreg [dreg:$0x12];
	[sflag:s18] =	ssyncadd.s32 $0xFFFFF000  }
0x93: {  	[hbm4b:s1+s4] =	stream.linear.scatter [tilespmem:s19], [sflag:$0x3], $0x2000, $0x38;
	[tilespmem:$0x18000] =	vst v63  }
0x94: {  	_ =	swait.ge [sflag:s10], $0x1000  }
0x95: {  	[sflag:s10] =	ssyncset.done $0x0  }
0x96: {  	[sflag:s10] =	ssyncadd.s32 $0xFFFFF000  }
0x97: {  	[bflag:$0x0] =	sbarrier.arrive $0xFFFF  }
0x98: {  	s25 =	rddreg [dreg:$0x13]  }
0x99: {  	[spmem:s11], [sflag:s6] =	dma.local [hbm:s25], $0x1000  }
0x9a: {  	[tilespmem:s13], [sflag:$0x1] =	stream.indirect.gather [spmem:s2], $0x1, s8, s12, $0xb8;
	[tilespmem:$0x18000] =	vst v63  }
0x9b: {  	_ = 	snop  }
0x9c: {  	[tilespmem:s15], [sflag:$0x2] =	stream.indirect.gather [spmem:s2], $0x1, s14, s12, $0xb8;
	[tilespmem:$0x18000] =	vst v63  }
0x9d: {  	s24 =	rddreg [dreg:$0x14]  }
0x9e: {  	[tilespmem:s16], [sflag:$0x5] =	stream.linear.gather [hbm4b:s24+s4], $0x2000, $0x38;
	[tilespmem:$0x18000] =	vst v63  }
0x9f: {  	_ =	swait.ge [sflag:s9], $0x2000  }
0xa0: {  	[sflag:s9] =	ssyncset.done $0x0  }
0xa1: {  	[sflag:s9] =	ssyncadd.s32 $0xFFFFE000  }
0xa2: {  	_ =	swait.ge [sflag:s22], $0x2000  }
0xa3: {  	[sflag:s22] =	ssyncset.done $0x0  }
0xa4: {  	[sflag:s22] =	ssyncadd.s32 $0xFFFFE000  }
0xa5: {  	_ =	swait.ge [sflag:s17], $0x1000  }
0xa6: {  	[sflag:s17] =	ssyncset.done $0x0  }
0xa7: {  	[sflag:s17] =	ssyncadd.s32 $0xFFFFF000  }
0xa8: {  	_ =	swait.ge [sflag:s18], $0x1000  }
0xa9: {  	[sflag:s18] =	ssyncset.done $0x0  }
0xaa: {  	s0 =	rddreg [dreg:$0x15];
	[sflag:s18] =	ssyncadd.s32 $0xFFFFF000  }
0xab: {  	[hbm4b:s0+s4] =	stream.linear.scatter [tilespmem:s13], [sflag:$0x3], $0x2000, $0x38;
	[tilespmem:$0x18000] =	vst v63  }
0xac: {  	_ =	swait.ge [sflag:s10], $0x1000  }
0xad: {  	[sflag:s10] =	ssyncset.done $0x0  }
0xae: {  	[sflag:s10] =	ssyncadd.s32 $0xFFFFF000  }
0xaf: {  	[bflag:$0x0] =	sbarrier.arrive $0xFFFF  }
0xb0: {  	s1 =	rddreg [dreg:$0x16]  }
0xb1: {  	[spmem:s7], [sflag:s6] =	dma.local [hbm:s1], $0x1000  }
0xb2: {  	[tilespmem:s19], [sflag:$0x1] =	stream.indirect.gather [spmem:s3], $0x1, s16, s12, $0xb8;
	[tilespmem:$0x18000] =	vst v63  }
0xb3: {  	_ = 	snop  }
0xb4: {  	[tilespmem:s21], [sflag:$0x2] =	stream.indirect.gather [spmem:s3], $0x1, s20, s12, $0xb8;
	[tilespmem:$0x18000] =	vst v63  }
0xb5: {  	s24 =	rddreg [dreg:$0x17]  }
0xb6: {  	[tilespmem:s8], [sflag:$0x5] =	stream.linear.gather [hbm4b:s24+s4], $0x2000, $0x38;
	[tilespmem:$0x18000] =	vst v63  }
0xb7: {  	_ =	swait.ge [sflag:s9], $0x2000  }
0xb8: {  	[sflag:s9] =	ssyncset.done $0x0  }
0xb9: {  	[sflag:s9] =	ssyncadd.s32 $0xFFFFE000  }
0xba: {  	_ =	swait.ge [sflag:s22], $0x2000  }
0xbb: {  	[sflag:s22] =	ssyncset.done $0x0  }
0xbc: {  	[sflag:s22] =	ssyncadd.s32 $0xFFFFE000  }
0xbd: {  	_ =	swait.ge [sflag:s17], $0x1000  }
0xbe: {  	[sflag:s17] =	ssyncset.done $0x0  }
0xbf: {  	[sflag:s17] =	ssyncadd.s32 $0xFFFFF000  }
0xc0: {  	_ =	swait.ge [sflag:s18], $0x1000  }
0xc1: {  	[sflag:s18] =	ssyncset.done $0x0  }
0xc2: {  	s25 =	rddreg [dreg:$0x18];
	[sflag:s18] =	ssyncadd.s32 $0xFFFFF000  }
0xc3: {  	[hbm4b:s25+s4] =	stream.linear.scatter [tilespmem:s19], [sflag:$0x3], $0x2000, $0x38;
	[tilespmem:$0x18000] =	vst v63  }
0xc4: {  	_ =	swait.ge [sflag:s10], $0x1000  }
0xc5: {  	[sflag:s10] =	ssyncset.done $0x0  }
0xc6: {  	[sflag:s10] =	ssyncadd.s32 $0xFFFFF000  }
0xc7: {  	[bflag:$0x0] =	sbarrier.arrive $0xFFFF  }
0xc8: {  	s0 =	rddreg [dreg:$0x19]  }
0xc9: {  	[spmem:s11], [sflag:s6] =	dma.local [hbm:s0], $0x1000  }
0xca: {  	[tilespmem:s13], [sflag:$0x1] =	stream.indirect.gather [spmem:s2], $0x1, s8, s12, $0xb8;
	[tilespmem:$0x18000] =	vst v63  }
0xcb: {  	_ = 	snop  }
0xcc: {  	[tilespmem:s15], [sflag:$0x2] =	stream.indirect.gather [spmem:s2], $0x1, s14, s12, $0xb8;
	[tilespmem:$0x18000] =	vst v63  }
0xcd: {  	s24 =	rddreg [dreg:$0x1a]  }
0xce: {  	[tilespmem:s16], [sflag:$0x5] =	stream.linear.gather [hbm4b:s24+s4], $0x2000, $0x38;
	[tilespmem:$0x18000] =	vst v63  }
0xcf: {  	_ =	swait.ge [sflag:s9], $0x2000  }
0xd0: {  	[sflag:s9] =	ssyncset.done $0x0  }
0xd1: {  	[sflag:s9] =	ssyncadd.s32 $0xFFFFE000  }
0xd2: {  	_ =	swait.ge [sflag:s22], $0x2000  }
0xd3: {  	[sflag:s22] =	ssyncset.done $0x0  }
0xd4: {  	[sflag:s22] =	ssyncadd.s32 $0xFFFFE000  }
0xd5: {  	_ =	swait.ge [sflag:s17], $0x1000  }
0xd6: {  	[sflag:s17] =	ssyncset.done $0x0  }
0xd7: {  	[sflag:s17] =	ssyncadd.s32 $0xFFFFF000  }
0xd8: {  	_ =	swait.ge [sflag:s18], $0x1000  }
0xd9: {  	[sflag:s18] =	ssyncset.done $0x0  }
0xda: {  	s1 =	rddreg [dreg:$0x1b];
	[sflag:s18] =	ssyncadd.s32 $0xFFFFF000  }
0xdb: {  	[hbm4b:s1+s4] =	stream.linear.scatter [tilespmem:s13], [sflag:$0x3], $0x2000, $0x38;
	[tilespmem:$0x18000] =	vst v63  }
0xdc: {  	_ =	swait.ge [sflag:s10], $0x1000  }
0xdd: {  	[sflag:s10] =	ssyncset.done $0x0  }
0xde: {  	[sflag:s10] =	ssyncadd.s32 $0xFFFFF000  }
0xdf: {  	[bflag:$0x0] =	sbarrier.arrive $0xFFFF  }
0xe0: {  	s25 =	rddreg [dreg:$0x1c]  }
0xe1: {  	[spmem:s7], [sflag:s6] =	dma.local [hbm:s25], $0x1000  }
0xe2: {  	[tilespmem:s19], [sflag:$0x1] =	stream.indirect.gather [spmem:s3], $0x1, s16, s12, $0xb8;
	[tilespmem:$0x18000] =	vst v63  }
0xe3: {  	_ = 	snop  }
0xe4: {  	[tilespmem:s21], [sflag:$0x2] =	stream.indirect.gather [spmem:s3], $0x1, s20, s12, $0xb8;
	[tilespmem:$0x18000] =	vst v63  }
0xe5: {  	s24 =	rddreg [dreg:$0x1d]  }
0xe6: {  	[tilespmem:s8], [sflag:$0x5] =	stream.linear.gather [hbm4b:s24+s4], $0x2000, $0x38;
	[tilespmem:$0x18000] =	vst v63  }
0xe7: {  	_ =	swait.ge [sflag:s9], $0x2000  }
0xe8: {  	[sflag:s9] =	ssyncset.done $0x0  }
0xe9: {  	[sflag:s9] =	ssyncadd.s32 $0xFFFFE000  }
0xea: {  	_ =	swait.ge [sflag:s22], $0x2000  }
0xeb: {  	[sflag:s22] =	ssyncset.done $0x0  }
0xec: {  	[sflag:s22] =	ssyncadd.s32 $0xFFFFE000  }
0xed: {  	_ =	swait.ge [sflag:s17], $0x1000  }
0xee: {  	[sflag:s17] =	ssyncset.done $0x0  }
0xef: {  	[sflag:s17] =	ssyncadd.s32 $0xFFFFF000  }
0xf0: {  	_ =	swait.ge [sflag:s18], $0x1000  }
0xf1: {  	[sflag:s18] =	ssyncset.done $0x0  }
0xf2: {  	s0 =	rddreg [dreg:$0x1e];
	[sflag:s18] =	ssyncadd.s32 $0xFFFFF000  }
0xf3: {  	[hbm4b:s0+s4] =	stream.linear.scatter [tilespmem:s19], [sflag:$0x3], $0x2000, $0x38;
	[tilespmem:$0x18000] =	vst v63  }
0xf4: {  	_ =	swait.ge [sflag:s10], $0x1000  }
0xf5: {  	[sflag:s10] =	ssyncset.done $0x0  }
0xf6: {  	[sflag:s10] =	ssyncadd.s32 $0xFFFFF000  }
0xf7: {  	[bflag:$0x0] =	sbarrier.arrive $0xFFFF  }
0xf8: {  	s1 =	rddreg [dreg:$0x1f]  }
0xf9: {  	[spmem:s11], [sflag:s6] =	dma.local [hbm:s1], $0x1000  }
0xfa: {  	[tilespmem:s13], [sflag:$0x1] =	stream.indirect.gather [spmem:s2], $0x1, s8, s12, $0xb8;
	[tilespmem:$0x18000] =	vst v63  }
0xfb: {  	s24 =	sld [smem:$0x7F0]  }
0xfc: {  	[tilespmem:s15], [sflag:$0x2] =	stream.indirect.gather [spmem:s2], $0x1, s14, s12, $0xb8;
	[tilespmem:$0x18000] =	vst v63  }
0xfd: {  	_ = 	snop  }
0xfe: {  	[tilespmem:s16], [sflag:$0x5] =	stream.linear.gather [hbm4b:s24+s4], $0x2000, $0x38;
	[tilespmem:$0x18000] =	vst v63  }
0xff: {  	_ =	swait.ge [sflag:s9], $0x2000  }
0x100: {  	[sflag:s9] =	ssyncset.done $0x0  }
0x101: {  	[sflag:s9] =	ssyncadd.s32 $0xFFFFE000  }
0x102: {  	_ =	swait.ge [sflag:s22], $0x2000  }
0x103: {  	[sflag:s22] =	ssyncset.done $0x0  }
0x104: {  	[sflag:s22] =	ssyncadd.s32 $0xFFFFE000  }
0x105: {  	_ =	swait.ge [sflag:s17], $0x1000  }
0x106: {  	[sflag:s17] =	ssyncset.done $0x0  }
0x107: {  	[sflag:s17] =	ssyncadd.s32 $0xFFFFF000  }
0x108: {  	_ =	swait.ge [sflag:s18], $0x1000  }
0x109: {  	s25 =	sld [smem:$0x7F1]  }
0x10a: {  	[sflag:s18] =	ssyncset.done $0x0  }
0x10b: {  	[sflag:s18] =	ssyncadd.s32 $0xFFFFF000  }
0x10c: {  	[hbm4b:s25+s4] =	stream.linear.scatter [tilespmem:s13], [sflag:$0x3], $0x2000, $0x38;
	[tilespmem:$0x18000] =	vst v63  }
0x10d: {  	_ =	swait.ge [sflag:s10], $0x1000  }
0x10e: {  	[sflag:s10] =	ssyncset.done $0x0  }
0x10f: {  	[sflag:s10] =	ssyncadd.s32 $0xFFFFF000  }
0x110: {  	[bflag:$0x0] =	sbarrier.arrive $0xFFFF  }
0x111: {  	s0 =	sld [smem:$0x7F2];
	_ =	sdelay $0x2  }
0x112: {  	[spmem:s7], [sflag:s6] =	dma.local [hbm:s0], $0x1000  }
0x113: {  	[tilespmem:s19], [sflag:$0x1] =	stream.indirect.gather [spmem:s3], $0x1, s16, s12, $0xb8;
	[tilespmem:$0x18000] =	vst v63  }
0x114: {  	s24 =	sld [smem:$0x7F3]  }
0x115: {  	[tilespmem:s21], [sflag:$0x2] =	stream.indirect.gather [spmem:s3], $0x1, s20, s12, $0xb8;
	[tilespmem:$0x18000] =	vst v63  }
0x116: {  	_ = 	snop  }
0x117: {  	[tilespmem:s8], [sflag:$0x5] =	stream.linear.gather [hbm4b:s24+s4], $0x2000, $0x38;
	[tilespmem:$0x18000] =	vst v63  }
0x118: {  	_ =	swait.ge [sflag:s9], $0x2000  }
0x119: {  	[sflag:s9] =	ssyncset.done $0x0  }
0x11a: {  	[sflag:s9] =	ssyncadd.s32 $0xFFFFE000  }
0x11b: {  	_ =	swait.ge [sflag:s22], $0x2000  }
0x11c: {  	[sflag:s22] =	ssyncset.done $0x0  }
0x11d: {  	[sflag:s22] =	ssyncadd.s32 $0xFFFFE000  }
0x11e: {  	_ =	swait.ge [sflag:s17], $0x1000  }
0x11f: {  	[sflag:s17] =	ssyncset.done $0x0  }
0x120: {  	[sflag:s17] =	ssyncadd.s32 $0xFFFFF000  }
0x121: {  	_ =	swait.ge [sflag:s18], $0x1000  }
0x122: {  	s1 =	sld [smem:$0x7F4]  }
0x123: {  	[sflag:s18] =	ssyncset.done $0x0  }
0x124: {  	[sflag:s18] =	ssyncadd.s32 $0xFFFFF000  }
0x125: {  	[hbm4b:s1+s4] =	stream.linear.scatter [tilespmem:s19], [sflag:$0x3], $0x2000, $0x38;
	[tilespmem:$0x18000] =	vst v63  }
0x126: {  	_ =	swait.ge [sflag:s10], $0x1000  }
0x127: {  	[sflag:s10] =	ssyncset.done $0x0  }
0x128: {  	[sflag:s10] =	ssyncadd.s32 $0xFFFFF000  }
0x129: {  	[bflag:$0x0] =	sbarrier.arrive $0xFFFF  }
0x12a: {  	s25 =	sld [smem:$0x7F5];
	_ =	sdelay $0x2  }
0x12b: {  	[spmem:s11], [sflag:s6] =	dma.local [hbm:s25], $0x1000  }
0x12c: {  	[tilespmem:s13], [sflag:$0x1] =	stream.indirect.gather [spmem:s2], $0x1, s8, s12, $0xb8;
	[tilespmem:$0x18000] =	vst v63  }
0x12d: {  	s24 =	sld [smem:$0x7F6]  }
0x12e: {  	[tilespmem:s15], [sflag:$0x2] =	stream.indirect.gather [spmem:s2], $0x1, s14, s12, $0xb8;
	[tilespmem:$0x18000] =	vst v63  }
0x12f: {  	_ = 	snop  }
0x130: {  	[tilespmem:s16], [sflag:$0x5] =	stream.linear.gather [hbm4b:s24+s4], $0x2000, $0x38;
	[tilespmem:$0x18000] =	vst v63  }
0x131: {  	_ =	swait.ge [sflag:s9], $0x2000  }
0x132: {  	[sflag:s9] =	ssyncset.done $0x0  }
0x133: {  	[sflag:s9] =	ssyncadd.s32 $0xFFFFE000  }
0x134: {  	_ =	swait.ge [sflag:s22], $0x2000  }
0x135: {  	[sflag:s22] =	ssyncset.done $0x0  }
0x136: {  	[sflag:s22] =	ssyncadd.s32 $0xFFFFE000  }
0x137: {  	_ =	swait.ge [sflag:s17], $0x1000  }
0x138: {  	[sflag:s17] =	ssyncset.done $0x0  }
0x139: {  	[sflag:s17] =	ssyncadd.s32 $0xFFFFF000  }
0x13a: {  	_ =	swait.ge [sflag:s18], $0x1000  }
0x13b: {  	s0 =	sld [smem:$0x7F7]  }
0x13c: {  	[sflag:s18] =	ssyncset.done $0x0  }
0x13d: {  	[sflag:s18] =	ssyncadd.s32 $0xFFFFF000  }
0x13e: {  	[hbm4b:s0+s4] =	stream.linear.scatter [tilespmem:s13], [sflag:$0x3], $0x2000, $0x38;
	[tilespmem:$0x18000] =	vst v63  }
0x13f: {  	_ =	swait.ge [sflag:s10], $0x1000  }
0x140: {  	[sflag:s10] =	ssyncset.done $0x0  }
0x141: {  	[sflag:s10] =	ssyncadd.s32 $0xFFFFF000  }
0x142: {  	[bflag:$0x0] =	sbarrier.arrive $0xFFFF  }
0x143: {  	s1 =	sld [smem:$0x7F8];
	_ =	sdelay $0x2  }
0x144: {  	[spmem:s7], [sflag:s6] =	dma.local [hbm:s1], $0x1000  }
0x145: {  	[tilespmem:s19], [sflag:$0x1] =	stream.indirect.gather [spmem:s3], $0x1, s16, s12, $0xb8;
	[tilespmem:$0x18000] =	vst v63  }
0x146: {  	s24 =	sld [smem:$0x7F9]  }
0x147: {  	[tilespmem:s21], [sflag:$0x2] =	stream.indirect.gather [spmem:s3], $0x1, s20, s12, $0xb8;
	[tilespmem:$0x18000] =	vst v63  }
0x148: {  	_ = 	snop  }
0x149: {  	[tilespmem:s8], [sflag:$0x5] =	stream.linear.gather [hbm4b:s24+s4], $0x2000, $0x38;
	[tilespmem:$0x18000] =	vst v63  }
0x14a: {  	_ =	swait.ge [sflag:s9], $0x2000  }
0x14b: {  	[sflag:s9] =	ssyncset.done $0x0  }
0x14c: {  	[sflag:s9] =	ssyncadd.s32 $0xFFFFE000  }
0x14d: {  	_ =	swait.ge [sflag:s22], $0x2000  }
0x14e: {  	[sflag:s22] =	ssyncset.done $0x0  }
0x14f: {  	[sflag:s22] =	ssyncadd.s32 $0xFFFFE000  }
0x150: {  	_ =	swait.ge [sflag:s17], $0x1000  }
0x151: {  	[sflag:s17] =	ssyncset.done $0x0  }
0x152: {  	[sflag:s17] =	ssyncadd.s32 $0xFFFFF000  }
0x153: {  	_ =	swait.ge [sflag:s18], $0x1000  }
0x154: {  	s25 =	sld [smem:$0x7FA]  }
0x155: {  	[sflag:s18] =	ssyncset.done $0x0  }
0x156: {  	[sflag:s18] =	ssyncadd.s32 $0xFFFFF000  }
0x157: {  	[hbm4b:s25+s4] =	stream.linear.scatter [tilespmem:s19], [sflag:$0x3], $0x2000, $0x38;
	[tilespmem:$0x18000] =	vst v63  }
0x158: {  	_ =	swait.ge [sflag:s10], $0x1000  }
0x159: {  	[sflag:s10] =	ssyncset.done $0x0  }
0x15a: {  	[sflag:s10] =	ssyncadd.s32 $0xFFFFF000  }
0x15b: {  	[bflag:$0x0] =	sbarrier.arrive $0xFFFF  }
0x15c: {  	s0 =	sld [smem:$0x7FB];
	_ =	sdelay $0x2  }
0x15d: {  	[spmem:s11], [sflag:s6] =	dma.local [hbm:s0], $0x1000  }
0x15e: {  	[tilespmem:s13], [sflag:$0x1] =	stream.indirect.gather [spmem:s2], $0x1, s8, s12, $0xb8;
	[tilespmem:$0x18000] =	vst v63  }
0x15f: {  	s24 =	sld [smem:$0x7FC]  }
0x160: {  	[tilespmem:s15], [sflag:$0x2] =	stream.indirect.gather [spmem:s2], $0x1, s14, s12, $0xb8;
	[tilespmem:$0x18000] =	vst v63  }
0x161: {  	_ = 	snop  }
0x162: {  	[tilespmem:s16], [sflag:$0x5] =	stream.linear.gather [hbm4b:s24+s4], $0x2000, $0x38;
	[tilespmem:$0x18000] =	vst v63  }
0x163: {  	_ =	swait.ge [sflag:s9], $0x2000  }
0x164: {  	[sflag:s9] =	ssyncset.done $0x0  }
0x165: {  	[sflag:s9] =	ssyncadd.s32 $0xFFFFE000  }
0x166: {  	_ =	swait.ge [sflag:s22], $0x2000  }
0x167: {  	[sflag:s22] =	ssyncset.done $0x0  }
0x168: {  	[sflag:s22] =	ssyncadd.s32 $0xFFFFE000  }
0x169: {  	_ =	swait.ge [sflag:s17], $0x1000  }
0x16a: {  	[sflag:s17] =	ssyncset.done $0x0  }
0x16b: {  	[sflag:s17] =	ssyncadd.s32 $0xFFFFF000  }
0x16c: {  	_ =	swait.ge [sflag:s18], $0x1000  }
0x16d: {  	[sflag:s18] =	ssyncset.done $0x0  }
0x16e: {  	s23 =	sadd.s32 s31, s23;
	[sflag:s18] =	ssyncadd.s32 $0xFFFFF000  }
0x16f: {  	[hbm4b:s23+s4] =	stream.linear.scatter [tilespmem:s13], [sflag:$0x3], $0x2000, $0x38;
	[tilespmem:$0x18000] =	vst v63  }
0x170: {  	_ =	swait.ge [sflag:s10], $0x1000  }
0x171: {  	[sflag:s10] =	ssyncset.done $0x0  }
0x172: {  	[sflag:s10] =	ssyncadd.s32 $0xFFFFF000  }
0x173: {  	s24 =	sadd.s32 $0xE0000, s5;
	[bflag:$0x0] =	sbarrier.arrive $0xFFFF  }
0x174: {  	[spmem:s7], [sflag:s6] =	dma.local [hbm:s24], $0x1000  }
0x175: {  	[tilespmem:s19], [sflag:$0x1] =	stream.indirect.gather [spmem:s3], $0x1, s16, s12, $0xb8;
	[tilespmem:$0x18000] =	vst v63  }
0x176: {  	s1 =	sor.u32 $0x38000, s30  }
0x177: {  	[tilespmem:s21], [sflag:$0x2] =	stream.indirect.gather [spmem:s3], $0x1, s20, s12, $0xb8;
	[tilespmem:$0x18000] =	vst v63  }
0x178: {  	s25 =	sadd.s32 s29, s1  }
0x179: {  	[tilespmem:s8], [sflag:$0x5] =	stream.linear.gather [hbm4b:s25+s4], $0x2000, $0x38;
	[tilespmem:$0x18000] =	vst v63  }
0x17a: {  	_ =	swait.ge [sflag:s9], $0x2000  }
0x17b: {  	[sflag:s9] =	ssyncset.done $0x0  }
0x17c: {  	[sflag:s9] =	ssyncadd.s32 $0xFFFFE000  }
0x17d: {  	_ =	swait.ge [sflag:s22], $0x2000  }
0x17e: {  	[sflag:s22] =	ssyncset.done $0x0  }
0x17f: {  	[sflag:s22] =	ssyncadd.s32 $0xFFFFE000  }
0x180: {  	_ =	swait.ge [sflag:s17], $0x1000  }
0x181: {  	[sflag:s17] =	ssyncset.done $0x0  }
0x182: {  	[sflag:s17] =	ssyncadd.s32 $0xFFFFF000  }
0x183: {  	_ =	swait.ge [sflag:s18], $0x1000  }
0x184: {  	[sflag:s18] =	ssyncset.done $0x0  }
0x185: {  	s26 =	sadd.s32 s31, s26;
	[sflag:s18] =	ssyncadd.s32 $0xFFFFF000  }
0x186: {  	[hbm4b:s26+s4] =	stream.linear.scatter [tilespmem:s19], [sflag:$0x3], $0x2000, $0x38;
	[tilespmem:$0x18000] =	vst v63  }
0x187: {  	_ =	swait.ge [sflag:s10], $0x1000  }
0x188: {  	[sflag:s10] =	ssyncset.done $0x0  }
0x189: {  	[sflag:s10] =	ssyncadd.s32 $0xFFFFF000  }
0x18a: {  	s28 =	sadd.s32 $0xF0000, s5;
	[bflag:$0x0] =	sbarrier.arrive $0xFFFF  }
0x18b: {  	[spmem:s11], [sflag:s6] =	dma.local [hbm:s28], $0x1000  }
0x18c: {  	[tilespmem:s13], [sflag:$0x1] =	stream.indirect.gather [spmem:s2], $0x1, s8, s12, $0xb8;
	[tilespmem:$0x18000] =	vst v63  }
0x18d: {  	s0 =	sor.u32 $0x3C000, s30  }
0x18e: {  	[tilespmem:s15], [sflag:$0x2] =	stream.indirect.gather [spmem:s2], $0x1, s14, s12, $0xb8;
	[tilespmem:$0x18000] =	vst v63  }
0x18f: {  	s29 =	sadd.s32 s29, s0  }
0x190: {  	[tilespmem:s16], [sflag:$0x5] =	stream.linear.gather [hbm4b:s29+s4], $0x2000, $0x38;
	[tilespmem:$0x18000] =	vst v63  }
0x191: {  	_ =	swait.ge [sflag:s9], $0x2000  }
0x192: {  	[sflag:s9] =	ssyncset.done $0x0  }
0x193: {  	[sflag:s9] =	ssyncadd.s32 $0xFFFFE000  }
0x194: {  	_ =	swait.ge [sflag:s22], $0x2000  }
0x195: {  	[sflag:s22] =	ssyncset.done $0x0  }
0x196: {  	[sflag:s22] =	ssyncadd.s32 $0xFFFFE000  }
0x197: {  	_ =	swait.ge [sflag:s17], $0x1000  }
0x198: {  	[sflag:s17] =	ssyncset.done $0x0  }
0x199: {  	[sflag:s17] =	ssyncadd.s32 $0xFFFFF000  }
0x19a: {  	_ =	swait.ge [sflag:s18], $0x1000  }
0x19b: {  	[sflag:s18] =	ssyncset.done $0x0  }
0x19c: {  	s30 =	sadd.s32 s31, s1;
	[sflag:s18] =	ssyncadd.s32 $0xFFFFF000  }
0x19d: {  	[hbm4b:s30+s4] =	stream.linear.scatter [tilespmem:s13], [sflag:$0x3], $0x2000, $0x38;
	[tilespmem:$0x18000] =	vst v63  }
0x19e: {  	_ =	swait.ge [sflag:s10], $0x1000  }
0x19f: {  	[sflag:s10] =	ssyncset.done $0x0  }
0x1a0: {  	[sflag:s10] =	ssyncadd.s32 $0xFFFFF000  }
0x1a1: {  	[bflag:$0x0] =	sbarrier.arrive $0xFFFF  }
0x1a2: {  	[tilespmem:s19], [sflag:$0x1] =	stream.indirect.gather [spmem:s3], $0x1, s16, s12, $0xb8;
	[tilespmem:$0x18000] =	vst v63  }
0x1a3: {  	_ = 	snop  }
0x1a4: {  	[tilespmem:s21], [sflag:$0x2] =	stream.indirect.gather [spmem:s3], $0x1, s20, s12, $0xb8;
	[tilespmem:$0x18000] =	vst v63  }
0x1a5: {  	_ =	swait.ge [sflag:s17], $0x1000  }
0x1a6: {  	[sflag:s17] =	ssyncset.done $0x0  }
0x1a7: {  	[sflag:s17] =	ssyncadd.s32 $0xFFFFF000  }
0x1a8: {  	_ =	swait.ge [sflag:s18], $0x1000  }
0x1a9: {  	[sflag:s18] =	ssyncset.done $0x0;
	s1 =	sld [smem:$0x7FD]  }
0x1aa: {  	s31 =	sadd.s32 s31, s0;
	[sflag:s18] =	ssyncadd.s32 $0xFFFFF000  }
0x1ab: {  	[hbm4b:s31+s4] =	stream.linear.scatter [tilespmem:s19], [sflag:$0x3], $0x2000, $0x38;
	[tilespmem:$0x18000] =	vst v63  }
0x1ac: {  	s0 =	ssub.s32 $0x2, s1  }
0x1ad: {  	s1 =	sshrl.u32 s0, $0x1  }
0x1ae: {  	s0 =	ssub.s32 s0, s1  }
0x1af: {  	s0 =	smax.u32 s0, $0x1  }
0x1b0: {  	p0 =	sne.s32 s0, $0x1  }
.Ltmp0:
0x1b1: {  	_ =	swait.ge [sflag:s22], $0x2000;
	(pc) =	sbr.rel @!p0 .LBB2_2-.Ltmp0, $4  }
0x1b2: {  	[sflag:s22] =	ssyncset.done $0x0  }
0x1b3: {  	[sflag:s22] =	ssyncadd.s32 $0xFFFFE000  }
0x1b4: {  	_ =	swait.ge [sflag:s22], $0x2000  }
0x1b5: {  	s0 =	sadd.s32 $0xFFFFFFFF, s0;
	[sflag:s22] =	ssyncset.done $0x0  }
.LBB2_1:
0x1b6: {  	[sflag:s22] =	ssyncadd.s32 $0xFFFFE000  }
0x1b7: {  	[spmem:s7], [sflag:s6] =	dma.local [hbm:s5], $0x1000  }
0x1b8: {  	s1 =	rddreg [dreg:$0x6]  }
0x1b9: {  	[tilespmem:s8], [sflag:$0x5] =	stream.linear.gather [hbm4b:s1+s4], $0x2000, $0x38;
	[tilespmem:$0x18000] =	vst v63  }
0x1ba: {  	_ =	swait.ge [sflag:s9], $0x2000  }
0x1bb: {  	[sflag:s9] =	ssyncset.done $0x0  }
0x1bc: {  	[sflag:s9] =	ssyncadd.s32 $0xFFFFE000  }
0x1bd: {  	_ =	swait.ge [sflag:s10], $0x1000  }
0x1be: {  	[sflag:s10] =	ssyncset.done $0x0  }
0x1bf: {  	[sflag:s10] =	ssyncadd.s32 $0xFFFFF000  }
0x1c0: {  	[bflag:$0x0] =	sbarrier.arrive $0xFFFF  }
0x1c1: {  	s1 =	rddreg [dreg:$0x7]  }
0x1c2: {  	[spmem:s11], [sflag:s6] =	dma.local [hbm:s1], $0x1000  }
0x1c3: {  	[tilespmem:s13], [sflag:$0x1] =	stream.indirect.gather [spmem:s2], $0x1, s8, s12, $0xb8;
	[tilespmem:$0x18000] =	vst v63  }
0x1c4: {  	_ = 	snop  }
0x1c5: {  	[tilespmem:s15], [sflag:$0x2] =	stream.indirect.gather [spmem:s2], $0x1, s14, s12, $0xb8;
	[tilespmem:$0x18000] =	vst v63  }
0x1c6: {  	s1 =	rddreg [dreg:$0x8]  }
0x1c7: {  	[tilespmem:s16], [sflag:$0x5] =	stream.linear.gather [hbm4b:s1+s4], $0x2000, $0x38;
	[tilespmem:$0x18000] =	vst v63  }
0x1c8: {  	_ =	swait.ge [sflag:s9], $0x2000  }
0x1c9: {  	[sflag:s9] =	ssyncset.done $0x0  }
0x1ca: {  	[sflag:s9] =	ssyncadd.s32 $0xFFFFE000  }
0x1cb: {  	_ =	swait.ge [sflag:s17], $0x1000  }
0x1cc: {  	[sflag:s17] =	ssyncset.done $0x0  }
0x1cd: {  	[sflag:s17] =	ssyncadd.s32 $0xFFFFF000  }
0x1ce: {  	_ =	swait.ge [sflag:s18], $0x1000  }
0x1cf: {  	[sflag:s18] =	ssyncset.done $0x0  }
0x1d0: {  	s1 =	rddreg [dreg:$0x9];
	[sflag:s18] =	ssyncadd.s32 $0xFFFFF000  }
0x1d1: {  	[hbm4b:s1+s4] =	stream.linear.scatter [tilespmem:s13], [sflag:$0x3], $0x2000, $0x38;
	[tilespmem:$0x18000] =	vst v63  }
0x1d2: {  	_ =	swait.ge [sflag:s10], $0x1000  }
0x1d3: {  	[sflag:s10] =	ssyncset.done $0x0  }
0x1d4: {  	[sflag:s10] =	ssyncadd.s32 $0xFFFFF000  }
0x1d5: {  	[bflag:$0x0] =	sbarrier.arrive $0xFFFF  }
0x1d6: {  	s1 =	rddreg [dreg:$0xa]  }
0x1d7: {  	[spmem:s7], [sflag:s6] =	dma.local [hbm:s1], $0x1000  }
0x1d8: {  	[tilespmem:s19], [sflag:$0x1] =	stream.indirect.gather [spmem:s3], $0x1, s16, s12, $0xb8;
	[tilespmem:$0x18000] =	vst v63  }
0x1d9: {  	_ = 	snop  }
0x1da: {  	[tilespmem:s21], [sflag:$0x2] =	stream.indirect.gather [spmem:s3], $0x1, s20, s12, $0xb8;
	[tilespmem:$0x18000] =	vst v63  }
0x1db: {  	s1 =	rddreg [dreg:$0xb]  }
0x1dc: {  	[tilespmem:s8], [sflag:$0x5] =	stream.linear.gather [hbm4b:s1+s4], $0x2000, $0x38;
	[tilespmem:$0x18000] =	vst v63  }
0x1dd: {  	_ =	swait.ge [sflag:s9], $0x2000  }
0x1de: {  	[sflag:s9] =	ssyncset.done $0x0  }
0x1df: {  	[sflag:s9] =	ssyncadd.s32 $0xFFFFE000  }
0x1e0: {  	_ =	swait.ge [sflag:s22], $0x2000  }
0x1e1: {  	[sflag:s22] =	ssyncset.done $0x0  }
0x1e2: {  	[sflag:s22] =	ssyncadd.s32 $0xFFFFE000  }
0x1e3: {  	_ =	swait.ge [sflag:s17], $0x1000  }
0x1e4: {  	[sflag:s17] =	ssyncset.done $0x0  }
0x1e5: {  	[sflag:s17] =	ssyncadd.s32 $0xFFFFF000  }
0x1e6: {  	_ =	swait.ge [sflag:s18], $0x1000  }
0x1e7: {  	[sflag:s18] =	ssyncset.done $0x0  }
0x1e8: {  	s1 =	rddreg [dreg:$0xc];
	[sflag:s18] =	ssyncadd.s32 $0xFFFFF000  }
0x1e9: {  	[hbm4b:s1+s4] =	stream.linear.scatter [tilespmem:s19], [sflag:$0x3], $0x2000, $0x38;
	[tilespmem:$0x18000] =	vst v63  }
0x1ea: {  	_ =	swait.ge [sflag:s10], $0x1000  }
0x1eb: {  	[sflag:s10] =	ssyncset.done $0x0  }
0x1ec: {  	[sflag:s10] =	ssyncadd.s32 $0xFFFFF000  }
0x1ed: {  	[bflag:$0x0] =	sbarrier.arrive $0xFFFF  }
0x1ee: {  	s1 =	rddreg [dreg:$0xd]  }
0x1ef: {  	[spmem:s11], [sflag:s6] =	dma.local [hbm:s1], $0x1000  }
0x1f0: {  	[tilespmem:s13], [sflag:$0x1] =	stream.indirect.gather [spmem:s2], $0x1, s8, s12, $0xb8;
	[tilespmem:$0x18000] =	vst v63  }
0x1f1: {  	_ = 	snop  }
0x1f2: {  	[tilespmem:s15], [sflag:$0x2] =	stream.indirect.gather [spmem:s2], $0x1, s14, s12, $0xb8;
	[tilespmem:$0x18000] =	vst v63  }
0x1f3: {  	s1 =	rddreg [dreg:$0xe]  }
0x1f4: {  	[tilespmem:s16], [sflag:$0x5] =	stream.linear.gather [hbm4b:s1+s4], $0x2000, $0x38;
	[tilespmem:$0x18000] =	vst v63  }
0x1f5: {  	_ =	swait.ge [sflag:s9], $0x2000  }
0x1f6: {  	[sflag:s9] =	ssyncset.done $0x0  }
0x1f7: {  	[sflag:s9] =	ssyncadd.s32 $0xFFFFE000  }
0x1f8: {  	_ =	swait.ge [sflag:s22], $0x2000  }
0x1f9: {  	[sflag:s22] =	ssyncset.done $0x0  }
0x1fa: {  	[sflag:s22] =	ssyncadd.s32 $0xFFFFE000  }
0x1fb: {  	_ =	swait.ge [sflag:s17], $0x1000  }
0x1fc: {  	[sflag:s17] =	ssyncset.done $0x0  }
0x1fd: {  	[sflag:s17] =	ssyncadd.s32 $0xFFFFF000  }
0x1fe: {  	_ =	swait.ge [sflag:s18], $0x1000  }
0x1ff: {  	[sflag:s18] =	ssyncset.done $0x0  }
0x200: {  	s1 =	rddreg [dreg:$0xf];
	[sflag:s18] =	ssyncadd.s32 $0xFFFFF000  }
0x201: {  	[hbm4b:s1+s4] =	stream.linear.scatter [tilespmem:s13], [sflag:$0x3], $0x2000, $0x38;
	[tilespmem:$0x18000] =	vst v63  }
0x202: {  	_ =	swait.ge [sflag:s10], $0x1000  }
0x203: {  	[sflag:s10] =	ssyncset.done $0x0  }
0x204: {  	[sflag:s10] =	ssyncadd.s32 $0xFFFFF000  }
0x205: {  	[bflag:$0x0] =	sbarrier.arrive $0xFFFF  }
0x206: {  	s1 =	rddreg [dreg:$0x10]  }
0x207: {  	[spmem:s7], [sflag:s6] =	dma.local [hbm:s1], $0x1000  }
0x208: {  	[tilespmem:s19], [sflag:$0x1] =	stream.indirect.gather [spmem:s3], $0x1, s16, s12, $0xb8;
	[tilespmem:$0x18000] =	vst v63  }
0x209: {  	_ = 	snop  }
0x20a: {  	[tilespmem:s21], [sflag:$0x2] =	stream.indirect.gather [spmem:s3], $0x1, s20, s12, $0xb8;
	[tilespmem:$0x18000] =	vst v63  }
0x20b: {  	s1 =	rddreg [dreg:$0x11]  }
0x20c: {  	[tilespmem:s8], [sflag:$0x5] =	stream.linear.gather [hbm4b:s1+s4], $0x2000, $0x38;
	[tilespmem:$0x18000] =	vst v63  }
0x20d: {  	_ =	swait.ge [sflag:s9], $0x2000  }
0x20e: {  	[sflag:s9] =	ssyncset.done $0x0  }
0x20f: {  	[sflag:s9] =	ssyncadd.s32 $0xFFFFE000  }
0x210: {  	_ =	swait.ge [sflag:s22], $0x2000  }
0x211: {  	[sflag:s22] =	ssyncset.done $0x0  }
0x212: {  	[sflag:s22] =	ssyncadd.s32 $0xFFFFE000  }
0x213: {  	_ =	swait.ge [sflag:s17], $0x1000  }
0x214: {  	[sflag:s17] =	ssyncset.done $0x0  }
0x215: {  	[sflag:s17] =	ssyncadd.s32 $0xFFFFF000  }
0x216: {  	_ =	swait.ge [sflag:s18], $0x1000  }
0x217: {  	[sflag:s18] =	ssyncset.done $0x0  }
0x218: {  	s1 =	rddreg [dreg:$0x12];
	[sflag:s18] =	ssyncadd.s32 $0xFFFFF000  }
0x219: {  	[hbm4b:s1+s4] =	stream.linear.scatter [tilespmem:s19], [sflag:$0x3], $0x2000, $0x38;
	[tilespmem:$0x18000] =	vst v63  }
0x21a: {  	_ =	swait.ge [sflag:s10], $0x1000  }
0x21b: {  	[sflag:s10] =	ssyncset.done $0x0  }
0x21c: {  	[sflag:s10] =	ssyncadd.s32 $0xFFFFF000  }
0x21d: {  	[bflag:$0x0] =	sbarrier.arrive $0xFFFF  }
0x21e: {  	s1 =	rddreg [dreg:$0x13]  }
0x21f: {  	[spmem:s11], [sflag:s6] =	dma.local [hbm:s1], $0x1000  }
0x220: {  	[tilespmem:s13], [sflag:$0x1] =	stream.indirect.gather [spmem:s2], $0x1, s8, s12, $0xb8;
	[tilespmem:$0x18000] =	vst v63  }
0x221: {  	_ = 	snop  }
0x222: {  	[tilespmem:s15], [sflag:$0x2] =	stream.indirect.gather [spmem:s2], $0x1, s14, s12, $0xb8;
	[tilespmem:$0x18000] =	vst v63  }
0x223: {  	s1 =	rddreg [dreg:$0x14]  }
0x224: {  	[tilespmem:s16], [sflag:$0x5] =	stream.linear.gather [hbm4b:s1+s4], $0x2000, $0x38;
	[tilespmem:$0x18000] =	vst v63  }
0x225: {  	_ =	swait.ge [sflag:s9], $0x2000  }
0x226: {  	[sflag:s9] =	ssyncset.done $0x0  }
0x227: {  	[sflag:s9] =	ssyncadd.s32 $0xFFFFE000  }
0x228: {  	_ =	swait.ge [sflag:s22], $0x2000  }
0x229: {  	[sflag:s22] =	ssyncset.done $0x0  }
0x22a: {  	[sflag:s22] =	ssyncadd.s32 $0xFFFFE000  }
0x22b: {  	_ =	swait.ge [sflag:s17], $0x1000  }
0x22c: {  	[sflag:s17] =	ssyncset.done $0x0  }
0x22d: {  	[sflag:s17] =	ssyncadd.s32 $0xFFFFF000  }
0x22e: {  	_ =	swait.ge [sflag:s18], $0x1000  }
0x22f: {  	[sflag:s18] =	ssyncset.done $0x0  }
0x230: {  	s1 =	rddreg [dreg:$0x15];
	[sflag:s18] =	ssyncadd.s32 $0xFFFFF000  }
0x231: {  	[hbm4b:s1+s4] =	stream.linear.scatter [tilespmem:s13], [sflag:$0x3], $0x2000, $0x38;
	[tilespmem:$0x18000] =	vst v63  }
0x232: {  	_ =	swait.ge [sflag:s10], $0x1000  }
0x233: {  	[sflag:s10] =	ssyncset.done $0x0  }
0x234: {  	[sflag:s10] =	ssyncadd.s32 $0xFFFFF000  }
0x235: {  	[bflag:$0x0] =	sbarrier.arrive $0xFFFF  }
0x236: {  	s1 =	rddreg [dreg:$0x16]  }
0x237: {  	[spmem:s7], [sflag:s6] =	dma.local [hbm:s1], $0x1000  }
0x238: {  	[tilespmem:s19], [sflag:$0x1] =	stream.indirect.gather [spmem:s3], $0x1, s16, s12, $0xb8;
	[tilespmem:$0x18000] =	vst v63  }
0x239: {  	_ = 	snop  }
0x23a: {  	[tilespmem:s21], [sflag:$0x2] =	stream.indirect.gather [spmem:s3], $0x1, s20, s12, $0xb8;
	[tilespmem:$0x18000] =	vst v63  }
0x23b: {  	s1 =	rddreg [dreg:$0x17]  }
0x23c: {  	[tilespmem:s8], [sflag:$0x5] =	stream.linear.gather [hbm4b:s1+s4], $0x2000, $0x38;
	[tilespmem:$0x18000] =	vst v63  }
0x23d: {  	_ =	swait.ge [sflag:s9], $0x2000  }
0x23e: {  	[sflag:s9] =	ssyncset.done $0x0  }
0x23f: {  	[sflag:s9] =	ssyncadd.s32 $0xFFFFE000  }
0x240: {  	_ =	swait.ge [sflag:s22], $0x2000  }
0x241: {  	[sflag:s22] =	ssyncset.done $0x0  }
0x242: {  	[sflag:s22] =	ssyncadd.s32 $0xFFFFE000  }
0x243: {  	_ =	swait.ge [sflag:s17], $0x1000  }
0x244: {  	[sflag:s17] =	ssyncset.done $0x0  }
0x245: {  	[sflag:s17] =	ssyncadd.s32 $0xFFFFF000  }
0x246: {  	_ =	swait.ge [sflag:s18], $0x1000  }
0x247: {  	[sflag:s18] =	ssyncset.done $0x0  }
0x248: {  	s1 =	rddreg [dreg:$0x18];
	[sflag:s18] =	ssyncadd.s32 $0xFFFFF000  }
0x249: {  	[hbm4b:s1+s4] =	stream.linear.scatter [tilespmem:s19], [sflag:$0x3], $0x2000, $0x38;
	[tilespmem:$0x18000] =	vst v63  }
0x24a: {  	_ =	swait.ge [sflag:s10], $0x1000  }
0x24b: {  	[sflag:s10] =	ssyncset.done $0x0  }
0x24c: {  	[sflag:s10] =	ssyncadd.s32 $0xFFFFF000  }
0x24d: {  	[bflag:$0x0] =	sbarrier.arrive $0xFFFF  }
0x24e: {  	s1 =	rddreg [dreg:$0x19]  }
0x24f: {  	[spmem:s11], [sflag:s6] =	dma.local [hbm:s1], $0x1000  }
0x250: {  	[tilespmem:s13], [sflag:$0x1] =	stream.indirect.gather [spmem:s2], $0x1, s8, s12, $0xb8;
	[tilespmem:$0x18000] =	vst v63  }
0x251: {  	_ = 	snop  }
0x252: {  	[tilespmem:s15], [sflag:$0x2] =	stream.indirect.gather [spmem:s2], $0x1, s14, s12, $0xb8;
	[tilespmem:$0x18000] =	vst v63  }
0x253: {  	s1 =	rddreg [dreg:$0x1a]  }
0x254: {  	[tilespmem:s16], [sflag:$0x5] =	stream.linear.gather [hbm4b:s1+s4], $0x2000, $0x38;
	[tilespmem:$0x18000] =	vst v63  }
0x255: {  	_ =	swait.ge [sflag:s9], $0x2000  }
0x256: {  	[sflag:s9] =	ssyncset.done $0x0  }
0x257: {  	[sflag:s9] =	ssyncadd.s32 $0xFFFFE000  }
0x258: {  	_ =	swait.ge [sflag:s22], $0x2000  }
0x259: {  	[sflag:s22] =	ssyncset.done $0x0  }
0x25a: {  	[sflag:s22] =	ssyncadd.s32 $0xFFFFE000  }
0x25b: {  	_ =	swait.ge [sflag:s17], $0x1000  }
0x25c: {  	[sflag:s17] =	ssyncset.done $0x0  }
0x25d: {  	[sflag:s17] =	ssyncadd.s32 $0xFFFFF000  }
0x25e: {  	_ =	swait.ge [sflag:s18], $0x1000  }
0x25f: {  	[sflag:s18] =	ssyncset.done $0x0  }
0x260: {  	s1 =	rddreg [dreg:$0x1b];
	[sflag:s18] =	ssyncadd.s32 $0xFFFFF000  }
0x261: {  	[hbm4b:s1+s4] =	stream.linear.scatter [tilespmem:s13], [sflag:$0x3], $0x2000, $0x38;
	[tilespmem:$0x18000] =	vst v63  }
0x262: {  	_ =	swait.ge [sflag:s10], $0x1000  }
0x263: {  	[sflag:s10] =	ssyncset.done $0x0  }
0x264: {  	[sflag:s10] =	ssyncadd.s32 $0xFFFFF000  }
0x265: {  	[bflag:$0x0] =	sbarrier.arrive $0xFFFF  }
0x266: {  	s1 =	rddreg [dreg:$0x1c]  }
0x267: {  	[spmem:s7], [sflag:s6] =	dma.local [hbm:s1], $0x1000  }
0x268: {  	[tilespmem:s19], [sflag:$0x1] =	stream.indirect.gather [spmem:s3], $0x1, s16, s12, $0xb8;
	[tilespmem:$0x18000] =	vst v63  }
0x269: {  	_ = 	snop  }
0x26a: {  	[tilespmem:s21], [sflag:$0x2] =	stream.indirect.gather [spmem:s3], $0x1, s20, s12, $0xb8;
	[tilespmem:$0x18000] =	vst v63  }
0x26b: {  	s1 =	rddreg [dreg:$0x1d]  }
0x26c: {  	[tilespmem:s8], [sflag:$0x5] =	stream.linear.gather [hbm4b:s1+s4], $0x2000, $0x38;
	[tilespmem:$0x18000] =	vst v63  }
0x26d: {  	_ =	swait.ge [sflag:s9], $0x2000  }
0x26e: {  	[sflag:s9] =	ssyncset.done $0x0  }
0x26f: {  	[sflag:s9] =	ssyncadd.s32 $0xFFFFE000  }
0x270: {  	_ =	swait.ge [sflag:s22], $0x2000  }
0x271: {  	[sflag:s22] =	ssyncset.done $0x0  }
0x272: {  	[sflag:s22] =	ssyncadd.s32 $0xFFFFE000  }
0x273: {  	_ =	swait.ge [sflag:s17], $0x1000  }
0x274: {  	[sflag:s17] =	ssyncset.done $0x0  }
0x275: {  	[sflag:s17] =	ssyncadd.s32 $0xFFFFF000  }
0x276: {  	_ =	swait.ge [sflag:s18], $0x1000  }
0x277: {  	[sflag:s18] =	ssyncset.done $0x0  }
0x278: {  	s1 =	rddreg [dreg:$0x1e];
	[sflag:s18] =	ssyncadd.s32 $0xFFFFF000  }
0x279: {  	[hbm4b:s1+s4] =	stream.linear.scatter [tilespmem:s19], [sflag:$0x3], $0x2000, $0x38;
	[tilespmem:$0x18000] =	vst v63  }
0x27a: {  	_ =	swait.ge [sflag:s10], $0x1000  }
0x27b: {  	[sflag:s10] =	ssyncset.done $0x0  }
0x27c: {  	[sflag:s10] =	ssyncadd.s32 $0xFFFFF000  }
0x27d: {  	[bflag:$0x0] =	sbarrier.arrive $0xFFFF  }
0x27e: {  	s1 =	rddreg [dreg:$0x1f]  }
0x27f: {  	[spmem:s11], [sflag:s6] =	dma.local [hbm:s1], $0x1000  }
0x280: {  	[tilespmem:s13], [sflag:$0x1] =	stream.indirect.gather [spmem:s2], $0x1, s8, s12, $0xb8;
	[tilespmem:$0x18000] =	vst v63  }
0x281: {  	s1 =	sld [smem:$0x7F0]  }
0x282: {  	[tilespmem:s15], [sflag:$0x2] =	stream.indirect.gather [spmem:s2], $0x1, s14, s12, $0xb8;
	[tilespmem:$0x18000] =	vst v63  }
0x283: {  	_ = 	snop  }
0x284: {  	[tilespmem:s16], [sflag:$0x5] =	stream.linear.gather [hbm4b:s1+s4], $0x2000, $0x38;
	[tilespmem:$0x18000] =	vst v63  }
0x285: {  	_ =	swait.ge [sflag:s9], $0x2000  }
0x286: {  	[sflag:s9] =	ssyncset.done $0x0  }
0x287: {  	[sflag:s9] =	ssyncadd.s32 $0xFFFFE000  }
0x288: {  	_ =	swait.ge [sflag:s22], $0x2000  }
0x289: {  	[sflag:s22] =	ssyncset.done $0x0  }
0x28a: {  	[sflag:s22] =	ssyncadd.s32 $0xFFFFE000  }
0x28b: {  	_ =	swait.ge [sflag:s17], $0x1000  }
0x28c: {  	[sflag:s17] =	ssyncset.done $0x0  }
0x28d: {  	[sflag:s17] =	ssyncadd.s32 $0xFFFFF000  }
0x28e: {  	_ =	swait.ge [sflag:s18], $0x1000  }
0x28f: {  	s1 =	sld [smem:$0x7F1]  }
0x290: {  	[sflag:s18] =	ssyncset.done $0x0  }
0x291: {  	[sflag:s18] =	ssyncadd.s32 $0xFFFFF000  }
0x292: {  	[hbm4b:s1+s4] =	stream.linear.scatter [tilespmem:s13], [sflag:$0x3], $0x2000, $0x38;
	[tilespmem:$0x18000] =	vst v63  }
0x293: {  	_ =	swait.ge [sflag:s10], $0x1000  }
0x294: {  	[sflag:s10] =	ssyncset.done $0x0  }
0x295: {  	[sflag:s10] =	ssyncadd.s32 $0xFFFFF000  }
0x296: {  	[bflag:$0x0] =	sbarrier.arrive $0xFFFF  }
0x297: {  	s1 =	sld [smem:$0x7F2];
	_ =	sdelay $0x2  }
0x298: {  	[spmem:s7], [sflag:s6] =	dma.local [hbm:s1], $0x1000  }
0x299: {  	[tilespmem:s19], [sflag:$0x1] =	stream.indirect.gather [spmem:s3], $0x1, s16, s12, $0xb8;
	[tilespmem:$0x18000] =	vst v63  }
0x29a: {  	s1 =	sld [smem:$0x7F3]  }
0x29b: {  	[tilespmem:s21], [sflag:$0x2] =	stream.indirect.gather [spmem:s3], $0x1, s20, s12, $0xb8;
	[tilespmem:$0x18000] =	vst v63  }
0x29c: {  	_ = 	snop  }
0x29d: {  	[tilespmem:s8], [sflag:$0x5] =	stream.linear.gather [hbm4b:s1+s4], $0x2000, $0x38;
	[tilespmem:$0x18000] =	vst v63  }
0x29e: {  	_ =	swait.ge [sflag:s9], $0x2000  }
0x29f: {  	[sflag:s9] =	ssyncset.done $0x0  }
0x2a0: {  	[sflag:s9] =	ssyncadd.s32 $0xFFFFE000  }
0x2a1: {  	_ =	swait.ge [sflag:s22], $0x2000  }
0x2a2: {  	[sflag:s22] =	ssyncset.done $0x0  }
0x2a3: {  	[sflag:s22] =	ssyncadd.s32 $0xFFFFE000  }
0x2a4: {  	_ =	swait.ge [sflag:s17], $0x1000  }
0x2a5: {  	[sflag:s17] =	ssyncset.done $0x0  }
0x2a6: {  	[sflag:s17] =	ssyncadd.s32 $0xFFFFF000  }
0x2a7: {  	_ =	swait.ge [sflag:s18], $0x1000  }
0x2a8: {  	s1 =	sld [smem:$0x7F4]  }
0x2a9: {  	[sflag:s18] =	ssyncset.done $0x0  }
0x2aa: {  	[sflag:s18] =	ssyncadd.s32 $0xFFFFF000  }
0x2ab: {  	[hbm4b:s1+s4] =	stream.linear.scatter [tilespmem:s19], [sflag:$0x3], $0x2000, $0x38;
	[tilespmem:$0x18000] =	vst v63  }
0x2ac: {  	_ =	swait.ge [sflag:s10], $0x1000  }
0x2ad: {  	[sflag:s10] =	ssyncset.done $0x0  }
0x2ae: {  	[sflag:s10] =	ssyncadd.s32 $0xFFFFF000  }
0x2af: {  	[bflag:$0x0] =	sbarrier.arrive $0xFFFF  }
0x2b0: {  	s1 =	sld [smem:$0x7F5];
	_ =	sdelay $0x2  }
0x2b1: {  	[spmem:s11], [sflag:s6] =	dma.local [hbm:s1], $0x1000  }
0x2b2: {  	[tilespmem:s13], [sflag:$0x1] =	stream.indirect.gather [spmem:s2], $0x1, s8, s12, $0xb8;
	[tilespmem:$0x18000] =	vst v63  }
0x2b3: {  	s1 =	sld [smem:$0x7F6]  }
0x2b4: {  	[tilespmem:s15], [sflag:$0x2] =	stream.indirect.gather [spmem:s2], $0x1, s14, s12, $0xb8;
	[tilespmem:$0x18000] =	vst v63  }
0x2b5: {  	_ = 	snop  }
0x2b6: {  	[tilespmem:s16], [sflag:$0x5] =	stream.linear.gather [hbm4b:s1+s4], $0x2000, $0x38;
	[tilespmem:$0x18000] =	vst v63  }
0x2b7: {  	_ =	swait.ge [sflag:s9], $0x2000  }
0x2b8: {  	[sflag:s9] =	ssyncset.done $0x0  }
0x2b9: {  	[sflag:s9] =	ssyncadd.s32 $0xFFFFE000  }
0x2ba: {  	_ =	swait.ge [sflag:s22], $0x2000  }
0x2bb: {  	[sflag:s22] =	ssyncset.done $0x0  }
0x2bc: {  	[sflag:s22] =	ssyncadd.s32 $0xFFFFE000  }
0x2bd: {  	_ =	swait.ge [sflag:s17], $0x1000  }
0x2be: {  	[sflag:s17] =	ssyncset.done $0x0  }
0x2bf: {  	[sflag:s17] =	ssyncadd.s32 $0xFFFFF000  }
0x2c0: {  	_ =	swait.ge [sflag:s18], $0x1000  }
0x2c1: {  	s1 =	sld [smem:$0x7F7]  }
0x2c2: {  	[sflag:s18] =	ssyncset.done $0x0  }
0x2c3: {  	[sflag:s18] =	ssyncadd.s32 $0xFFFFF000  }
0x2c4: {  	[hbm4b:s1+s4] =	stream.linear.scatter [tilespmem:s13], [sflag:$0x3], $0x2000, $0x38;
	[tilespmem:$0x18000] =	vst v63  }
0x2c5: {  	_ =	swait.ge [sflag:s10], $0x1000  }
0x2c6: {  	[sflag:s10] =	ssyncset.done $0x0  }
0x2c7: {  	[sflag:s10] =	ssyncadd.s32 $0xFFFFF000  }
0x2c8: {  	[bflag:$0x0] =	sbarrier.arrive $0xFFFF  }
0x2c9: {  	s1 =	sld [smem:$0x7F8];
	_ =	sdelay $0x2  }
0x2ca: {  	[spmem:s7], [sflag:s6] =	dma.local [hbm:s1], $0x1000  }
0x2cb: {  	[tilespmem:s19], [sflag:$0x1] =	stream.indirect.gather [spmem:s3], $0x1, s16, s12, $0xb8;
	[tilespmem:$0x18000] =	vst v63  }
0x2cc: {  	s1 =	sld [smem:$0x7F9]  }
0x2cd: {  	[tilespmem:s21], [sflag:$0x2] =	stream.indirect.gather [spmem:s3], $0x1, s20, s12, $0xb8;
	[tilespmem:$0x18000] =	vst v63  }
0x2ce: {  	_ = 	snop  }
0x2cf: {  	[tilespmem:s8], [sflag:$0x5] =	stream.linear.gather [hbm4b:s1+s4], $0x2000, $0x38;
	[tilespmem:$0x18000] =	vst v63  }
0x2d0: {  	_ =	swait.ge [sflag:s9], $0x2000  }
0x2d1: {  	[sflag:s9] =	ssyncset.done $0x0  }
0x2d2: {  	[sflag:s9] =	ssyncadd.s32 $0xFFFFE000  }
0x2d3: {  	_ =	swait.ge [sflag:s22], $0x2000  }
0x2d4: {  	[sflag:s22] =	ssyncset.done $0x0  }
0x2d5: {  	[sflag:s22] =	ssyncadd.s32 $0xFFFFE000  }
0x2d6: {  	_ =	swait.ge [sflag:s17], $0x1000  }
0x2d7: {  	[sflag:s17] =	ssyncset.done $0x0  }
0x2d8: {  	[sflag:s17] =	ssyncadd.s32 $0xFFFFF000  }
0x2d9: {  	_ =	swait.ge [sflag:s18], $0x1000  }
0x2da: {  	s1 =	sld [smem:$0x7FA]  }
0x2db: {  	[sflag:s18] =	ssyncset.done $0x0  }
0x2dc: {  	[sflag:s18] =	ssyncadd.s32 $0xFFFFF000  }
0x2dd: {  	[hbm4b:s1+s4] =	stream.linear.scatter [tilespmem:s19], [sflag:$0x3], $0x2000, $0x38;
	[tilespmem:$0x18000] =	vst v63  }
0x2de: {  	_ =	swait.ge [sflag:s10], $0x1000  }
0x2df: {  	[sflag:s10] =	ssyncset.done $0x0  }
0x2e0: {  	[sflag:s10] =	ssyncadd.s32 $0xFFFFF000  }
0x2e1: {  	[bflag:$0x0] =	sbarrier.arrive $0xFFFF  }
0x2e2: {  	s1 =	sld [smem:$0x7FB];
	_ =	sdelay $0x2  }
0x2e3: {  	[spmem:s11], [sflag:s6] =	dma.local [hbm:s1], $0x1000  }
0x2e4: {  	[tilespmem:s13], [sflag:$0x1] =	stream.indirect.gather [spmem:s2], $0x1, s8, s12, $0xb8;
	[tilespmem:$0x18000] =	vst v63  }
0x2e5: {  	s1 =	sld [smem:$0x7FC]  }
0x2e6: {  	[tilespmem:s15], [sflag:$0x2] =	stream.indirect.gather [spmem:s2], $0x1, s14, s12, $0xb8;
	[tilespmem:$0x18000] =	vst v63  }
0x2e7: {  	_ = 	snop  }
0x2e8: {  	[tilespmem:s16], [sflag:$0x5] =	stream.linear.gather [hbm4b:s1+s4], $0x2000, $0x38;
	[tilespmem:$0x18000] =	vst v63  }
0x2e9: {  	_ =	swait.ge [sflag:s9], $0x2000  }
0x2ea: {  	[sflag:s9] =	ssyncset.done $0x0  }
0x2eb: {  	[sflag:s9] =	ssyncadd.s32 $0xFFFFE000  }
0x2ec: {  	_ =	swait.ge [sflag:s22], $0x2000  }
0x2ed: {  	[sflag:s22] =	ssyncset.done $0x0  }
0x2ee: {  	[sflag:s22] =	ssyncadd.s32 $0xFFFFE000  }
0x2ef: {  	_ =	swait.ge [sflag:s17], $0x1000  }
0x2f0: {  	[sflag:s17] =	ssyncset.done $0x0  }
0x2f1: {  	[sflag:s17] =	ssyncadd.s32 $0xFFFFF000  }
0x2f2: {  	_ =	swait.ge [sflag:s18], $0x1000  }
0x2f3: {  	[sflag:s18] =	ssyncset.done $0x0  }
0x2f4: {  	[sflag:s18] =	ssyncadd.s32 $0xFFFFF000  }
0x2f5: {  	[hbm4b:s23+s4] =	stream.linear.scatter [tilespmem:s13], [sflag:$0x3], $0x2000, $0x38;
	[tilespmem:$0x18000] =	vst v63  }
0x2f6: {  	_ =	swait.ge [sflag:s10], $0x1000  }
0x2f7: {  	[sflag:s10] =	ssyncset.done $0x0  }
0x2f8: {  	[sflag:s10] =	ssyncadd.s32 $0xFFFFF000  }
0x2f9: {  	[bflag:$0x0] =	sbarrier.arrive $0xFFFF  }
0x2fa: {  	[spmem:s7], [sflag:s6] =	dma.local [hbm:s24], $0x1000  }
0x2fb: {  	[tilespmem:s19], [sflag:$0x1] =	stream.indirect.gather [spmem:s3], $0x1, s16, s12, $0xb8;
	[tilespmem:$0x18000] =	vst v63  }
0x2fc: {  	_ = 	snop  }
0x2fd: {  	[tilespmem:s21], [sflag:$0x2] =	stream.indirect.gather [spmem:s3], $0x1, s20, s12, $0xb8;
	[tilespmem:$0x18000] =	vst v63  }
0x2fe: {  	_ = 	snop  }
0x2ff: {  	[tilespmem:s8], [sflag:$0x5] =	stream.linear.gather [hbm4b:s25+s4], $0x2000, $0x38;
	[tilespmem:$0x18000] =	vst v63  }
0x300: {  	_ =	swait.ge [sflag:s9], $0x2000  }
0x301: {  	[sflag:s9] =	ssyncset.done $0x0  }
0x302: {  	[sflag:s9] =	ssyncadd.s32 $0xFFFFE000  }
0x303: {  	_ =	swait.ge [sflag:s22], $0x2000  }
0x304: {  	[sflag:s22] =	ssyncset.done $0x0  }
0x305: {  	[sflag:s22] =	ssyncadd.s32 $0xFFFFE000  }
0x306: {  	_ =	swait.ge [sflag:s17], $0x1000  }
0x307: {  	[sflag:s17] =	ssyncset.done $0x0  }
0x308: {  	[sflag:s17] =	ssyncadd.s32 $0xFFFFF000  }
0x309: {  	_ =	swait.ge [sflag:s18], $0x1000  }
0x30a: {  	[sflag:s18] =	ssyncset.done $0x0  }
0x30b: {  	[sflag:s18] =	ssyncadd.s32 $0xFFFFF000  }
0x30c: {  	[hbm4b:s26+s4] =	stream.linear.scatter [tilespmem:s19], [sflag:$0x3], $0x2000, $0x38;
	[tilespmem:$0x18000] =	vst v63  }
0x30d: {  	_ =	swait.ge [sflag:s10], $0x1000  }
0x30e: {  	[sflag:s10] =	ssyncset.done $0x0  }
0x30f: {  	[sflag:s10] =	ssyncadd.s32 $0xFFFFF000  }
0x310: {  	[bflag:$0x0] =	sbarrier.arrive $0xFFFF  }
0x311: {  	[spmem:s11], [sflag:s6] =	dma.local [hbm:s28], $0x1000  }
0x312: {  	[tilespmem:s13], [sflag:$0x1] =	stream.indirect.gather [spmem:s2], $0x1, s8, s12, $0xb8;
	[tilespmem:$0x18000] =	vst v63  }
0x313: {  	_ = 	snop  }
0x314: {  	[tilespmem:s15], [sflag:$0x2] =	stream.indirect.gather [spmem:s2], $0x1, s14, s12, $0xb8;
	[tilespmem:$0x18000] =	vst v63  }
0x315: {  	_ = 	snop  }
0x316: {  	[tilespmem:s16], [sflag:$0x5] =	stream.linear.gather [hbm4b:s29+s4], $0x2000, $0x38;
	[tilespmem:$0x18000] =	vst v63  }
0x317: {  	_ =	swait.ge [sflag:s9], $0x2000  }
0x318: {  	[sflag:s9] =	ssyncset.done $0x0  }
0x319: {  	[sflag:s9] =	ssyncadd.s32 $0xFFFFE000  }
0x31a: {  	_ =	swait.ge [sflag:s22], $0x2000  }
0x31b: {  	[sflag:s22] =	ssyncset.done $0x0  }
0x31c: {  	[sflag:s22] =	ssyncadd.s32 $0xFFFFE000  }
0x31d: {  	_ =	swait.ge [sflag:s17], $0x1000  }
0x31e: {  	[sflag:s17] =	ssyncset.done $0x0  }
0x31f: {  	[sflag:s17] =	ssyncadd.s32 $0xFFFFF000  }
0x320: {  	_ =	swait.ge [sflag:s18], $0x1000  }
0x321: {  	[sflag:s18] =	ssyncset.done $0x0  }
0x322: {  	[sflag:s18] =	ssyncadd.s32 $0xFFFFF000  }
0x323: {  	[hbm4b:s30+s4] =	stream.linear.scatter [tilespmem:s13], [sflag:$0x3], $0x2000, $0x38;
	[tilespmem:$0x18000] =	vst v63  }
0x324: {  	_ =	swait.ge [sflag:s10], $0x1000  }
0x325: {  	[sflag:s10] =	ssyncset.done $0x0  }
0x326: {  	[sflag:s10] =	ssyncadd.s32 $0xFFFFF000  }
0x327: {  	[bflag:$0x0] =	sbarrier.arrive $0xFFFF  }
0x328: {  	[tilespmem:s19], [sflag:$0x1] =	stream.indirect.gather [spmem:s3], $0x1, s16, s12, $0xb8;
	[tilespmem:$0x18000] =	vst v63  }
0x329: {  	_ = 	snop  }
0x32a: {  	[tilespmem:s21], [sflag:$0x2] =	stream.indirect.gather [spmem:s3], $0x1, s20, s12, $0xb8;
	[tilespmem:$0x18000] =	vst v63  }
0x32b: {  	_ =	swait.ge [sflag:s17], $0x1000  }
0x32c: {  	[sflag:s17] =	ssyncset.done $0x0  }
0x32d: {  	[sflag:s17] =	ssyncadd.s32 $0xFFFFF000  }
0x32e: {  	_ =	swait.ge [sflag:s18], $0x1000  }
0x32f: {  	[sflag:s18] =	ssyncset.done $0x0  }
0x330: {  	p0 =	sne.s32 s0, $0x1;
	[sflag:s18] =	ssyncadd.s32 $0xFFFFF000  }
0x331: {  	[hbm4b:s31+s4] =	stream.linear.scatter [tilespmem:s19], [sflag:$0x3], $0x2000, $0x38;
	[tilespmem:$0x18000] =	vst v63  }
.Ltmp1:
0x332: {  	_ =	swait.ge [sflag:s22], $0x2000;
	(pc) =	sbr.rel @p0 .LBB2_1-.Ltmp1, $4  }
0x333: {  	[sflag:s22] =	ssyncset.done $0x0  }
0x334: {  	[sflag:s22] =	ssyncadd.s32 $0xFFFFE000  }
0x335: {  	_ =	swait.ge [sflag:s22], $0x2000  }
0x336: {  	s0 =	sadd.s32 $0xFFFFFFFF, s0;
	[sflag:s22] =	ssyncset.done $0x0  }
.LBB2_2:
0x337: {  	[sflag:s22] =	ssyncadd.s32 $0xFFFFE000  }
0x338: {  	_ =	sfence.sel $0x180000  }
0x339: {  	[bflag:$0x0] =	sbarrier.arrive $0xFFFF  }
0x33a: {  	_ =	strace $0x90000047  }
0x33b: {  	s0 =	stileid.u32;
	[bflag:$0x2] =	sbarrier.arrive $0xFFFF  }
0x33c: {  	p0 =	sne.s32 s0, $0x0;
	s0 =	rddreg [dreg:$0x5]  }
0x33d: {  	s0 =	sadd.s32 @!p0 $0x100000, s0  }
0x33e: {  	[sflag:s0] =	ssyncadd.tile.s32 @!p0 $0x1;
	_ =	shalt  }
.Lfunc_end2:
_tile_overlayer_lowered:
.L_overlay_start_2:
0x33f: {  	(tag) =	ssettag $0x2  }
0x340: {  	s0 =	rddreg [dreg:$0x0];
	s2 =	stileid.u32  }
0x341: {  	s1 =	rddreg [dreg:$0x1];
	p0 =	sne.s32 s2, $0x0  }
0x342: {  	s3 =	rddreg [dreg:$0x2];
	[bflag:$0x3] =	sbarrier.arrive $0xFFFF;
	s2 =	simm.s32 @!p0 $0x1C05  }
0x343: {  	[timem:s3], [sflag:s2] =	dma.local @!p0 [hbm:s0], s1  }
0x344: {  	s0 =	simm.s32 @!p0 $0x5  }
0x345: {  	_ =	swait.ge @!p0 [sflag:s0], s1  }
0x346: {  	s1 =	ssub.s32 @!p0 $0x0, s1;
	[sflag:s0] =	ssyncset.done @!p0 $0x0  }
0x347: {  	[sflag:s0] =	ssyncadd.s32 @!p0 s1  }
0x348: {  	[bflag:$0x3] =	sbarrier.arrive $0xFFFF  }
0x349: {  	_ =	shalt  }

</sc_bundles>
